<compile_context>
chip_gen: v7x
topology: tpu7x:2x2x1
jax: 0.10.2.dev20260603
libtpu: 0.0.44.dev20260713+nightly
codegen_flags: <defaults>
</compile_context>

<pallas_src>
import jax
import jax.numpy as jnp
from jax import lax
from jax.experimental import pallas as pl
from jax.experimental.pallas import tpu as pltpu
from jax.experimental.pallas import tpu_sc as plsc

N1 = 32768
N2 = 8192
F = 256
NSEG = 4
QSEG = N1 // NSEG
PSEG = N2 // NSEG
QBLK = 1024

NC = 2
NS = 16
NW = NC * NS
CG = 8
CPS = F // CG
CQ = 256
NCHR = QSEG // CQ


def _mxu_t(x):
    return x.T


def _dense_body(x_ref, w_ref, s_ref, b_ref, o_ref):
    y = jnp.dot(x_ref[...].astype(jnp.bfloat16),
                w_ref[...].astype(jnp.bfloat16),
                preferred_element_type=jnp.float32)
    o_ref[...] = jnp.maximum(y * s_ref[...] + b_ref[...], 0.0)


def _dense_t_body(x_ref, w_ref, s_ref, b_ref, o_ref):
    y = jnp.dot(x_ref[...].astype(jnp.bfloat16),
                w_ref[...].astype(jnp.bfloat16),
                preferred_element_type=jnp.float32)
    o_ref[...] = _mxu_t(jnp.maximum(y * s_ref[...] + b_ref[...], 0.0))


def _dense_relu(x, w, s, b, transpose_out=False):
    n, cin = x.shape
    blk = 512
    if transpose_out:
        body = _dense_t_body
        out_spec = pl.BlockSpec((F, blk), lambda i: (0, i))
        out_shape = jax.ShapeDtypeStruct((F, n), jnp.float32)
    else:
        body = _dense_body
        out_spec = pl.BlockSpec((blk, F), lambda i: (i, 0))
        out_shape = jax.ShapeDtypeStruct((n, F), jnp.float32)
    return pl.pallas_call(
        body,
        grid=(n // blk,),
        in_specs=[
            pl.BlockSpec((blk, cin), lambda i: (i, 0)),
            pl.BlockSpec((cin, F), lambda i: (0, 0)),
            pl.BlockSpec((1, F), lambda i: (0, 0)),
            pl.BlockSpec((1, F), lambda i: (0, 0)),
        ],
        out_specs=out_spec,
        out_shape=out_shape,
    )(x, w, s.reshape(1, F), b.reshape(1, F))


def _knn_body(q_ref, pt_ref, iw_ref):
    q = q_ref[...]
    pt = pt_ref[...]
    dot = lax.dot_general(q.astype(jnp.bfloat16), pt.astype(jnp.bfloat16),
                          (((1,), (0,)), ((), ())),
                          preferred_element_type=jnp.float32)
    qq = jnp.sum(q * q, axis=1, keepdims=True)
    pp = jnp.sum(pt * pt, axis=0, keepdims=True)
    d = qq + pp - 2.0 * dot
    iotaf = lax.broadcasted_iota(jnp.int32, d.shape, 1).astype(jnp.float32)
    big = jnp.float32(3.0e38)
    bigi = jnp.float32(PSEG)
    m1 = jnp.min(d, axis=1, keepdims=True)
    am1 = jnp.min(jnp.where(d == m1, iotaf, bigi), axis=1, keepdims=True)
    e1 = iotaf == am1
    m2 = jnp.min(jnp.where(e1, big, d), axis=1, keepdims=True)
    am2 = jnp.min(jnp.where((d == m2) & ~e1, iotaf, bigi),
                  axis=1, keepdims=True)
    e12 = e1 | (iotaf == am2)
    m3 = jnp.min(jnp.where(e12, big, d), axis=1, keepdims=True)
    am3 = jnp.min(jnp.where((d == m3) & ~e12, iotaf, bigi),
                  axis=1, keepdims=True)
    dist = jnp.concatenate([m1, m2, m3], axis=1)
    rec = 1.0 / (dist + 1e-8)
    wts = rec / jnp.sum(rec, axis=1, keepdims=True)
    x = jnp.concatenate(
        [am1, am2, am3, wts,
         jnp.zeros((QBLK, 2), jnp.float32)], axis=1)
    iw_ref[...] = _mxu_t(x)


def _knn(q_pad, pt_pad):
    nblk = N1 // QBLK
    return pl.pallas_call(
        _knn_body,
        grid=(nblk,),
        in_specs=[
            pl.BlockSpec((QBLK, 8), lambda i: (i, 0)),
            pl.BlockSpec((8, PSEG), lambda i: (0, i // (QSEG // QBLK))),
        ],
        out_specs=pl.BlockSpec((8, QBLK), lambda i: (0, i)),
        out_shape=jax.ShapeDtypeStruct((8, N1), jnp.float32),
    )(q_pad, pt_pad)


def _sc_interp_body(iw_hbm, f2t_hbm, out_hbm,
                    table_v, iw_v0, iw_v1, acc_v0, acc_v1, isem0, isem1):
    wid = lax.axis_index("s") * NC + lax.axis_index("c")
    seg = wid // CG
    cg = wid % CG
    qseg0 = seg * QSEG
    pltpu.sync_copy(
        f2t_hbm.at[pl.ds(cg * CPS, CPS), pl.ds(seg * PSEG, PSEG)], table_v)
    isems = (isem0, isem1)
    iw_bufs = (iw_v0, iw_v1)
    acc_bufs = (acc_v0, acc_v1)

    def start(ci, slot):
        q0 = qseg0 + ci * CQ
        pltpu.async_copy(iw_hbm.at[:, pl.ds(q0, CQ)], iw_bufs[slot],
                         isems[slot])

    def wait(ci, slot):
        q0 = qseg0 + ci * CQ
        pltpu.make_async_copy(iw_hbm.at[:, pl.ds(q0, CQ)], iw_bufs[slot],
                              isems[slot]).wait()

    def compute(ci, slot):
        iwb = iw_bufs[slot]
        accb = acc_bufs[slot]

        def g_body(g, _):
            base = g * 16
            sl = pl.ds(base, 16)
            i0 = iwb[0, sl].astype(jnp.int32)
            i1 = iwb[1, sl].astype(jnp.int32)
            i2 = iwb[2, sl].astype(jnp.int32)
            w0 = iwb[3, sl]
            w1 = iwb[4, sl]
            w2 = iwb[5, sl]
            for c in range(CPS):
                cc = jnp.full((16,), c, jnp.int32)
                v = w0 * plsc.load_gather(table_v, [cc, i0])
                v = v + w1 * plsc.load_gather(table_v, [cc, i1])
                v = v + w2 * plsc.load_gather(table_v, [cc, i2])
                accb[c, sl] = v
            return 0

        lax.fori_loop(0, CQ // 16, g_body, 0)
        pltpu.sync_copy(
            accb,
            out_hbm.at[pl.ds(cg * CPS, CPS), pl.ds(qseg0 + ci * CQ, CQ)])

    start(0, 0)

    def pair_body(cp, _):
        e = 2 * cp
        start(e + 1, 1)
        wait(e, 0)
        compute(e, 0)
        nxt = lax.rem(e + 2, NCHR)
        start(nxt, 0)
        wait(e + 1, 1)
        compute(e + 1, 1)
        return 0

    lax.fori_loop(0, NCHR // 2, pair_body, 0)
    wait(0, 0)


def _sc_interp(iw, f2t):
    mesh = plsc.VectorSubcoreMesh(core_axis_name="c", subcore_axis_name="s")
    return pl.kernel(
        _sc_interp_body,
        out_type=jax.ShapeDtypeStruct((F, N1), jnp.float32),
        mesh=mesh,
        compiler_params=pltpu.CompilerParams(needs_layout_passes=False),
        scratch_types=[
            pltpu.VMEM((CPS, PSEG), jnp.float32),
            pltpu.VMEM((8, CQ), jnp.float32),
            pltpu.VMEM((8, CQ), jnp.float32),
            pltpu.VMEM((CPS, CQ), jnp.float32),
            pltpu.VMEM((CPS, CQ), jnp.float32),
            pltpu.SemaphoreType.DMA,
            pltpu.SemaphoreType.DMA,
        ],
    )(iw, f2t)


def _fuse_body(f1_ref, it_ref, o_ref):
    o_ref[...] = f1_ref[...] + _mxu_t(it_ref[...])


def _fuse(f1, interp_t):
    blk = 256
    return pl.pallas_call(
        _fuse_body,
        grid=(N1 // blk,),
        in_specs=[
            pl.BlockSpec((blk, F), lambda i: (i, 0)),
            pl.BlockSpec((F, blk), lambda i: (0, i)),
        ],
        out_specs=pl.BlockSpec((blk, F), lambda i: (i, 0)),
        out_shape=jax.ShapeDtypeStruct((N1, F), jnp.float32),
    )(f1, interp_t)


def kernel(point_1, feat_1, point_2, feat_2, row_splits_1, row_splits_2,
           W1, b1, g1, be1, m1, v1, W2, b2, g2, be2, m2, v2):
    s1 = g1 / jnp.sqrt(v1 + 1e-5)
    b1f = (b1 - m1) * s1 + be1
    s2 = g2 / jnp.sqrt(v2 + 1e-5)
    b2f = (b2 - m2) * s2 + be2

    f1 = _dense_relu(feat_1, W1, s1, b1f)
    f2t = _dense_relu(feat_2, W2, s2, b2f, transpose_out=True)

    q_pad = jnp.pad(point_1, ((0, 0), (0, 5)))
    pt_pad = jnp.pad(point_2, ((0, 0), (0, 5))).T
    iw = _knn(q_pad, pt_pad)

    interp_t = _sc_interp(iw, f2t)
    return _fuse(f1, interp_t)

# --- scband reference (transcript-rebuilt; emitter-appended) ---
"""Pipeline reference for scband-transition-up-74440373174613 (READ-ONLY COPY).

The authoritative reference and input builder live on the scoring server;
editing this copy changes nothing except your own understanding.
"""

import jax, jax.numpy as jnp
import numpy as np

IN_PLANES = 512
OUT_PLANES = 256
N1 = 32768
N2 = 8192
K = 3


def _dense_bn_relu(x, W, b, gamma, beta, mean, var):
    y = jnp.dot(x, W) + b
    y = gamma * (y - mean) / jnp.sqrt(var + 1e-05) + beta
    return jax.nn.relu(y)


def _interpolation(points, queries, feat, points_row_splits, queries_row_splits, k=K):
    num_segs = points_row_splits.shape[0] - 1
    p_seg = points.shape[0] // num_segs
    q_seg = queries.shape[0] // num_segs
    outs = []
    for i in range(num_segs):
        p = jax.lax.dynamic_slice_in_dim(points, points_row_splits[i], p_seg, axis=0)
        q = jax.lax.dynamic_slice_in_dim(queries, queries_row_splits[i], q_seg, axis=0)
        d2 = (jnp.sum(q * q, axis=1)[:, None] + jnp.sum(p * p, axis=1)[None, :]
              - 2.0 * jnp.dot(q, p.T))
        neg_d, idx = jax.lax.top_k(-d2, k)
        dist = -neg_d
        idx = idx + points_row_splits[i]
        dist_recip = 1.0 / (dist + 1e-08)
        norm = jnp.sum(dist_recip, axis=1, keepdims=True)
        weight = dist_recip / norm
        nf = jnp.zeros((q.shape[0], feat.shape[1]), feat.dtype)
        for j in range(k):
            nf = nf + jnp.take(feat, idx[:, j], axis=0) * weight[:, j:j + 1]
        outs.append(nf)
    return jnp.concatenate(outs, axis=0)


def setup_inputs(seed: int = 0):
    key = jax.random.key(seed)
    ks = jax.random.split(key, 8)
    point_1 = jax.random.normal(ks[0], (N1, 3), jnp.float32)
    feat_1 = jax.random.normal(ks[1], (N1, OUT_PLANES), jnp.float32)
    point_2 = jax.random.normal(ks[2], (N2, 3), jnp.float32)
    feat_2 = jax.random.normal(ks[3], (N2, IN_PLANES), jnp.float32)
    row_splits_1 = jnp.array([0, 8192, 16384, 24576, 32768], jnp.int32)
    row_splits_2 = jnp.array([0, 2048, 4096, 6144, 8192], jnp.int32)
    W1 = jax.random.normal(ks[4], (OUT_PLANES, OUT_PLANES), jnp.float32) / np.sqrt(OUT_PLANES)
    b1 = jnp.zeros((OUT_PLANES,), jnp.float32)
    g1 = jnp.ones((OUT_PLANES,), jnp.float32)
    be1 = jnp.zeros((OUT_PLANES,), jnp.float32)
    m1 = jnp.zeros((OUT_PLANES,), jnp.float32)
    v1 = jnp.ones((OUT_PLANES,), jnp.float32)
    W2 = jax.random.normal(ks[5], (IN_PLANES, OUT_PLANES), jnp.float32) / np.sqrt(IN_PLANES)
    b2 = jnp.zeros((OUT_PLANES,), jnp.float32)
    g2 = jnp.ones((OUT_PLANES,), jnp.float32)
    be2 = jnp.zeros((OUT_PLANES,), jnp.float32)
    m2 = jnp.zeros((OUT_PLANES,), jnp.float32)
    v2 = jnp.ones((OUT_PLANES,), jnp.float32)
    return {"point_1": point_1, "feat_1": feat_1, "point_2": point_2, "feat_2": feat_2,
            "row_splits_1": row_splits_1, "row_splits_2": row_splits_2,
            "W1": W1, "b1": b1, "g1": g1, "be1": be1, "m1": m1, "v1": v1,
            "W2": W2, "b2": b2, "g2": g2, "be2": be2, "m2": m2, "v2": v2}


def reference(point_1, feat_1, point_2, feat_2, row_splits_1, row_splits_2,
              W1, b1, g1, be1, m1, v1, W2, b2, g2, be2, m2, v2):
    f1 = _dense_bn_relu(feat_1, W1, b1, g1, be1, m1, v1)
    f2 = _dense_bn_relu(feat_2, W2, b2, g2, be2, m2, v2)
    interp = _interpolation(point_2, point_1, f2, row_splits_2, row_splits_1)
    return f1 + interp

if __name__ == "__main__":
    import jax
    _d = setup_inputs()
    print(jax.jit(kernel)(*tuple(_d.values())))

</pallas_src>

<mosaic_0001>
#map = affine_map<(d0, d1) -> (0, 0)>
module attributes {stable_mosaic.version = 14 : i64} {
  func.func @_sc_interp_body(%arg0: i32, %arg1: i32, %arg2: memref<8x32768xf32, #tpu.memory_space<hbm>>, %arg3: memref<256x8192xf32, #tpu.memory_space<hbm>>, %arg4: memref<256x32768xf32, #tpu.memory_space<hbm>>, %arg5: memref<32x2048xf32, #tpu.memory_space<vmem>>, %arg6: memref<8x256xf32, #tpu.memory_space<vmem>>, %arg7: memref<8x256xf32, #tpu.memory_space<vmem>>, %arg8: memref<32x256xf32, #tpu.memory_space<vmem>>, %arg9: memref<32x256xf32, #tpu.memory_space<vmem>>, %arg10: memref<!tpu.dma_semaphore, #tpu.memory_space<semaphore_mem>>, %arg11: memref<!tpu.dma_semaphore, #tpu.memory_space<semaphore_mem>>) attributes {dimension_semantics = [#tpu.dimension_semantics<core_parallel>, #tpu.dimension_semantics<subcore_parallel>], iteration_bounds = array<i64: 2, 16>, scalar_prefetch = 0 : i64, scratch_operands = 7 : i64, tpu.core_type = #tpu.core_type<sc_vector_subcore>, window_params = [{transform_indices = #map}, {transform_indices = #map}, {transform_indices = #map}]} {
    %mul3A = arith.constant 2 : i32
    %mul3A_0 = arith.muli %arg1, %mul3A : i32
    %add3A = arith.addi %mul3A_0, %arg0 : i32
    %jit3A = arith.constant 8 : i32
    %div3A = arith.divsi %add3A, %jit3A : i32
    %sign3A = arith.constant 0 : i32
    %sign3A_1 = arith.cmpi sgt, %add3A, %sign3A : i32
    %sign3A_2 = arith.extui %sign3A_1 : i1 to i32
    %sign3A_3 = arith.constant 0 : i32
    %sign3A_4 = arith.cmpi slt, %add3A, %sign3A_3 : i32
    %sign3A_5 = arith.extui %sign3A_4 : i1 to i32
    %sign3A_6 = arith.subi %sign3A_2, %sign3A_5 : i32
    %sign3A_7 = arith.constant 0 : i32
    %sign3A_8 = arith.cmpi sgt, %jit3A, %sign3A_7 : i32
    %sign3A_9 = arith.extui %sign3A_8 : i1 to i32
    %sign3A_10 = arith.constant 0 : i32
    %sign3A_11 = arith.cmpi slt, %jit3A, %sign3A_10 : i32
    %sign3A_12 = arith.extui %sign3A_11 : i1 to i32
    %sign3A_13 = arith.subi %sign3A_9, %sign3A_12 : i32
    %ne3A = arith.cmpi ne, %sign3A_6, %sign3A_13 : i32
    %rem3A = arith.remsi %add3A, %jit3A : i32
    %ne3A_14 = arith.constant 0 : i32
    %ne3A_15 = arith.cmpi ne, %rem3A, %ne3A_14 : i32
    %and3A = arith.andi %ne3A, %ne3A_15 : i1
    %sub3A = arith.constant 1 : i32
    %sub3A_16 = arith.subi %div3A, %sub3A : i32
    %select_n3A = arith.select %and3A, %sub3A_16, %div3A : i32
    %jit3A_17 = arith.constant 8 : i32
    %eq3A = arith.constant 0 : i32
    %eq3A_18 = arith.cmpi eq, %jit3A_17, %eq3A : i32
    %jit3A_19 = arith.constant 1 : i32
    %select_n3A_20 = arith.select %eq3A_18, %jit3A_19, %jit3A_17 : i32
    %rem3A_21 = arith.remsi %add3A, %select_n3A_20 : i32
    %ne3A_22 = arith.constant 0 : i32
    %ne3A_23 = arith.cmpi ne, %rem3A_21, %ne3A_22 : i32
    %lt3A = arith.constant 0 : i32
    %lt3A_24 = arith.cmpi slt, %rem3A_21, %lt3A : i32
    %lt3A_25 = arith.constant 0 : i32
    %lt3A_26 = arith.cmpi slt, %select_n3A_20, %lt3A_25 : i32
    %ne3A_27 = arith.xori %lt3A_24, %lt3A_26 : i1
    %and3A_28 = arith.andi %ne3A_27, %ne3A_23 : i1
    %add3A_29 = arith.addi %rem3A_21, %select_n3A_20 : i32
    %select_n3A_30 = arith.select %and3A_28, %add3A_29, %rem3A_21 : i32
    %mul3A_31 = arith.constant 8192 : i32
    %mul3A_32 = arith.muli %select_n3A, %mul3A_31 : i32
    %mul3A_33 = arith.constant 32 : i32
    %mul3A_34 = arith.muli %select_n3A_30, %mul3A_33 : i32
    %mul3A_35 = arith.constant 2048 : i32
    %mul3A_36 = arith.muli %select_n3A, %mul3A_35 : i32
    "tpu.region"() ({
      %run_scoped3A = tpu.sem_alloc : memref<!tpu.dma_semaphore, #tpu.memory_space<semaphore_mem>>
      %dma_start3A_53 = tpu.memref_slice %arg3[%mul3A_34, %mul3A_36] : memref<256x8192xf32, #tpu.memory_space<hbm>> -> memref<32x2048xf32, #tpu.memory_space<hbm>>
      %dma_start3A_54 = tpu.memref_slice %arg3[%mul3A_34, %mul3A_36] : memref<256x8192xf32, #tpu.memory_space<hbm>> -> memref<32x2048xf32, #tpu.memory_space<hbm>>
      tpu.enqueue_dma source(%dma_start3A_54 : memref<32x2048xf32, #tpu.memory_space<hbm>>) target(%arg5 : memref<32x2048xf32, #tpu.memory_space<vmem>>) target_semaphore(%run_scoped3A : memref<!tpu.dma_semaphore, #tpu.memory_space<semaphore_mem>>)
      %dma_wait3A_55 = tpu.memref_slice %arg3[%mul3A_34, %mul3A_36] : memref<256x8192xf32, #tpu.memory_space<hbm>> -> memref<32x2048xf32, #tpu.memory_space<hbm>>
      %dma_wait3A_56 = tpu.memref_slice %arg3[%mul3A_34, %mul3A_36] : memref<256x8192xf32, #tpu.memory_space<hbm>> -> memref<32x2048xf32, #tpu.memory_space<hbm>>
      tpu.wait_dma2 semaphore(%run_scoped3A : memref<!tpu.dma_semaphore, #tpu.memory_space<semaphore_mem>>) src(%dma_wait3A_56 : memref<32x2048xf32, #tpu.memory_space<hbm>>) dst(%arg5 : memref<32x2048xf32, #tpu.memory_space<vmem>>)
      tpu.yield
    }) : () -> ()
    %add3A_37 = arith.constant 0 : i32
    %add3A_38 = arith.addi %mul3A_32, %add3A_37 : i32
    %dma_start3A = arith.constant 0 : i32
    %dma_start3A_39 = tpu.memref_slice %arg2[%dma_start3A, %add3A_38] : memref<8x32768xf32, #tpu.memory_space<hbm>> -> memref<8x256xf32, #tpu.memory_space<hbm>>
    %dma_start3A_40 = arith.constant 0 : i32
    %dma_start3A_41 = tpu.memref_slice %arg2[%dma_start3A_40, %add3A_38] : memref<8x32768xf32, #tpu.memory_space<hbm>> -> memref<8x256xf32, #tpu.memory_space<hbm>>
    tpu.enqueue_dma source(%dma_start3A_41 : memref<8x256xf32, #tpu.memory_space<hbm>>) target(%arg6 : memref<8x256xf32, #tpu.memory_space<vmem>>) target_semaphore(%arg10 : memref<!tpu.dma_semaphore, #tpu.memory_space<semaphore_mem>>)
    %scan3A = arith.constant 0 : i32
    %scan3A_42 = arith.constant 0 : i32
    %scan3A_43 = arith.constant 16 : i32
    %scan3A_44 = arith.addi %scan3A_42, %scan3A_43 : i32
    %scan3A_45 = arith.constant 1 : i32
    %scan3A_46 = scf.for %scan3A_53 = %scan3A_42 to %scan3A_44 step %scan3A_45 iter_args(%scan3A_54 = %scan3A) -> (i32)  : i32 {
      %mul3A_55 = arith.constant 2 : i32
      %mul3A_56 = arith.muli %mul3A_55, %scan3A_53 : i32
      %add3A_57 = arith.constant 1 : i32
      %add3A_58 = arith.addi %mul3A_56, %add3A_57 : i32
      %mul3A_59 = arith.constant 256 : i32
      %mul3A_60 = arith.muli %add3A_58, %mul3A_59 : i32
      %add3A_61 = arith.addi %mul3A_32, %mul3A_60 : i32
      %dma_start3A_62 = arith.constant 0 : i32
      %dma_start3A_63 = tpu.memref_slice %arg2[%dma_start3A_62, %add3A_61] : memref<8x32768xf32, #tpu.memory_space<hbm>> -> memref<8x256xf32, #tpu.memory_space<hbm>>
      %dma_start3A_64 = arith.constant 0 : i32
      %dma_start3A_65 = tpu.memref_slice %arg2[%dma_start3A_64, %add3A_61] : memref<8x32768xf32, #tpu.memory_space<hbm>> -> memref<8x256xf32, #tpu.memory_space<hbm>>
      tpu.enqueue_dma source(%dma_start3A_65 : memref<8x256xf32, #tpu.memory_space<hbm>>) target(%arg7 : memref<8x256xf32, #tpu.memory_space<vmem>>) target_semaphore(%arg11 : memref<!tpu.dma_semaphore, #tpu.memory_space<semaphore_mem>>)
      %mul3A_66 = arith.constant 256 : i32
      %mul3A_67 = arith.muli %mul3A_56, %mul3A_66 : i32
      %add3A_68 = arith.addi %mul3A_32, %mul3A_67 : i32
      %dma_wait3A_69 = arith.constant 0 : i32
      %dma_wait3A_70 = tpu.memref_slice %arg2[%dma_wait3A_69, %add3A_68] : memref<8x32768xf32, #tpu.memory_space<hbm>> -> memref<8x256xf32, #tpu.memory_space<hbm>>
      %dma_wait3A_71 = arith.constant 0 : i32
      %dma_wait3A_72 = tpu.memref_slice %arg2[%dma_wait3A_71, %add3A_68] : memref<8x32768xf32, #tpu.memory_space<hbm>> -> memref<8x256xf32, #tpu.memory_space<hbm>>
      tpu.wait_dma2 semaphore(%arg10 : memref<!tpu.dma_semaphore, #tpu.memory_space<semaphore_mem>>) src(%dma_wait3A_72 : memref<8x256xf32, #tpu.memory_space<hbm>>) dst(%arg6 : memref<8x256xf32, #tpu.memory_space<vmem>>)
      %scan3A_73 = arith.constant 0 : i32
      %scan3A_74 = arith.constant 0 : i32
      %scan3A_75 = arith.constant 16 : i32
      %scan3A_76 = arith.addi %scan3A_74, %scan3A_75 : i32
      %scan3A_77 = arith.constant 1 : i32
      %scan3A_78 = scf.for %scan3A_120 = %scan3A_74 to %scan3A_76 step %scan3A_77 iter_args(%scan3A_121 = %scan3A_73) -> (i32)  : i32 {
        %mul3A_122 = arith.constant 16 : i32
        %mul3A_123 = arith.muli %scan3A_120, %mul3A_122 : i32
        %get3A = arith.constant 0 : i32
        %get3A_124 = arith.index_cast %get3A : i32 to index
        %get3A_125 = arith.index_cast %mul3A_123 : i32 to index
        %get3A_126 = tpu.vector_load %arg6[%get3A_124, %get3A_125] {strides = array<i32>} : memref<8x256xf32, #tpu.memory_space<vmem>>, vector<16xf32>,
        %convert_element_type3A = arith.fptosi %get3A_126 : vector<16xf32> to vector<16xi32>
        %get3A_127 = arith.constant 1 : i32
        %get3A_128 = arith.index_cast %get3A_127 : i32 to index
        %get3A_129 = arith.index_cast %mul3A_123 : i32 to index
        %get3A_130 = tpu.vector_load %arg6[%get3A_128, %get3A_129] {strides = array<i32>} : memref<8x256xf32, #tpu.memory_space<vmem>>, vector<16xf32>,
        %convert_element_type3A_131 = arith.fptosi %get3A_130 : vector<16xf32> to vector<16xi32>
        %get3A_132 = arith.constant 2 : i32
        %get3A_133 = arith.index_cast %get3A_132 : i32 to index
        %get3A_134 = arith.index_cast %mul3A_123 : i32 to index
        %get3A_135 = tpu.vector_load %arg6[%get3A_133, %get3A_134] {strides = array<i32>} : memref<8x256xf32, #tpu.memory_space<vmem>>, vector<16xf32>,
        %convert_element_type3A_136 = arith.fptosi %get3A_135 : vector<16xf32> to vector<16xi32>
        %get3A_137 = arith.constant 3 : i32
        %get3A_138 = arith.index_cast %get3A_137 : i32 to index
        %get3A_139 = arith.index_cast %mul3A_123 : i32 to index
        %get3A_140 = tpu.vector_load %arg6[%get3A_138, %get3A_139] {strides = array<i32>} : memref<8x256xf32, #tpu.memory_space<vmem>>, vector<16xf32>,
        %get3A_141 = arith.constant 4 : i32
        %get3A_142 = arith.index_cast %get3A_141 : i32 to index
        %get3A_143 = arith.index_cast %mul3A_123 : i32 to index
        %get3A_144 = tpu.vector_load %arg6[%get3A_142, %get3A_143] {strides = array<i32>} : memref<8x256xf32, #tpu.memory_space<vmem>>, vector<16xf32>,
        %get3A_145 = arith.constant 5 : i32
        %get3A_146 = arith.index_cast %get3A_145 : i32 to index
        %get3A_147 = arith.index_cast %mul3A_123 : i32 to index
        %get3A_148 = tpu.vector_load %arg6[%get3A_146, %get3A_147] {strides = array<i32>} : memref<8x256xf32, #tpu.memory_space<vmem>>, vector<16xf32>,
        %broadcast_in_dim3A = arith.constant 0 : i32
        %broadcast_in_dim3A_149 = vector.broadcast %broadcast_in_dim3A : i32 to vector<16xi32>
        %gather3A = tpu.vector_load_idx %arg5[%broadcast_in_dim3A_149, %convert_element_type3A] : memref<32x2048xf32, #tpu.memory_space<vmem>>[vector<16xi32>, vector<16xi32>], vector<16xf32>,
        %mul3A_150 = arith.mulf %get3A_140, %gather3A : vector<16xf32>
        %gather3A_151 = tpu.vector_load_idx %arg5[%broadcast_in_dim3A_149, %convert_element_type3A_131] : memref<32x2048xf32, #tpu.memory_space<vmem>>[vector<16xi32>, vector<16xi32>], vector<16xf32>,
        %mul3A_152 = arith.mulf %get3A_144, %gather3A_151 : vector<16xf32>
        %add3A_153 = arith.addf %mul3A_150, %mul3A_152 : vector<16xf32>
        %gather3A_154 = tpu.vector_load_idx %arg5[%broadcast_in_dim3A_149, %convert_element_type3A_136] : memref<32x2048xf32, #tpu.memory_space<vmem>>[vector<16xi32>, vector<16xi32>], vector<16xf32>,
        %mul3A_155 = arith.mulf %get3A_148, %gather3A_154 : vector<16xf32>
        %add3A_156 = arith.addf %add3A_153, %mul3A_155 : vector<16xf32>
        %swap3A = arith.constant 0 : i32
        %swap3A_157 = arith.index_cast %swap3A : i32 to index
        %swap3A_158 = arith.index_cast %mul3A_123 : i32 to index
        %swap3A_159 = tpu.vector_load %arg8[%swap3A_157, %swap3A_158] {strides = array<i32>} : memref<32x256xf32, #tpu.memory_space<vmem>>, vector<16xf32>,
        tpu.vector_store %arg8[%swap3A_157, %swap3A_158], %add3A_156 {strides = array<i32>} : memref<32x256xf32, #tpu.memory_space<vmem>>, vector<16xf32>,
        %broadcast_in_dim3A_160 = arith.constant 1 : i32
        %broadcast_in_dim3A_161 = vector.broadcast %broadcast_in_dim3A_160 : i32 to vector<16xi32>
        %gather3A_162 = tpu.vector_load_idx %arg5[%broadcast_in_dim3A_161, %convert_element_type3A] : memref<32x2048xf32, #tpu.memory_space<vmem>>[vector<16xi32>, vector<16xi32>], vector<16xf32>,
        %mul3A_163 = arith.mulf %get3A_140, %gather3A_162 : vector<16xf32>
        %gather3A_164 = tpu.vector_load_idx %arg5[%broadcast_in_dim3A_161, %convert_element_type3A_131] : memref<32x2048xf32, #tpu.memory_space<vmem>>[vector<16xi32>, vector<16xi32>], vector<16xf32>,
        %mul3A_165 = arith.mulf %get3A_144, %gather3A_164 : vector<16xf32>
        %add3A_166 = arith.addf %mul3A_163, %mul3A_165 : vector<16xf32>
        %gather3A_167 = tpu.vector_load_idx %arg5[%broadcast_in_dim3A_161, %convert_element_type3A_136] : memref<32x2048xf32, #tpu.memory_space<vmem>>[vector<16xi32>, vector<16xi32>], vector<16xf32>,
        %mul3A_168 = arith.mulf %get3A_148, %gather3A_167 : vector<16xf32>
        %add3A_169 = arith.addf %add3A_166, %mul3A_168 : vector<16xf32>
        %swap3A_170 = arith.constant 1 : i32
        %swap3A_171 = arith.index_cast %swap3A_170 : i32 to index
        %swap3A_172 = arith.index_cast %mul3A_123 : i32 to index
        %swap3A_173 = tpu.vector_load %arg8[%swap3A_171, %swap3A_172] {strides = array<i32>} : memref<32x256xf32, #tpu.memory_space<vmem>>, vector<16xf32>,
        tpu.vector_store %arg8[%swap3A_171, %swap3A_172], %add3A_169 {strides = array<i32>} : memref<32x256xf32, #tpu.memory_space<vmem>>, vector<16xf32>,
        %broadcast_in_dim3A_174 = arith.constant 2 : i32
        %broadcast_in_dim3A_175 = vector.broadcast %broadcast_in_dim3A_174 : i32 to vector<16xi32>
        %gather3A_176 = tpu.vector_load_idx %arg5[%broadcast_in_dim3A_175, %convert_element_type3A] : memref<32x2048xf32, #tpu.memory_space<vmem>>[vector<16xi32>, vector<16xi32>], vector<16xf32>,
        %mul3A_177 = arith.mulf %get3A_140, %gather3A_176 : vector<16xf32>
        %gather3A_178 = tpu.vector_load_idx %arg5[%broadcast_in_dim3A_175, %convert_element_type3A_131] : memref<32x2048xf32, #tpu.memory_space<vmem>>[vector<16xi32>, vector<16xi32>], vector<16xf32>,
        %mul3A_179 = arith.mulf %get3A_144, %gather3A_178 : vector<16xf32>
        %add3A_180 = arith.addf %mul3A_177, %mul3A_179 : vector<16xf32>
        %gather3A_181 = tpu.vector_load_idx %arg5[%broadcast_in_dim3A_175, %convert_element_type3A_136] : memref<32x2048xf32, #tpu.memory_space<vmem>>[vector<16xi32>, vector<16xi32>], vector<16xf32>,
        %mul3A_182 = arith.mulf %get3A_148, %gather3A_181 : vector<16xf32>
        %add3A_183 = arith.addf %add3A_180, %mul3A_182 : vector<16xf32>
        %swap3A_184 = arith.constant 2 : i32
        %swap3A_185 = arith.index_cast %swap3A_184 : i32 to index
        %swap3A_186 = arith.index_cast %mul3A_123 : i32 to index
        %swap3A_187 = tpu.vector_load %arg8[%swap3A_185, %swap3A_186] {strides = array<i32>} : memref<32x256xf32, #tpu.memory_space<vmem>>, vector<16xf32>,
        tpu.vector_store %arg8[%swap3A_185, %swap3A_186], %add3A_183 {strides = array<i32>} : memref<32x256xf32, #tpu.memory_space<vmem>>, vector<16xf32>,
        %broadcast_in_dim3A_188 = arith.constant 3 : i32
        %broadcast_in_dim3A_189 = vector.broadcast %broadcast_in_dim3A_188 : i32 to vector<16xi32>
        %gather3A_190 = tpu.vector_load_idx %arg5[%broadcast_in_dim3A_189, %convert_element_type3A] : memref<32x2048xf32, #tpu.memory_space<vmem>>[vector<16xi32>, vector<16xi32>], vector<16xf32>,
        %mul3A_191 = arith.mulf %get3A_140, %gather3A_190 : vector<16xf32>
        %gather3A_192 = tpu.vector_load_idx %arg5[%broadcast_in_dim3A_189, %convert_element_type3A_131] : memref<32x2048xf32, #tpu.memory_space<vmem>>[vector<16xi32>, vector<16xi32>], vector<16xf32>,
        %mul3A_193 = arith.mulf %get3A_144, %gather3A_192 : vector<16xf32>
        %add3A_194 = arith.addf %mul3A_191, %mul3A_193 : vector<16xf32>
        %gather3A_195 = tpu.vector_load_idx %arg5[%broadcast_in_dim3A_189, %convert_element_type3A_136] : memref<32x2048xf32, #tpu.memory_space<vmem>>[vector<16xi32>, vector<16xi32>], vector<16xf32>,
        %mul3A_196 = arith.mulf %get3A_148, %gather3A_195 : vector<16xf32>
        %add3A_197 = arith.addf %add3A_194, %mul3A_196 : vector<16xf32>
        %swap3A_198 = arith.constant 3 : i32
        %swap3A_199 = arith.index_cast %swap3A_198 : i32 to index
        %swap3A_200 = arith.index_cast %mul3A_123 : i32 to index
        %swap3A_201 = tpu.vector_load %arg8[%swap3A_199, %swap3A_200] {strides = array<i32>} : memref<32x256xf32, #tpu.memory_space<vmem>>, vector<16xf32>,
        tpu.vector_store %arg8[%swap3A_199, %swap3A_200], %add3A_197 {strides = array<i32>} : memref<32x256xf32, #tpu.memory_space<vmem>>, vector<16xf32>,
        %broadcast_in_dim3A_202 = arith.constant 4 : i32
        %broadcast_in_dim3A_203 = vector.broadcast %broadcast_in_dim3A_202 : i32 to vector<16xi32>
        %gather3A_204 = tpu.vector_load_idx %arg5[%broadcast_in_dim3A_203, %convert_element_type3A] : memref<32x2048xf32, #tpu.memory_space<vmem>>[vector<16xi32>, vector<16xi32>], vector<16xf32>,
        %mul3A_205 = arith.mulf %get3A_140, %gather3A_204 : vector<16xf32>
        %gather3A_206 = tpu.vector_load_idx %arg5[%broadcast_in_dim3A_203, %convert_element_type3A_131] : memref<32x2048xf32, #tpu.memory_space<vmem>>[vector<16xi32>, vector<16xi32>], vector<16xf32>,
        %mul3A_207 = arith.mulf %get3A_144, %gather3A_206 : vector<16xf32>
        %add3A_208 = arith.addf %mul3A_205, %mul3A_207 : vector<16xf32>
        %gather3A_209 = tpu.vector_load_idx %arg5[%broadcast_in_dim3A_203, %convert_element_type3A_136] : memref<32x2048xf32, #tpu.memory_space<vmem>>[vector<16xi32>, vector<16xi32>], vector<16xf32>,
        %mul3A_210 = arith.mulf %get3A_148, %gather3A_209 : vector<16xf32>
        %add3A_211 = arith.addf %add3A_208, %mul3A_210 : vector<16xf32>
        %swap3A_212 = arith.constant 4 : i32
        %swap3A_213 = arith.index_cast %swap3A_212 : i32 to index
        %swap3A_214 = arith.index_cast %mul3A_123 : i32 to index
        %swap3A_215 = tpu.vector_load %arg8[%swap3A_213, %swap3A_214] {strides = array<i32>} : memref<32x256xf32, #tpu.memory_space<vmem>>, vector<16xf32>,
        tpu.vector_store %arg8[%swap3A_213, %swap3A_214], %add3A_211 {strides = array<i32>} : memref<32x256xf32, #tpu.memory_space<vmem>>, vector<16xf32>,
        %broadcast_in_dim3A_216 = arith.constant 5 : i32
        %broadcast_in_dim3A_217 = vector.broadcast %broadcast_in_dim3A_216 : i32 to vector<16xi32>
        %gather3A_218 = tpu.vector_load_idx %arg5[%broadcast_in_dim3A_217, %convert_element_type3A] : memref<32x2048xf32, #tpu.memory_space<vmem>>[vector<16xi32>, vector<16xi32>], vector<16xf32>,
        %mul3A_219 = arith.mulf %get3A_140, %gather3A_218 : vector<16xf32>
        %gather3A_220 = tpu.vector_load_idx %arg5[%broadcast_in_dim3A_217, %convert_element_type3A_131] : memref<32x2048xf32, #tpu.memory_space<vmem>>[vector<16xi32>, vector<16xi32>], vector<16xf32>,
        %mul3A_221 = arith.mulf %get3A_144, %gather3A_220 : vector<16xf32>
        %add3A_222 = arith.addf %mul3A_219, %mul3A_221 : vector<16xf32>
        %gather3A_223 = tpu.vector_load_idx %arg5[%broadcast_in_dim3A_217, %convert_element_type3A_136] : memref<32x2048xf32, #tpu.memory_space<vmem>>[vector<16xi32>, vector<16xi32>], vector<16xf32>,
        %mul3A_224 = arith.mulf %get3A_148, %gather3A_223 : vector<16xf32>
        %add3A_225 = arith.addf %add3A_222, %mul3A_224 : vector<16xf32>
        %swap3A_226 = arith.constant 5 : i32
        %swap3A_227 = arith.index_cast %swap3A_226 : i32 to index
        %swap3A_228 = arith.index_cast %mul3A_123 : i32 to index
        %swap3A_229 = tpu.vector_load %arg8[%swap3A_227, %swap3A_228] {strides = array<i32>} : memref<32x256xf32, #tpu.memory_space<vmem>>, vector<16xf32>,
        tpu.vector_store %arg8[%swap3A_227, %swap3A_228], %add3A_225 {strides = array<i32>} : memref<32x256xf32, #tpu.memory_space<vmem>>, vector<16xf32>,
        %broadcast_in_dim3A_230 = arith.constant 6 : i32
        %broadcast_in_dim3A_231 = vector.broadcast %broadcast_in_dim3A_230 : i32 to vector<16xi32>
        %gather3A_232 = tpu.vector_load_idx %arg5[%broadcast_in_dim3A_231, %convert_element_type3A] : memref<32x2048xf32, #tpu.memory_space<vmem>>[vector<16xi32>, vector<16xi32>], vector<16xf32>,
        %mul3A_233 = arith.mulf %get3A_140, %gather3A_232 : vector<16xf32>
        %gather3A_234 = tpu.vector_load_idx %arg5[%broadcast_in_dim3A_231, %convert_element_type3A_131] : memref<32x2048xf32, #tpu.memory_space<vmem>>[vector<16xi32>, vector<16xi32>], vector<16xf32>,
        %mul3A_235 = arith.mulf %get3A_144, %gather3A_234 : vector<16xf32>
        %add3A_236 = arith.addf %mul3A_233, %mul3A_235 : vector<16xf32>
        %gather3A_237 = tpu.vector_load_idx %arg5[%broadcast_in_dim3A_231, %convert_element_type3A_136] : memref<32x2048xf32, #tpu.memory_space<vmem>>[vector<16xi32>, vector<16xi32>], vector<16xf32>,
        %mul3A_238 = arith.mulf %get3A_148, %gather3A_237 : vector<16xf32>
        %add3A_239 = arith.addf %add3A_236, %mul3A_238 : vector<16xf32>
        %swap3A_240 = arith.constant 6 : i32
        %swap3A_241 = arith.index_cast %swap3A_240 : i32 to index
        %swap3A_242 = arith.index_cast %mul3A_123 : i32 to index
        %swap3A_243 = tpu.vector_load %arg8[%swap3A_241, %swap3A_242] {strides = array<i32>} : memref<32x256xf32, #tpu.memory_space<vmem>>, vector<16xf32>,
        tpu.vector_store %arg8[%swap3A_241, %swap3A_242], %add3A_239 {strides = array<i32>} : memref<32x256xf32, #tpu.memory_space<vmem>>, vector<16xf32>,
        %broadcast_in_dim3A_244 = arith.constant 7 : i32
        %broadcast_in_dim3A_245 = vector.broadcast %broadcast_in_dim3A_244 : i32 to vector<16xi32>
        %gather3A_246 = tpu.vector_load_idx %arg5[%broadcast_in_dim3A_245, %convert_element_type3A] : memref<32x2048xf32, #tpu.memory_space<vmem>>[vector<16xi32>, vector<16xi32>], vector<16xf32>,
        %mul3A_247 = arith.mulf %get3A_140, %gather3A_246 : vector<16xf32>
        %gather3A_248 = tpu.vector_load_idx %arg5[%broadcast_in_dim3A_245, %convert_element_type3A_131] : memref<32x2048xf32, #tpu.memory_space<vmem>>[vector<16xi32>, vector<16xi32>], vector<16xf32>,
        %mul3A_249 = arith.mulf %get3A_144, %gather3A_248 : vector<16xf32>
        %add3A_250 = arith.addf %mul3A_247, %mul3A_249 : vector<16xf32>
        %gather3A_251 = tpu.vector_load_idx %arg5[%broadcast_in_dim3A_245, %convert_element_type3A_136] : memref<32x2048xf32, #tpu.memory_space<vmem>>[vector<16xi32>, vector<16xi32>], vector<16xf32>,
        %mul3A_252 = arith.mulf %get3A_148, %gather3A_251 : vector<16xf32>
        %add3A_253 = arith.addf %add3A_250, %mul3A_252 : vector<16xf32>
        %swap3A_254 = arith.constant 7 : i32
        %swap3A_255 = arith.index_cast %swap3A_254 : i32 to index
        %swap3A_256 = arith.index_cast %mul3A_123 : i32 to index
        %swap3A_257 = tpu.vector_load %arg8[%swap3A_255, %swap3A_256] {strides = array<i32>} : memref<32x256xf32, #tpu.memory_space<vmem>>, vector<16xf32>,
        tpu.vector_store %arg8[%swap3A_255, %swap3A_256], %add3A_253 {strides = array<i32>} : memref<32x256xf32, #tpu.memory_space<vmem>>, vector<16xf32>,
        %broadcast_in_dim3A_258 = arith.constant 8 : i32
        %broadcast_in_dim3A_259 = vector.broadcast %broadcast_in_dim3A_258 : i32 to vector<16xi32>
        %gather3A_260 = tpu.vector_load_idx %arg5[%broadcast_in_dim3A_259, %convert_element_type3A] : memref<32x2048xf32, #tpu.memory_space<vmem>>[vector<16xi32>, vector<16xi32>], vector<16xf32>,
        %mul3A_261 = arith.mulf %get3A_140, %gather3A_260 : vector<16xf32>
        %gather3A_262 = tpu.vector_load_idx %arg5[%broadcast_in_dim3A_259, %convert_element_type3A_131] : memref<32x2048xf32, #tpu.memory_space<vmem>>[vector<16xi32>, vector<16xi32>], vector<16xf32>,
        %mul3A_263 = arith.mulf %get3A_144, %gather3A_262 : vector<16xf32>
        %add3A_264 = arith.addf %mul3A_261, %mul3A_263 : vector<16xf32>
        %gather3A_265 = tpu.vector_load_idx %arg5[%broadcast_in_dim3A_259, %convert_element_type3A_136] : memref<32x2048xf32, #tpu.memory_space<vmem>>[vector<16xi32>, vector<16xi32>], vector<16xf32>,
        %mul3A_266 = arith.mulf %get3A_148, %gather3A_265 : vector<16xf32>
        %add3A_267 = arith.addf %add3A_264, %mul3A_266 : vector<16xf32>
        %swap3A_268 = arith.constant 8 : i32
        %swap3A_269 = arith.index_cast %swap3A_268 : i32 to index
        %swap3A_270 = arith.index_cast %mul3A_123 : i32 to index
        %swap3A_271 = tpu.vector_load %arg8[%swap3A_269, %swap3A_270] {strides = array<i32>} : memref<32x256xf32, #tpu.memory_space<vmem>>, vector<16xf32>,
        tpu.vector_store %arg8[%swap3A_269, %swap3A_270], %add3A_267 {strides = array<i32>} : memref<32x256xf32, #tpu.memory_space<vmem>>, vector<16xf32>,
        %broadcast_in_dim3A_272 = arith.constant 9 : i32
        %broadcast_in_dim3A_273 = vector.broadcast %broadcast_in_dim3A_272 : i32 to vector<16xi32>
        %gather3A_274 = tpu.vector_load_idx %arg5[%broadcast_in_dim3A_273, %convert_element_type3A] : memref<32x2048xf32, #tpu.memory_space<vmem>>[vector<16xi32>, vector<16xi32>], vector<16xf32>,
        %mul3A_275 = arith.mulf %get3A_140, %gather3A_274 : vector<16xf32>
        %gather3A_276 = tpu.vector_load_idx %arg5[%broadcast_in_dim3A_273, %convert_element_type3A_131] : memref<32x2048xf32, #tpu.memory_space<vmem>>[vector<16xi32>, vector<16xi32>], vector<16xf32>,
        %mul3A_277 = arith.mulf %get3A_144, %gather3A_276 : vector<16xf32>
        %add3A_278 = arith.addf %mul3A_275, %mul3A_277 : vector<16xf32>
        %gather3A_279 = tpu.vector_load_idx %arg5[%broadcast_in_dim3A_273, %convert_element_type3A_136] : memref<32x2048xf32, #tpu.memory_space<vmem>>[vector<16xi32>, vector<16xi32>], vector<16xf32>,
        %mul3A_280 = arith.mulf %get3A_148, %gather3A_279 : vector<16xf32>
        %add3A_281 = arith.addf %add3A_278, %mul3A_280 : vector<16xf32>
        %swap3A_282 = arith.constant 9 : i32
        %swap3A_283 = arith.index_cast %swap3A_282 : i32 to index
        %swap3A_284 = arith.index_cast %mul3A_123 : i32 to index
        %swap3A_285 = tpu.vector_load %arg8[%swap3A_283, %swap3A_284] {strides = array<i32>} : memref<32x256xf32, #tpu.memory_space<vmem>>, vector<16xf32>,
        tpu.vector_store %arg8[%swap3A_283, %swap3A_284], %add3A_281 {strides = array<i32>} : memref<32x256xf32, #tpu.memory_space<vmem>>, vector<16xf32>,
        %broadcast_in_dim3A_286 = arith.constant 10 : i32
        %broadcast_in_dim3A_287 = vector.broadcast %broadcast_in_dim3A_286 : i32 to vector<16xi32>
        %gather3A_288 = tpu.vector_load_idx %arg5[%broadcast_in_dim3A_287, %convert_element_type3A] : memref<32x2048xf32, #tpu.memory_space<vmem>>[vector<16xi32>, vector<16xi32>], vector<16xf32>,
        %mul3A_289 = arith.mulf %get3A_140, %gather3A_288 : vector<16xf32>
        %gather3A_290 = tpu.vector_load_idx %arg5[%broadcast_in_dim3A_287, %convert_element_type3A_131] : memref<32x2048xf32, #tpu.memory_space<vmem>>[vector<16xi32>, vector<16xi32>], vector<16xf32>,
        %mul3A_291 = arith.mulf %get3A_144, %gather3A_290 : vector<16xf32>
        %add3A_292 = arith.addf %mul3A_289, %mul3A_291 : vector<16xf32>
        %gather3A_293 = tpu.vector_load_idx %arg5[%broadcast_in_dim3A_287, %convert_element_type3A_136] : memref<32x2048xf32, #tpu.memory_space<vmem>>[vector<16xi32>, vector<16xi32>], vector<16xf32>,
        %mul3A_294 = arith.mulf %get3A_148, %gather3A_293 : vector<16xf32>
        %add3A_295 = arith.addf %add3A_292, %mul3A_294 : vector<16xf32>
        %swap3A_296 = arith.constant 10 : i32
        %swap3A_297 = arith.index_cast %swap3A_296 : i32 to index
        %swap3A_298 = arith.index_cast %mul3A_123 : i32 to index
        %swap3A_299 = tpu.vector_load %arg8[%swap3A_297, %swap3A_298] {strides = array<i32>} : memref<32x256xf32, #tpu.memory_space<vmem>>, vector<16xf32>,
        tpu.vector_store %arg8[%swap3A_297, %swap3A_298], %add3A_295 {strides = array<i32>} : memref<32x256xf32, #tpu.memory_space<vmem>>, vector<16xf32>,
        %broadcast_in_dim3A_300 = arith.constant 11 : i32
        %broadcast_in_dim3A_301 = vector.broadcast %broadcast_in_dim3A_300 : i32 to vector<16xi32>
        %gather3A_302 = tpu.vector_load_idx %arg5[%broadcast_in_dim3A_301, %convert_element_type3A] : memref<32x2048xf32, #tpu.memory_space<vmem>>[vector<16xi32>, vector<16xi32>], vector<16xf32>,
        %mul3A_303 = arith.mulf %get3A_140, %gather3A_302 : vector<16xf32>
        %gather3A_304 = tpu.vector_load_idx %arg5[%broadcast_in_dim3A_301, %convert_element_type3A_131] : memref<32x2048xf32, #tpu.memory_space<vmem>>[vector<16xi32>, vector<16xi32>], vector<16xf32>,
        %mul3A_305 = arith.mulf %get3A_144, %gather3A_304 : vector<16xf32>
        %add3A_306 = arith.addf %mul3A_303, %mul3A_305 : vector<16xf32>
        %gather3A_307 = tpu.vector_load_idx %arg5[%broadcast_in_dim3A_301, %convert_element_type3A_136] : memref<32x2048xf32, #tpu.memory_space<vmem>>[vector<16xi32>, vector<16xi32>], vector<16xf32>,
        %mul3A_308 = arith.mulf %get3A_148, %gather3A_307 : vector<16xf32>
        %add3A_309 = arith.addf %add3A_306, %mul3A_308 : vector<16xf32>
        %swap3A_310 = arith.constant 11 : i32
        %swap3A_311 = arith.index_cast %swap3A_310 : i32 to index
        %swap3A_312 = arith.index_cast %mul3A_123 : i32 to index
        %swap3A_313 = tpu.vector_load %arg8[%swap3A_311, %swap3A_312] {strides = array<i32>} : memref<32x256xf32, #tpu.memory_space<vmem>>, vector<16xf32>,
        tpu.vector_store %arg8[%swap3A_311, %swap3A_312], %add3A_309 {strides = array<i32>} : memref<32x256xf32, #tpu.memory_space<vmem>>, vector<16xf32>,
        %broadcast_in_dim3A_314 = arith.constant 12 : i32
        %broadcast_in_dim3A_315 = vector.broadcast %broadcast_in_dim3A_314 : i32 to vector<16xi32>
        %gather3A_316 = tpu.vector_load_idx %arg5[%broadcast_in_dim3A_315, %convert_element_type3A] : memref<32x2048xf32, #tpu.memory_space<vmem>>[vector<16xi32>, vector<16xi32>], vector<16xf32>,
        %mul3A_317 = arith.mulf %get3A_140, %gather3A_316 : vector<16xf32>
        %gather3A_318 = tpu.vector_load_idx %arg5[%broadcast_in_dim3A_315, %convert_element_type3A_131] : memref<32x2048xf32, #tpu.memory_space<vmem>>[vector<16xi32>, vector<16xi32>], vector<16xf32>,
        %mul3A_319 = arith.mulf %get3A_144, %gather3A_318 : vector<16xf32>
        %add3A_320 = arith.addf %mul3A_317, %mul3A_319 : vector<16xf32>
        %gather3A_321 = tpu.vector_load_idx %arg5[%broadcast_in_dim3A_315, %convert_element_type3A_136] : memref<32x2048xf32, #tpu.memory_space<vmem>>[vector<16xi32>, vector<16xi32>], vector<16xf32>,
        %mul3A_322 = arith.mulf %get3A_148, %gather3A_321 : vector<16xf32>
        %add3A_323 = arith.addf %add3A_320, %mul3A_322 : vector<16xf32>
        %swap3A_324 = arith.constant 12 : i32
        %swap3A_325 = arith.index_cast %swap3A_324 : i32 to index
        %swap3A_326 = arith.index_cast %mul3A_123 : i32 to index
        %swap3A_327 = tpu.vector_load %arg8[%swap3A_325, %swap3A_326] {strides = array<i32>} : memref<32x256xf32, #tpu.memory_space<vmem>>, vector<16xf32>,
        tpu.vector_store %arg8[%swap3A_325, %swap3A_326], %add3A_323 {strides = array<i32>} : memref<32x256xf32, #tpu.memory_space<vmem>>, vector<16xf32>,
        %broadcast_in_dim3A_328 = arith.constant 13 : i32
        %broadcast_in_dim3A_329 = vector.broadcast %broadcast_in_dim3A_328 : i32 to vector<16xi32>
        %gather3A_330 = tpu.vector_load_idx %arg5[%broadcast_in_dim3A_329, %convert_element_type3A] : memref<32x2048xf32, #tpu.memory_space<vmem>>[vector<16xi32>, vector<16xi32>], vector<16xf32>,
        %mul3A_331 = arith.mulf %get3A_140, %gather3A_330 : vector<16xf32>
        %gather3A_332 = tpu.vector_load_idx %arg5[%broadcast_in_dim3A_329, %convert_element_type3A_131] : memref<32x2048xf32, #tpu.memory_space<vmem>>[vector<16xi32>, vector<16xi32>], vector<16xf32>,
        %mul3A_333 = arith.mulf %get3A_144, %gather3A_332 : vector<16xf32>
        %add3A_334 = arith.addf %mul3A_331, %mul3A_333 : vector<16xf32>
        %gather3A_335 = tpu.vector_load_idx %arg5[%broadcast_in_dim3A_329, %convert_element_type3A_136] : memref<32x2048xf32, #tpu.memory_space<vmem>>[vector<16xi32>, vector<16xi32>], vector<16xf32>,
        %mul3A_336 = arith.mulf %get3A_148, %gather3A_335 : vector<16xf32>
        %add3A_337 = arith.addf %add3A_334, %mul3A_336 : vector<16xf32>
        %swap3A_338 = arith.constant 13 : i32
        %swap3A_339 = arith.index_cast %swap3A_338 : i32 to index
        %swap3A_340 = arith.index_cast %mul3A_123 : i32 to index
        %swap3A_341 = tpu.vector_load %arg8[%swap3A_339, %swap3A_340] {strides = array<i32>} : memref<32x256xf32, #tpu.memory_space<vmem>>, vector<16xf32>,
        tpu.vector_store %arg8[%swap3A_339, %swap3A_340], %add3A_337 {strides = array<i32>} : memref<32x256xf32, #tpu.memory_space<vmem>>, vector<16xf32>,
        %broadcast_in_dim3A_342 = arith.constant 14 : i32
        %broadcast_in_dim3A_343 = vector.broadcast %broadcast_in_dim3A_342 : i32 to vector<16xi32>
        %gather3A_344 = tpu.vector_load_idx %arg5[%broadcast_in_dim3A_343, %convert_element_type3A] : memref<32x2048xf32, #tpu.memory_space<vmem>>[vector<16xi32>, vector<16xi32>], vector<16xf32>,
        %mul3A_345 = arith.mulf %get3A_140, %gather3A_344 : vector<16xf32>
        %gather3A_346 = tpu.vector_load_idx %arg5[%broadcast_in_dim3A_343, %convert_element_type3A_131] : memref<32x2048xf32, #tpu.memory_space<vmem>>[vector<16xi32>, vector<16xi32>], vector<16xf32>,
        %mul3A_347 = arith.mulf %get3A_144, %gather3A_346 : vector<16xf32>
        %add3A_348 = arith.addf %mul3A_345, %mul3A_347 : vector<16xf32>
        %gather3A_349 = tpu.vector_load_idx %arg5[%broadcast_in_dim3A_343, %convert_element_type3A_136] : memref<32x2048xf32, #tpu.memory_space<vmem>>[vector<16xi32>, vector<16xi32>], vector<16xf32>,
        %mul3A_350 = arith.mulf %get3A_148, %gather3A_349 : vector<16xf32>
        %add3A_351 = arith.addf %add3A_348, %mul3A_350 : vector<16xf32>
        %swap3A_352 = arith.constant 14 : i32
        %swap3A_353 = arith.index_cast %swap3A_352 : i32 to index
        %swap3A_354 = arith.index_cast %mul3A_123 : i32 to index
        %swap3A_355 = tpu.vector_load %arg8[%swap3A_353, %swap3A_354] {strides = array<i32>} : memref<32x256xf32, #tpu.memory_space<vmem>>, vector<16xf32>,
        tpu.vector_store %arg8[%swap3A_353, %swap3A_354], %add3A_351 {strides = array<i32>} : memref<32x256xf32, #tpu.memory_space<vmem>>, vector<16xf32>,
        %broadcast_in_dim3A_356 = arith.constant 15 : i32
        %broadcast_in_dim3A_357 = vector.broadcast %broadcast_in_dim3A_356 : i32 to vector<16xi32>
        %gather3A_358 = tpu.vector_load_idx %arg5[%broadcast_in_dim3A_357, %convert_element_type3A] : memref<32x2048xf32, #tpu.memory_space<vmem>>[vector<16xi32>, vector<16xi32>], vector<16xf32>,
        %mul3A_359 = arith.mulf %get3A_140, %gather3A_358 : vector<16xf32>
        %gather3A_360 = tpu.vector_load_idx %arg5[%broadcast_in_dim3A_357, %convert_element_type3A_131] : memref<32x2048xf32, #tpu.memory_space<vmem>>[vector<16xi32>, vector<16xi32>], vector<16xf32>,
        %mul3A_361 = arith.mulf %get3A_144, %gather3A_360 : vector<16xf32>
        %add3A_362 = arith.addf %mul3A_359, %mul3A_361 : vector<16xf32>
        %gather3A_363 = tpu.vector_load_idx %arg5[%broadcast_in_dim3A_357, %convert_element_type3A_136] : memref<32x2048xf32, #tpu.memory_space<vmem>>[vector<16xi32>, vector<16xi32>], vector<16xf32>,
        %mul3A_364 = arith.mulf %get3A_148, %gather3A_363 : vector<16xf32>
        %add3A_365 = arith.addf %add3A_362, %mul3A_364 : vector<16xf32>
        %swap3A_366 = arith.constant 15 : i32
        %swap3A_367 = arith.index_cast %swap3A_366 : i32 to index
        %swap3A_368 = arith.index_cast %mul3A_123 : i32 to index
        %swap3A_369 = tpu.vector_load %arg8[%swap3A_367, %swap3A_368] {strides = array<i32>} : memref<32x256xf32, #tpu.memory_space<vmem>>, vector<16xf32>,
        tpu.vector_store %arg8[%swap3A_367, %swap3A_368], %add3A_365 {strides = array<i32>} : memref<32x256xf32, #tpu.memory_space<vmem>>, vector<16xf32>,
        %broadcast_in_dim3A_370 = arith.constant 16 : i32
        %broadcast_in_dim3A_371 = vector.broadcast %broadcast_in_dim3A_370 : i32 to vector<16xi32>
        %gather3A_372 = tpu.vector_load_idx %arg5[%broadcast_in_dim3A_371, %convert_element_type3A] : memref<32x2048xf32, #tpu.memory_space<vmem>>[vector<16xi32>, vector<16xi32>], vector<16xf32>,
        %mul3A_373 = arith.mulf %get3A_140, %gather3A_372 : vector<16xf32>
        %gather3A_374 = tpu.vector_load_idx %arg5[%broadcast_in_dim3A_371, %convert_element_type3A_131] : memref<32x2048xf32, #tpu.memory_space<vmem>>[vector<16xi32>, vector<16xi32>], vector<16xf32>,
        %mul3A_375 = arith.mulf %get3A_144, %gather3A_374 : vector<16xf32>
        %add3A_376 = arith.addf %mul3A_373, %mul3A_375 : vector<16xf32>
        %gather3A_377 = tpu.vector_load_idx %arg5[%broadcast_in_dim3A_371, %convert_element_type3A_136] : memref<32x2048xf32, #tpu.memory_space<vmem>>[vector<16xi32>, vector<16xi32>], vector<16xf32>,
        %mul3A_378 = arith.mulf %get3A_148, %gather3A_377 : vector<16xf32>
        %add3A_379 = arith.addf %add3A_376, %mul3A_378 : vector<16xf32>
        %swap3A_380 = arith.constant 16 : i32
        %swap3A_381 = arith.index_cast %swap3A_380 : i32 to index
        %swap3A_382 = arith.index_cast %mul3A_123 : i32 to index
        %swap3A_383 = tpu.vector_load %arg8[%swap3A_381, %swap3A_382] {strides = array<i32>} : memref<32x256xf32, #tpu.memory_space<vmem>>, vector<16xf32>,
        tpu.vector_store %arg8[%swap3A_381, %swap3A_382], %add3A_379 {strides = array<i32>} : memref<32x256xf32, #tpu.memory_space<vmem>>, vector<16xf32>,
        %broadcast_in_dim3A_384 = arith.constant 17 : i32
        %broadcast_in_dim3A_385 = vector.broadcast %broadcast_in_dim3A_384 : i32 to vector<16xi32>
        %gather3A_386 = tpu.vector_load_idx %arg5[%broadcast_in_dim3A_385, %convert_element_type3A] : memref<32x2048xf32, #tpu.memory_space<vmem>>[vector<16xi32>, vector<16xi32>], vector<16xf32>,
        %mul3A_387 = arith.mulf %get3A_140, %gather3A_386 : vector<16xf32>
        %gather3A_388 = tpu.vector_load_idx %arg5[%broadcast_in_dim3A_385, %convert_element_type3A_131] : memref<32x2048xf32, #tpu.memory_space<vmem>>[vector<16xi32>, vector<16xi32>], vector<16xf32>,
        %mul3A_389 = arith.mulf %get3A_144, %gather3A_388 : vector<16xf32>
        %add3A_390 = arith.addf %mul3A_387, %mul3A_389 : vector<16xf32>
        %gather3A_391 = tpu.vector_load_idx %arg5[%broadcast_in_dim3A_385, %convert_element_type3A_136] : memref<32x2048xf32, #tpu.memory_space<vmem>>[vector<16xi32>, vector<16xi32>], vector<16xf32>,
        %mul3A_392 = arith.mulf %get3A_148, %gather3A_391 : vector<16xf32>
        %add3A_393 = arith.addf %add3A_390, %mul3A_392 : vector<16xf32>
        %swap3A_394 = arith.constant 17 : i32
        %swap3A_395 = arith.index_cast %swap3A_394 : i32 to index
        %swap3A_396 = arith.index_cast %mul3A_123 : i32 to index
        %swap3A_397 = tpu.vector_load %arg8[%swap3A_395, %swap3A_396] {strides = array<i32>} : memref<32x256xf32, #tpu.memory_space<vmem>>, vector<16xf32>,
        tpu.vector_store %arg8[%swap3A_395, %swap3A_396], %add3A_393 {strides = array<i32>} : memref<32x256xf32, #tpu.memory_space<vmem>>, vector<16xf32>,
        %broadcast_in_dim3A_398 = arith.constant 18 : i32
        %broadcast_in_dim3A_399 = vector.broadcast %broadcast_in_dim3A_398 : i32 to vector<16xi32>
        %gather3A_400 = tpu.vector_load_idx %arg5[%broadcast_in_dim3A_399, %convert_element_type3A] : memref<32x2048xf32, #tpu.memory_space<vmem>>[vector<16xi32>, vector<16xi32>], vector<16xf32>,
        %mul3A_401 = arith.mulf %get3A_140, %gather3A_400 : vector<16xf32>
        %gather3A_402 = tpu.vector_load_idx %arg5[%broadcast_in_dim3A_399, %convert_element_type3A_131] : memref<32x2048xf32, #tpu.memory_space<vmem>>[vector<16xi32>, vector<16xi32>], vector<16xf32>,
        %mul3A_403 = arith.mulf %get3A_144, %gather3A_402 : vector<16xf32>
        %add3A_404 = arith.addf %mul3A_401, %mul3A_403 : vector<16xf32>
        %gather3A_405 = tpu.vector_load_idx %arg5[%broadcast_in_dim3A_399, %convert_element_type3A_136] : memref<32x2048xf32, #tpu.memory_space<vmem>>[vector<16xi32>, vector<16xi32>], vector<16xf32>,
        %mul3A_406 = arith.mulf %get3A_148, %gather3A_405 : vector<16xf32>
        %add3A_407 = arith.addf %add3A_404, %mul3A_406 : vector<16xf32>
        %swap3A_408 = arith.constant 18 : i32
        %swap3A_409 = arith.index_cast %swap3A_408 : i32 to index
        %swap3A_410 = arith.index_cast %mul3A_123 : i32 to index
        %swap3A_411 = tpu.vector_load %arg8[%swap3A_409, %swap3A_410] {strides = array<i32>} : memref<32x256xf32, #tpu.memory_space<vmem>>, vector<16xf32>,
        tpu.vector_store %arg8[%swap3A_409, %swap3A_410], %add3A_407 {strides = array<i32>} : memref<32x256xf32, #tpu.memory_space<vmem>>, vector<16xf32>,
        %broadcast_in_dim3A_412 = arith.constant 19 : i32
        %broadcast_in_dim3A_413 = vector.broadcast %broadcast_in_dim3A_412 : i32 to vector<16xi32>
        %gather3A_414 = tpu.vector_load_idx %arg5[%broadcast_in_dim3A_413, %convert_element_type3A] : memref<32x2048xf32, #tpu.memory_space<vmem>>[vector<16xi32>, vector<16xi32>], vector<16xf32>,
        %mul3A_415 = arith.mulf %get3A_140, %gather3A_414 : vector<16xf32>
        %gather3A_416 = tpu.vector_load_idx %arg5[%broadcast_in_dim3A_413, %convert_element_type3A_131] : memref<32x2048xf32, #tpu.memory_space<vmem>>[vector<16xi32>, vector<16xi32>], vector<16xf32>,
        %mul3A_417 = arith.mulf %get3A_144, %gather3A_416 : vector<16xf32>
        %add3A_418 = arith.addf %mul3A_415, %mul3A_417 : vector<16xf32>
        %gather3A_419 = tpu.vector_load_idx %arg5[%broadcast_in_dim3A_413, %convert_element_type3A_136] : memref<32x2048xf32, #tpu.memory_space<vmem>>[vector<16xi32>, vector<16xi32>], vector<16xf32>,
        %mul3A_420 = arith.mulf %get3A_148, %gather3A_419 : vector<16xf32>
        %add3A_421 = arith.addf %add3A_418, %mul3A_420 : vector<16xf32>
        %swap3A_422 = arith.constant 19 : i32
        %swap3A_423 = arith.index_cast %swap3A_422 : i32 to index
        %swap3A_424 = arith.index_cast %mul3A_123 : i32 to index
        %swap3A_425 = tpu.vector_load %arg8[%swap3A_423, %swap3A_424] {strides = array<i32>} : memref<32x256xf32, #tpu.memory_space<vmem>>, vector<16xf32>,
        tpu.vector_store %arg8[%swap3A_423, %swap3A_424], %add3A_421 {strides = array<i32>} : memref<32x256xf32, #tpu.memory_space<vmem>>, vector<16xf32>,
        %broadcast_in_dim3A_426 = arith.constant 20 : i32
        %broadcast_in_dim3A_427 = vector.broadcast %broadcast_in_dim3A_426 : i32 to vector<16xi32>
        %gather3A_428 = tpu.vector_load_idx %arg5[%broadcast_in_dim3A_427, %convert_element_type3A] : memref<32x2048xf32, #tpu.memory_space<vmem>>[vector<16xi32>, vector<16xi32>], vector<16xf32>,
        %mul3A_429 = arith.mulf %get3A_140, %gather3A_428 : vector<16xf32>
        %gather3A_430 = tpu.vector_load_idx %arg5[%broadcast_in_dim3A_427, %convert_element_type3A_131] : memref<32x2048xf32, #tpu.memory_space<vmem>>[vector<16xi32>, vector<16xi32>], vector<16xf32>,
        %mul3A_431 = arith.mulf %get3A_144, %gather3A_430 : vector<16xf32>
        %add3A_432 = arith.addf %mul3A_429, %mul3A_431 : vector<16xf32>
        %gather3A_433 = tpu.vector_load_idx %arg5[%broadcast_in_dim3A_427, %convert_element_type3A_136] : memref<32x2048xf32, #tpu.memory_space<vmem>>[vector<16xi32>, vector<16xi32>], vector<16xf32>,
        %mul3A_434 = arith.mulf %get3A_148, %gather3A_433 : vector<16xf32>
        %add3A_435 = arith.addf %add3A_432, %mul3A_434 : vector<16xf32>
        %swap3A_436 = arith.constant 20 : i32
        %swap3A_437 = arith.index_cast %swap3A_436 : i32 to index
        %swap3A_438 = arith.index_cast %mul3A_123 : i32 to index
        %swap3A_439 = tpu.vector_load %arg8[%swap3A_437, %swap3A_438] {strides = array<i32>} : memref<32x256xf32, #tpu.memory_space<vmem>>, vector<16xf32>,
        tpu.vector_store %arg8[%swap3A_437, %swap3A_438], %add3A_435 {strides = array<i32>} : memref<32x256xf32, #tpu.memory_space<vmem>>, vector<16xf32>,
        %broadcast_in_dim3A_440 = arith.constant 21 : i32
        %broadcast_in_dim3A_441 = vector.broadcast %broadcast_in_dim3A_440 : i32 to vector<16xi32>
        %gather3A_442 = tpu.vector_load_idx %arg5[%broadcast_in_dim3A_441, %convert_element_type3A] : memref<32x2048xf32, #tpu.memory_space<vmem>>[vector<16xi32>, vector<16xi32>], vector<16xf32>,
        %mul3A_443 = arith.mulf %get3A_140, %gather3A_442 : vector<16xf32>
        %gather3A_444 = tpu.vector_load_idx %arg5[%broadcast_in_dim3A_441, %convert_element_type3A_131] : memref<32x2048xf32, #tpu.memory_space<vmem>>[vector<16xi32>, vector<16xi32>], vector<16xf32>,
        %mul3A_445 = arith.mulf %get3A_144, %gather3A_444 : vector<16xf32>
        %add3A_446 = arith.addf %mul3A_443, %mul3A_445 : vector<16xf32>
        %gather3A_447 = tpu.vector_load_idx %arg5[%broadcast_in_dim3A_441, %convert_element_type3A_136] : memref<32x2048xf32, #tpu.memory_space<vmem>>[vector<16xi32>, vector<16xi32>], vector<16xf32>,
        %mul3A_448 = arith.mulf %get3A_148, %gather3A_447 : vector<16xf32>
        %add3A_449 = arith.addf %add3A_446, %mul3A_448 : vector<16xf32>
        %swap3A_450 = arith.constant 21 : i32
        %swap3A_451 = arith.index_cast %swap3A_450 : i32 to index
        %swap3A_452 = arith.index_cast %mul3A_123 : i32 to index
        %swap3A_453 = tpu.vector_load %arg8[%swap3A_451, %swap3A_452] {strides = array<i32>} : memref<32x256xf32, #tpu.memory_space<vmem>>, vector<16xf32>,
        tpu.vector_store %arg8[%swap3A_451, %swap3A_452], %add3A_449 {strides = array<i32>} : memref<32x256xf32, #tpu.memory_space<vmem>>, vector<16xf32>,
        %broadcast_in_dim3A_454 = arith.constant 22 : i32
        %broadcast_in_dim3A_455 = vector.broadcast %broadcast_in_dim3A_454 : i32 to vector<16xi32>
        %gather3A_456 = tpu.vector_load_idx %arg5[%broadcast_in_dim3A_455, %convert_element_type3A] : memref<32x2048xf32, #tpu.memory_space<vmem>>[vector<16xi32>, vector<16xi32>], vector<16xf32>,
        %mul3A_457 = arith.mulf %get3A_140, %gather3A_456 : vector<16xf32>
        %gather3A_458 = tpu.vector_load_idx %arg5[%broadcast_in_dim3A_455, %convert_element_type3A_131] : memref<32x2048xf32, #tpu.memory_space<vmem>>[vector<16xi32>, vector<16xi32>], vector<16xf32>,
        %mul3A_459 = arith.mulf %get3A_144, %gather3A_458 : vector<16xf32>
        %add3A_460 = arith.addf %mul3A_457, %mul3A_459 : vector<16xf32>
        %gather3A_461 = tpu.vector_load_idx %arg5[%broadcast_in_dim3A_455, %convert_element_type3A_136] : memref<32x2048xf32, #tpu.memory_space<vmem>>[vector<16xi32>, vector<16xi32>], vector<16xf32>,
        %mul3A_462 = arith.mulf %get3A_148, %gather3A_461 : vector<16xf32>
        %add3A_463 = arith.addf %add3A_460, %mul3A_462 : vector<16xf32>
        %swap3A_464 = arith.constant 22 : i32
        %swap3A_465 = arith.index_cast %swap3A_464 : i32 to index
        %swap3A_466 = arith.index_cast %mul3A_123 : i32 to index
        %swap3A_467 = tpu.vector_load %arg8[%swap3A_465, %swap3A_466] {strides = array<i32>} : memref<32x256xf32, #tpu.memory_space<vmem>>, vector<16xf32>,
        tpu.vector_store %arg8[%swap3A_465, %swap3A_466], %add3A_463 {strides = array<i32>} : memref<32x256xf32, #tpu.memory_space<vmem>>, vector<16xf32>,
        %broadcast_in_dim3A_468 = arith.constant 23 : i32
        %broadcast_in_dim3A_469 = vector.broadcast %broadcast_in_dim3A_468 : i32 to vector<16xi32>
        %gather3A_470 = tpu.vector_load_idx %arg5[%broadcast_in_dim3A_469, %convert_element_type3A] : memref<32x2048xf32, #tpu.memory_space<vmem>>[vector<16xi32>, vector<16xi32>], vector<16xf32>,
        %mul3A_471 = arith.mulf %get3A_140, %gather3A_470 : vector<16xf32>
        %gather3A_472 = tpu.vector_load_idx %arg5[%broadcast_in_dim3A_469, %convert_element_type3A_131] : memref<32x2048xf32, #tpu.memory_space<vmem>>[vector<16xi32>, vector<16xi32>], vector<16xf32>,
        %mul3A_473 = arith.mulf %get3A_144, %gather3A_472 : vector<16xf32>
        %add3A_474 = arith.addf %mul3A_471, %mul3A_473 : vector<16xf32>
        %gather3A_475 = tpu.vector_load_idx %arg5[%broadcast_in_dim3A_469, %convert_element_type3A_136] : memref<32x2048xf32, #tpu.memory_space<vmem>>[vector<16xi32>, vector<16xi32>], vector<16xf32>,
        %mul3A_476 = arith.mulf %get3A_148, %gather3A_475 : vector<16xf32>
        %add3A_477 = arith.addf %add3A_474, %mul3A_476 : vector<16xf32>
        %swap3A_478 = arith.constant 23 : i32
        %swap3A_479 = arith.index_cast %swap3A_478 : i32 to index
        %swap3A_480 = arith.index_cast %mul3A_123 : i32 to index
        %swap3A_481 = tpu.vector_load %arg8[%swap3A_479, %swap3A_480] {strides = array<i32>} : memref<32x256xf32, #tpu.memory_space<vmem>>, vector<16xf32>,
        tpu.vector_store %arg8[%swap3A_479, %swap3A_480], %add3A_477 {strides = array<i32>} : memref<32x256xf32, #tpu.memory_space<vmem>>, vector<16xf32>,
        %broadcast_in_dim3A_482 = arith.constant 24 : i32
        %broadcast_in_dim3A_483 = vector.broadcast %broadcast_in_dim3A_482 : i32 to vector<16xi32>
        %gather3A_484 = tpu.vector_load_idx %arg5[%broadcast_in_dim3A_483, %convert_element_type3A] : memref<32x2048xf32, #tpu.memory_space<vmem>>[vector<16xi32>, vector<16xi32>], vector<16xf32>,
        %mul3A_485 = arith.mulf %get3A_140, %gather3A_484 : vector<16xf32>
        %gather3A_486 = tpu.vector_load_idx %arg5[%broadcast_in_dim3A_483, %convert_element_type3A_131] : memref<32x2048xf32, #tpu.memory_space<vmem>>[vector<16xi32>, vector<16xi32>], vector<16xf32>,
        %mul3A_487 = arith.mulf %get3A_144, %gather3A_486 : vector<16xf32>
        %add3A_488 = arith.addf %mul3A_485, %mul3A_487 : vector<16xf32>
        %gather3A_489 = tpu.vector_load_idx %arg5[%broadcast_in_dim3A_483, %convert_element_type3A_136] : memref<32x2048xf32, #tpu.memory_space<vmem>>[vector<16xi32>, vector<16xi32>], vector<16xf32>,
        %mul3A_490 = arith.mulf %get3A_148, %gather3A_489 : vector<16xf32>
        %add3A_491 = arith.addf %add3A_488, %mul3A_490 : vector<16xf32>
        %swap3A_492 = arith.constant 24 : i32
        %swap3A_493 = arith.index_cast %swap3A_492 : i32 to index
        %swap3A_494 = arith.index_cast %mul3A_123 : i32 to index
        %swap3A_495 = tpu.vector_load %arg8[%swap3A_493, %swap3A_494] {strides = array<i32>} : memref<32x256xf32, #tpu.memory_space<vmem>>, vector<16xf32>,
        tpu.vector_store %arg8[%swap3A_493, %swap3A_494], %add3A_491 {strides = array<i32>} : memref<32x256xf32, #tpu.memory_space<vmem>>, vector<16xf32>,
        %broadcast_in_dim3A_496 = arith.constant 25 : i32
        %broadcast_in_dim3A_497 = vector.broadcast %broadcast_in_dim3A_496 : i32 to vector<16xi32>
        %gather3A_498 = tpu.vector_load_idx %arg5[%broadcast_in_dim3A_497, %convert_element_type3A] : memref<32x2048xf32, #tpu.memory_space<vmem>>[vector<16xi32>, vector<16xi32>], vector<16xf32>,
        %mul3A_499 = arith.mulf %get3A_140, %gather3A_498 : vector<16xf32>
        %gather3A_500 = tpu.vector_load_idx %arg5[%broadcast_in_dim3A_497, %convert_element_type3A_131] : memref<32x2048xf32, #tpu.memory_space<vmem>>[vector<16xi32>, vector<16xi32>], vector<16xf32>,
        %mul3A_501 = arith.mulf %get3A_144, %gather3A_500 : vector<16xf32>
        %add3A_502 = arith.addf %mul3A_499, %mul3A_501 : vector<16xf32>
        %gather3A_503 = tpu.vector_load_idx %arg5[%broadcast_in_dim3A_497, %convert_element_type3A_136] : memref<32x2048xf32, #tpu.memory_space<vmem>>[vector<16xi32>, vector<16xi32>], vector<16xf32>,
        %mul3A_504 = arith.mulf %get3A_148, %gather3A_503 : vector<16xf32>
        %add3A_505 = arith.addf %add3A_502, %mul3A_504 : vector<16xf32>
        %swap3A_506 = arith.constant 25 : i32
        %swap3A_507 = arith.index_cast %swap3A_506 : i32 to index
        %swap3A_508 = arith.index_cast %mul3A_123 : i32 to index
        %swap3A_509 = tpu.vector_load %arg8[%swap3A_507, %swap3A_508] {strides = array<i32>} : memref<32x256xf32, #tpu.memory_space<vmem>>, vector<16xf32>,
        tpu.vector_store %arg8[%swap3A_507, %swap3A_508], %add3A_505 {strides = array<i32>} : memref<32x256xf32, #tpu.memory_space<vmem>>, vector<16xf32>,
        %broadcast_in_dim3A_510 = arith.constant 26 : i32
        %broadcast_in_dim3A_511 = vector.broadcast %broadcast_in_dim3A_510 : i32 to vector<16xi32>
        %gather3A_512 = tpu.vector_load_idx %arg5[%broadcast_in_dim3A_511, %convert_element_type3A] : memref<32x2048xf32, #tpu.memory_space<vmem>>[vector<16xi32>, vector<16xi32>], vector<16xf32>,
        %mul3A_513 = arith.mulf %get3A_140, %gather3A_512 : vector<16xf32>
        %gather3A_514 = tpu.vector_load_idx %arg5[%broadcast_in_dim3A_511, %convert_element_type3A_131] : memref<32x2048xf32, #tpu.memory_space<vmem>>[vector<16xi32>, vector<16xi32>], vector<16xf32>,
        %mul3A_515 = arith.mulf %get3A_144, %gather3A_514 : vector<16xf32>
        %add3A_516 = arith.addf %mul3A_513, %mul3A_515 : vector<16xf32>
        %gather3A_517 = tpu.vector_load_idx %arg5[%broadcast_in_dim3A_511, %convert_element_type3A_136] : memref<32x2048xf32, #tpu.memory_space<vmem>>[vector<16xi32>, vector<16xi32>], vector<16xf32>,
        %mul3A_518 = arith.mulf %get3A_148, %gather3A_517 : vector<16xf32>
        %add3A_519 = arith.addf %add3A_516, %mul3A_518 : vector<16xf32>
        %swap3A_520 = arith.constant 26 : i32
        %swap3A_521 = arith.index_cast %swap3A_520 : i32 to index
        %swap3A_522 = arith.index_cast %mul3A_123 : i32 to index
        %swap3A_523 = tpu.vector_load %arg8[%swap3A_521, %swap3A_522] {strides = array<i32>} : memref<32x256xf32, #tpu.memory_space<vmem>>, vector<16xf32>,
        tpu.vector_store %arg8[%swap3A_521, %swap3A_522], %add3A_519 {strides = array<i32>} : memref<32x256xf32, #tpu.memory_space<vmem>>, vector<16xf32>,
        %broadcast_in_dim3A_524 = arith.constant 27 : i32
        %broadcast_in_dim3A_525 = vector.broadcast %broadcast_in_dim3A_524 : i32 to vector<16xi32>
        %gather3A_526 = tpu.vector_load_idx %arg5[%broadcast_in_dim3A_525, %convert_element_type3A] : memref<32x2048xf32, #tpu.memory_space<vmem>>[vector<16xi32>, vector<16xi32>], vector<16xf32>,
        %mul3A_527 = arith.mulf %get3A_140, %gather3A_526 : vector<16xf32>
        %gather3A_528 = tpu.vector_load_idx %arg5[%broadcast_in_dim3A_525, %convert_element_type3A_131] : memref<32x2048xf32, #tpu.memory_space<vmem>>[vector<16xi32>, vector<16xi32>], vector<16xf32>,
        %mul3A_529 = arith.mulf %get3A_144, %gather3A_528 : vector<16xf32>
        %add3A_530 = arith.addf %mul3A_527, %mul3A_529 : vector<16xf32>
        %gather3A_531 = tpu.vector_load_idx %arg5[%broadcast_in_dim3A_525, %convert_element_type3A_136] : memref<32x2048xf32, #tpu.memory_space<vmem>>[vector<16xi32>, vector<16xi32>], vector<16xf32>,
        %mul3A_532 = arith.mulf %get3A_148, %gather3A_531 : vector<16xf32>
        %add3A_533 = arith.addf %add3A_530, %mul3A_532 : vector<16xf32>
        %swap3A_534 = arith.constant 27 : i32
        %swap3A_535 = arith.index_cast %swap3A_534 : i32 to index
        %swap3A_536 = arith.index_cast %mul3A_123 : i32 to index
        %swap3A_537 = tpu.vector_load %arg8[%swap3A_535, %swap3A_536] {strides = array<i32>} : memref<32x256xf32, #tpu.memory_space<vmem>>, vector<16xf32>,
        tpu.vector_store %arg8[%swap3A_535, %swap3A_536], %add3A_533 {strides = array<i32>} : memref<32x256xf32, #tpu.memory_space<vmem>>, vector<16xf32>,
        %broadcast_in_dim3A_538 = arith.constant 28 : i32
        %broadcast_in_dim3A_539 = vector.broadcast %broadcast_in_dim3A_538 : i32 to vector<16xi32>
        %gather3A_540 = tpu.vector_load_idx %arg5[%broadcast_in_dim3A_539, %convert_element_type3A] : memref<32x2048xf32, #tpu.memory_space<vmem>>[vector<16xi32>, vector<16xi32>], vector<16xf32>,
        %mul3A_541 = arith.mulf %get3A_140, %gather3A_540 : vector<16xf32>
        %gather3A_542 = tpu.vector_load_idx %arg5[%broadcast_in_dim3A_539, %convert_element_type3A_131] : memref<32x2048xf32, #tpu.memory_space<vmem>>[vector<16xi32>, vector<16xi32>], vector<16xf32>,
        %mul3A_543 = arith.mulf %get3A_144, %gather3A_542 : vector<16xf32>
        %add3A_544 = arith.addf %mul3A_541, %mul3A_543 : vector<16xf32>
        %gather3A_545 = tpu.vector_load_idx %arg5[%broadcast_in_dim3A_539, %convert_element_type3A_136] : memref<32x2048xf32, #tpu.memory_space<vmem>>[vector<16xi32>, vector<16xi32>], vector<16xf32>,
        %mul3A_546 = arith.mulf %get3A_148, %gather3A_545 : vector<16xf32>
        %add3A_547 = arith.addf %add3A_544, %mul3A_546 : vector<16xf32>
        %swap3A_548 = arith.constant 28 : i32
        %swap3A_549 = arith.index_cast %swap3A_548 : i32 to index
        %swap3A_550 = arith.index_cast %mul3A_123 : i32 to index
        %swap3A_551 = tpu.vector_load %arg8[%swap3A_549, %swap3A_550] {strides = array<i32>} : memref<32x256xf32, #tpu.memory_space<vmem>>, vector<16xf32>,
        tpu.vector_store %arg8[%swap3A_549, %swap3A_550], %add3A_547 {strides = array<i32>} : memref<32x256xf32, #tpu.memory_space<vmem>>, vector<16xf32>,
        %broadcast_in_dim3A_552 = arith.constant 29 : i32
        %broadcast_in_dim3A_553 = vector.broadcast %broadcast_in_dim3A_552 : i32 to vector<16xi32>
        %gather3A_554 = tpu.vector_load_idx %arg5[%broadcast_in_dim3A_553, %convert_element_type3A] : memref<32x2048xf32, #tpu.memory_space<vmem>>[vector<16xi32>, vector<16xi32>], vector<16xf32>,
        %mul3A_555 = arith.mulf %get3A_140, %gather3A_554 : vector<16xf32>
        %gather3A_556 = tpu.vector_load_idx %arg5[%broadcast_in_dim3A_553, %convert_element_type3A_131] : memref<32x2048xf32, #tpu.memory_space<vmem>>[vector<16xi32>, vector<16xi32>], vector<16xf32>,
        %mul3A_557 = arith.mulf %get3A_144, %gather3A_556 : vector<16xf32>
        %add3A_558 = arith.addf %mul3A_555, %mul3A_557 : vector<16xf32>
        %gather3A_559 = tpu.vector_load_idx %arg5[%broadcast_in_dim3A_553, %convert_element_type3A_136] : memref<32x2048xf32, #tpu.memory_space<vmem>>[vector<16xi32>, vector<16xi32>], vector<16xf32>,
        %mul3A_560 = arith.mulf %get3A_148, %gather3A_559 : vector<16xf32>
        %add3A_561 = arith.addf %add3A_558, %mul3A_560 : vector<16xf32>
        %swap3A_562 = arith.constant 29 : i32
        %swap3A_563 = arith.index_cast %swap3A_562 : i32 to index
        %swap3A_564 = arith.index_cast %mul3A_123 : i32 to index
        %swap3A_565 = tpu.vector_load %arg8[%swap3A_563, %swap3A_564] {strides = array<i32>} : memref<32x256xf32, #tpu.memory_space<vmem>>, vector<16xf32>,
        tpu.vector_store %arg8[%swap3A_563, %swap3A_564], %add3A_561 {strides = array<i32>} : memref<32x256xf32, #tpu.memory_space<vmem>>, vector<16xf32>,
        %broadcast_in_dim3A_566 = arith.constant 30 : i32
        %broadcast_in_dim3A_567 = vector.broadcast %broadcast_in_dim3A_566 : i32 to vector<16xi32>
        %gather3A_568 = tpu.vector_load_idx %arg5[%broadcast_in_dim3A_567, %convert_element_type3A] : memref<32x2048xf32, #tpu.memory_space<vmem>>[vector<16xi32>, vector<16xi32>], vector<16xf32>,
        %mul3A_569 = arith.mulf %get3A_140, %gather3A_568 : vector<16xf32>
        %gather3A_570 = tpu.vector_load_idx %arg5[%broadcast_in_dim3A_567, %convert_element_type3A_131] : memref<32x2048xf32, #tpu.memory_space<vmem>>[vector<16xi32>, vector<16xi32>], vector<16xf32>,
        %mul3A_571 = arith.mulf %get3A_144, %gather3A_570 : vector<16xf32>
        %add3A_572 = arith.addf %mul3A_569, %mul3A_571 : vector<16xf32>
        %gather3A_573 = tpu.vector_load_idx %arg5[%broadcast_in_dim3A_567, %convert_element_type3A_136] : memref<32x2048xf32, #tpu.memory_space<vmem>>[vector<16xi32>, vector<16xi32>], vector<16xf32>,
        %mul3A_574 = arith.mulf %get3A_148, %gather3A_573 : vector<16xf32>
        %add3A_575 = arith.addf %add3A_572, %mul3A_574 : vector<16xf32>
        %swap3A_576 = arith.constant 30 : i32
        %swap3A_577 = arith.index_cast %swap3A_576 : i32 to index
        %swap3A_578 = arith.index_cast %mul3A_123 : i32 to index
        %swap3A_579 = tpu.vector_load %arg8[%swap3A_577, %swap3A_578] {strides = array<i32>} : memref<32x256xf32, #tpu.memory_space<vmem>>, vector<16xf32>,
        tpu.vector_store %arg8[%swap3A_577, %swap3A_578], %add3A_575 {strides = array<i32>} : memref<32x256xf32, #tpu.memory_space<vmem>>, vector<16xf32>,
        %broadcast_in_dim3A_580 = arith.constant 31 : i32
        %broadcast_in_dim3A_581 = vector.broadcast %broadcast_in_dim3A_580 : i32 to vector<16xi32>
        %gather3A_582 = tpu.vector_load_idx %arg5[%broadcast_in_dim3A_581, %convert_element_type3A] : memref<32x2048xf32, #tpu.memory_space<vmem>>[vector<16xi32>, vector<16xi32>], vector<16xf32>,
        %mul3A_583 = arith.mulf %get3A_140, %gather3A_582 : vector<16xf32>
        %gather3A_584 = tpu.vector_load_idx %arg5[%broadcast_in_dim3A_581, %convert_element_type3A_131] : memref<32x2048xf32, #tpu.memory_space<vmem>>[vector<16xi32>, vector<16xi32>], vector<16xf32>,
        %mul3A_585 = arith.mulf %get3A_144, %gather3A_584 : vector<16xf32>
        %add3A_586 = arith.addf %mul3A_583, %mul3A_585 : vector<16xf32>
        %gather3A_587 = tpu.vector_load_idx %arg5[%broadcast_in_dim3A_581, %convert_element_type3A_136] : memref<32x2048xf32, #tpu.memory_space<vmem>>[vector<16xi32>, vector<16xi32>], vector<16xf32>,
        %mul3A_588 = arith.mulf %get3A_148, %gather3A_587 : vector<16xf32>
        %add3A_589 = arith.addf %add3A_586, %mul3A_588 : vector<16xf32>
        %swap3A_590 = arith.constant 31 : i32
        %swap3A_591 = arith.index_cast %swap3A_590 : i32 to index
        %swap3A_592 = arith.index_cast %mul3A_123 : i32 to index
        %swap3A_593 = tpu.vector_load %arg8[%swap3A_591, %swap3A_592] {strides = array<i32>} : memref<32x256xf32, #tpu.memory_space<vmem>>, vector<16xf32>,
        tpu.vector_store %arg8[%swap3A_591, %swap3A_592], %add3A_589 {strides = array<i32>} : memref<32x256xf32, #tpu.memory_space<vmem>>, vector<16xf32>,
        %scan3A_594 = arith.constant 0 : i32
        scf.yield %scan3A_594 : i32
      }
      %scan3A_79 = arith.constant 16 : i32
      %mul3A_80 = arith.constant 32 : i32
      %mul3A_81 = arith.muli %select_n3A_30, %mul3A_80 : i32
      %mul3A_82 = arith.constant 256 : i32
      %mul3A_83 = arith.muli %mul3A_56, %mul3A_82 : i32
      %add3A_84 = arith.addi %mul3A_32, %mul3A_83 : i32
      "tpu.region"() ({
        %run_scoped3A = tpu.sem_alloc : memref<!tpu.dma_semaphore, #tpu.memory_space<semaphore_mem>>
        %dma_start3A_120 = tpu.memref_slice %arg4[%mul3A_81, %add3A_84] : memref<256x32768xf32, #tpu.memory_space<hbm>> -> memref<32x256xf32, #tpu.memory_space<hbm>>
        %dma_start3A_121 = tpu.memref_slice %arg4[%mul3A_81, %add3A_84] : memref<256x32768xf32, #tpu.memory_space<hbm>> -> memref<32x256xf32, #tpu.memory_space<hbm>>
        tpu.enqueue_dma source(%arg8 : memref<32x256xf32, #tpu.memory_space<vmem>>) target(%dma_start3A_121 : memref<32x256xf32, #tpu.memory_space<hbm>>) target_semaphore(%run_scoped3A : memref<!tpu.dma_semaphore, #tpu.memory_space<semaphore_mem>>)
        %dma_wait3A_122 = tpu.memref_slice %arg4[%mul3A_81, %add3A_84] : memref<256x32768xf32, #tpu.memory_space<hbm>> -> memref<32x256xf32, #tpu.memory_space<hbm>>
        %dma_wait3A_123 = tpu.memref_slice %arg4[%mul3A_81, %add3A_84] : memref<256x32768xf32, #tpu.memory_space<hbm>> -> memref<32x256xf32, #tpu.memory_space<hbm>>
        tpu.wait_dma2 semaphore(%run_scoped3A : memref<!tpu.dma_semaphore, #tpu.memory_space<semaphore_mem>>) src(%arg8 : memref<32x256xf32, #tpu.memory_space<vmem>>) dst(%dma_wait3A_123 : memref<32x256xf32, #tpu.memory_space<hbm>>)
        tpu.yield
      }) : () -> ()
      %add3A_85 = arith.constant 2 : i32
      %add3A_86 = arith.addi %mul3A_56, %add3A_85 : i32
      %rem3A_87 = arith.constant 32 : i32
      %rem3A_88 = arith.remsi %add3A_86, %rem3A_87 : i32
      %mul3A_89 = arith.constant 256 : i32
      %mul3A_90 = arith.muli %rem3A_88, %mul3A_89 : i32
      %add3A_91 = arith.addi %mul3A_32, %mul3A_90 : i32
      %dma_start3A_92 = arith.constant 0 : i32
      %dma_start3A_93 = tpu.memref_slice %arg2[%dma_start3A_92, %add3A_91] : memref<8x32768xf32, #tpu.memory_space<hbm>> -> memref<8x256xf32, #tpu.memory_space<hbm>>
      %dma_start3A_94 = arith.constant 0 : i32
      %dma_start3A_95 = tpu.memref_slice %arg2[%dma_start3A_94, %add3A_91] : memref<8x32768xf32, #tpu.memory_space<hbm>> -> memref<8x256xf32, #tpu.memory_space<hbm>>
      tpu.enqueue_dma source(%dma_start3A_95 : memref<8x256xf32, #tpu.memory_space<hbm>>) target(%arg6 : memref<8x256xf32, #tpu.memory_space<vmem>>) target_semaphore(%arg10 : memref<!tpu.dma_semaphore, #tpu.memory_space<semaphore_mem>>)
      %add3A_96 = arith.constant 1 : i32
      %add3A_97 = arith.addi %mul3A_56, %add3A_96 : i32
      %mul3A_98 = arith.constant 256 : i32
      %mul3A_99 = arith.muli %add3A_97, %mul3A_98 : i32
      %add3A_100 = arith.addi %mul3A_32, %mul3A_99 : i32
      %dma_wait3A_101 = arith.constant 0 : i32
      %dma_wait3A_102 = tpu.memref_slice %arg2[%dma_wait3A_101, %add3A_100] : memref<8x32768xf32, #tpu.memory_space<hbm>> -> memref<8x256xf32, #tpu.memory_space<hbm>>
      %dma_wait3A_103 = arith.constant 0 : i32
      %dma_wait3A_104 = tpu.memref_slice %arg2[%dma_wait3A_103, %add3A_100] : memref<8x32768xf32, #tpu.memory_space<hbm>> -> memref<8x256xf32, #tpu.memory_space<hbm>>
      tpu.wait_dma2 semaphore(%arg11 : memref<!tpu.dma_semaphore, #tpu.memory_space<semaphore_mem>>) src(%dma_wait3A_104 : memref<8x256xf32, #tpu.memory_space<hbm>>) dst(%arg7 : memref<8x256xf32, #tpu.memory_space<vmem>>)
      %add3A_105 = arith.constant 1 : i32
      %add3A_106 = arith.addi %mul3A_56, %add3A_105 : i32
      %scan3A_107 = arith.constant 0 : i32
      %scan3A_108 = arith.constant 0 : i32
      %scan3A_109 = arith.constant 16 : i32
      %scan3A_110 = arith.addi %scan3A_108, %scan3A_109 : i32
      %scan3A_111 = arith.constant 1 : i32
      %scan3A_112 = scf.for %scan3A_120 = %scan3A_108 to %scan3A_110 step %scan3A_111 iter_args(%scan3A_121 = %scan3A_107) -> (i32)  : i32 {
        %mul3A_122 = arith.constant 16 : i32
        %mul3A_123 = arith.muli %scan3A_120, %mul3A_122 : i32
        %get3A = arith.constant 0 : i32
        %get3A_124 = arith.index_cast %get3A : i32 to index
        %get3A_125 = arith.index_cast %mul3A_123 : i32 to index
        %get3A_126 = tpu.vector_load %arg7[%get3A_124, %get3A_125] {strides = array<i32>} : memref<8x256xf32, #tpu.memory_space<vmem>>, vector<16xf32>,
        %convert_element_type3A = arith.fptosi %get3A_126 : vector<16xf32> to vector<16xi32>
        %get3A_127 = arith.constant 1 : i32
        %get3A_128 = arith.index_cast %get3A_127 : i32 to index
        %get3A_129 = arith.index_cast %mul3A_123 : i32 to index
        %get3A_130 = tpu.vector_load %arg7[%get3A_128, %get3A_129] {strides = array<i32>} : memref<8x256xf32, #tpu.memory_space<vmem>>, vector<16xf32>,
        %convert_element_type3A_131 = arith.fptosi %get3A_130 : vector<16xf32> to vector<16xi32>
        %get3A_132 = arith.constant 2 : i32
        %get3A_133 = arith.index_cast %get3A_132 : i32 to index
        %get3A_134 = arith.index_cast %mul3A_123 : i32 to index
        %get3A_135 = tpu.vector_load %arg7[%get3A_133, %get3A_134] {strides = array<i32>} : memref<8x256xf32, #tpu.memory_space<vmem>>, vector<16xf32>,
        %convert_element_type3A_136 = arith.fptosi %get3A_135 : vector<16xf32> to vector<16xi32>
        %get3A_137 = arith.constant 3 : i32
        %get3A_138 = arith.index_cast %get3A_137 : i32 to index
        %get3A_139 = arith.index_cast %mul3A_123 : i32 to index
        %get3A_140 = tpu.vector_load %arg7[%get3A_138, %get3A_139] {strides = array<i32>} : memref<8x256xf32, #tpu.memory_space<vmem>>, vector<16xf32>,
        %get3A_141 = arith.constant 4 : i32
        %get3A_142 = arith.index_cast %get3A_141 : i32 to index
        %get3A_143 = arith.index_cast %mul3A_123 : i32 to index
        %get3A_144 = tpu.vector_load %arg7[%get3A_142, %get3A_143] {strides = array<i32>} : memref<8x256xf32, #tpu.memory_space<vmem>>, vector<16xf32>,
        %get3A_145 = arith.constant 5 : i32
        %get3A_146 = arith.index_cast %get3A_145 : i32 to index
        %get3A_147 = arith.index_cast %mul3A_123 : i32 to index
        %get3A_148 = tpu.vector_load %arg7[%get3A_146, %get3A_147] {strides = array<i32>} : memref<8x256xf32, #tpu.memory_space<vmem>>, vector<16xf32>,
        %broadcast_in_dim3A = arith.constant 0 : i32
        %broadcast_in_dim3A_149 = vector.broadcast %broadcast_in_dim3A : i32 to vector<16xi32>
        %gather3A = tpu.vector_load_idx %arg5[%broadcast_in_dim3A_149, %convert_element_type3A] : memref<32x2048xf32, #tpu.memory_space<vmem>>[vector<16xi32>, vector<16xi32>], vector<16xf32>,
        %mul3A_150 = arith.mulf %get3A_140, %gather3A : vector<16xf32>
        %gather3A_151 = tpu.vector_load_idx %arg5[%broadcast_in_dim3A_149, %convert_element_type3A_131] : memref<32x2048xf32, #tpu.memory_space<vmem>>[vector<16xi32>, vector<16xi32>], vector<16xf32>,
        %mul3A_152 = arith.mulf %get3A_144, %gather3A_151 : vector<16xf32>
        %add3A_153 = arith.addf %mul3A_150, %mul3A_152 : vector<16xf32>
        %gather3A_154 = tpu.vector_load_idx %arg5[%broadcast_in_dim3A_149, %convert_element_type3A_136] : memref<32x2048xf32, #tpu.memory_space<vmem>>[vector<16xi32>, vector<16xi32>], vector<16xf32>,
        %mul3A_155 = arith.mulf %get3A_148, %gather3A_154 : vector<16xf32>
        %add3A_156 = arith.addf %add3A_153, %mul3A_155 : vector<16xf32>
        %swap3A = arith.constant 0 : i32
        %swap3A_157 = arith.index_cast %swap3A : i32 to index
        %swap3A_158 = arith.index_cast %mul3A_123 : i32 to index
        %swap3A_159 = tpu.vector_load %arg9[%swap3A_157, %swap3A_158] {strides = array<i32>} : memref<32x256xf32, #tpu.memory_space<vmem>>, vector<16xf32>,
        tpu.vector_store %arg9[%swap3A_157, %swap3A_158], %add3A_156 {strides = array<i32>} : memref<32x256xf32, #tpu.memory_space<vmem>>, vector<16xf32>,
        %broadcast_in_dim3A_160 = arith.constant 1 : i32
        %broadcast_in_dim3A_161 = vector.broadcast %broadcast_in_dim3A_160 : i32 to vector<16xi32>
        %gather3A_162 = tpu.vector_load_idx %arg5[%broadcast_in_dim3A_161, %convert_element_type3A] : memref<32x2048xf32, #tpu.memory_space<vmem>>[vector<16xi32>, vector<16xi32>], vector<16xf32>,
        %mul3A_163 = arith.mulf %get3A_140, %gather3A_162 : vector<16xf32>
        %gather3A_164 = tpu.vector_load_idx %arg5[%broadcast_in_dim3A_161, %convert_element_type3A_131] : memref<32x2048xf32, #tpu.memory_space<vmem>>[vector<16xi32>, vector<16xi32>], vector<16xf32>,
        %mul3A_165 = arith.mulf %get3A_144, %gather3A_164 : vector<16xf32>
        %add3A_166 = arith.addf %mul3A_163, %mul3A_165 : vector<16xf32>
        %gather3A_167 = tpu.vector_load_idx %arg5[%broadcast_in_dim3A_161, %convert_element_type3A_136] : memref<32x2048xf32, #tpu.memory_space<vmem>>[vector<16xi32>, vector<16xi32>], vector<16xf32>,
        %mul3A_168 = arith.mulf %get3A_148, %gather3A_167 : vector<16xf32>
        %add3A_169 = arith.addf %add3A_166, %mul3A_168 : vector<16xf32>
        %swap3A_170 = arith.constant 1 : i32
        %swap3A_171 = arith.index_cast %swap3A_170 : i32 to index
        %swap3A_172 = arith.index_cast %mul3A_123 : i32 to index
        %swap3A_173 = tpu.vector_load %arg9[%swap3A_171, %swap3A_172] {strides = array<i32>} : memref<32x256xf32, #tpu.memory_space<vmem>>, vector<16xf32>,
        tpu.vector_store %arg9[%swap3A_171, %swap3A_172], %add3A_169 {strides = array<i32>} : memref<32x256xf32, #tpu.memory_space<vmem>>, vector<16xf32>,
        %broadcast_in_dim3A_174 = arith.constant 2 : i32
        %broadcast_in_dim3A_175 = vector.broadcast %broadcast_in_dim3A_174 : i32 to vector<16xi32>
        %gather3A_176 = tpu.vector_load_idx %arg5[%broadcast_in_dim3A_175, %convert_element_type3A] : memref<32x2048xf32, #tpu.memory_space<vmem>>[vector<16xi32>, vector<16xi32>], vector<16xf32>,
        %mul3A_177 = arith.mulf %get3A_140, %gather3A_176 : vector<16xf32>
        %gather3A_178 = tpu.vector_load_idx %arg5[%broadcast_in_dim3A_175, %convert_element_type3A_131] : memref<32x2048xf32, #tpu.memory_space<vmem>>[vector<16xi32>, vector<16xi32>], vector<16xf32>,
        %mul3A_179 = arith.mulf %get3A_144, %gather3A_178 : vector<16xf32>
        %add3A_180 = arith.addf %mul3A_177, %mul3A_179 : vector<16xf32>
        %gather3A_181 = tpu.vector_load_idx %arg5[%broadcast_in_dim3A_175, %convert_element_type3A_136] : memref<32x2048xf32, #tpu.memory_space<vmem>>[vector<16xi32>, vector<16xi32>], vector<16xf32>,
        %mul3A_182 = arith.mulf %get3A_148, %gather3A_181 : vector<16xf32>
        %add3A_183 = arith.addf %add3A_180, %mul3A_182 : vector<16xf32>
        %swap3A_184 = arith.constant 2 : i32
        %swap3A_185 = arith.index_cast %swap3A_184 : i32 to index
        %swap3A_186 = arith.index_cast %mul3A_123 : i32 to index
        %swap3A_187 = tpu.vector_load %arg9[%swap3A_185, %swap3A_186] {strides = array<i32>} : memref<32x256xf32, #tpu.memory_space<vmem>>, vector<16xf32>,
        tpu.vector_store %arg9[%swap3A_185, %swap3A_186], %add3A_183 {strides = array<i32>} : memref<32x256xf32, #tpu.memory_space<vmem>>, vector<16xf32>,
        %broadcast_in_dim3A_188 = arith.constant 3 : i32
        %broadcast_in_dim3A_189 = vector.broadcast %broadcast_in_dim3A_188 : i32 to vector<16xi32>
        %gather3A_190 = tpu.vector_load_idx %arg5[%broadcast_in_dim3A_189, %convert_element_type3A] : memref<32x2048xf32, #tpu.memory_space<vmem>>[vector<16xi32>, vector<16xi32>], vector<16xf32>,
        %mul3A_191 = arith.mulf %get3A_140, %gather3A_190 : vector<16xf32>
        %gather3A_192 = tpu.vector_load_idx %arg5[%broadcast_in_dim3A_189, %convert_element_type3A_131] : memref<32x2048xf32, #tpu.memory_space<vmem>>[vector<16xi32>, vector<16xi32>], vector<16xf32>,
        %mul3A_193 = arith.mulf %get3A_144, %gather3A_192 : vector<16xf32>
        %add3A_194 = arith.addf %mul3A_191, %mul3A_193 : vector<16xf32>
        %gather3A_195 = tpu.vector_load_idx %arg5[%broadcast_in_dim3A_189, %convert_element_type3A_136] : memref<32x2048xf32, #tpu.memory_space<vmem>>[vector<16xi32>, vector<16xi32>], vector<16xf32>,
        %mul3A_196 = arith.mulf %get3A_148, %gather3A_195 : vector<16xf32>
        %add3A_197 = arith.addf %add3A_194, %mul3A_196 : vector<16xf32>
        %swap3A_198 = arith.constant 3 : i32
        %swap3A_199 = arith.index_cast %swap3A_198 : i32 to index
        %swap3A_200 = arith.index_cast %mul3A_123 : i32 to index
        %swap3A_201 = tpu.vector_load %arg9[%swap3A_199, %swap3A_200] {strides = array<i32>} : memref<32x256xf32, #tpu.memory_space<vmem>>, vector<16xf32>,
        tpu.vector_store %arg9[%swap3A_199, %swap3A_200], %add3A_197 {strides = array<i32>} : memref<32x256xf32, #tpu.memory_space<vmem>>, vector<16xf32>,
        %broadcast_in_dim3A_202 = arith.constant 4 : i32
        %broadcast_in_dim3A_203 = vector.broadcast %broadcast_in_dim3A_202 : i32 to vector<16xi32>
        %gather3A_204 = tpu.vector_load_idx %arg5[%broadcast_in_dim3A_203, %convert_element_type3A] : memref<32x2048xf32, #tpu.memory_space<vmem>>[vector<16xi32>, vector<16xi32>], vector<16xf32>,
        %mul3A_205 = arith.mulf %get3A_140, %gather3A_204 : vector<16xf32>
        %gather3A_206 = tpu.vector_load_idx %arg5[%broadcast_in_dim3A_203, %convert_element_type3A_131] : memref<32x2048xf32, #tpu.memory_space<vmem>>[vector<16xi32>, vector<16xi32>], vector<16xf32>,
        %mul3A_207 = arith.mulf %get3A_144, %gather3A_206 : vector<16xf32>
        %add3A_208 = arith.addf %mul3A_205, %mul3A_207 : vector<16xf32>
        %gather3A_209 = tpu.vector_load_idx %arg5[%broadcast_in_dim3A_203, %convert_element_type3A_136] : memref<32x2048xf32, #tpu.memory_space<vmem>>[vector<16xi32>, vector<16xi32>], vector<16xf32>,
        %mul3A_210 = arith.mulf %get3A_148, %gather3A_209 : vector<16xf32>
        %add3A_211 = arith.addf %add3A_208, %mul3A_210 : vector<16xf32>
        %swap3A_212 = arith.constant 4 : i32
        %swap3A_213 = arith.index_cast %swap3A_212 : i32 to index
        %swap3A_214 = arith.index_cast %mul3A_123 : i32 to index
        %swap3A_215 = tpu.vector_load %arg9[%swap3A_213, %swap3A_214] {strides = array<i32>} : memref<32x256xf32, #tpu.memory_space<vmem>>, vector<16xf32>,
        tpu.vector_store %arg9[%swap3A_213, %swap3A_214], %add3A_211 {strides = array<i32>} : memref<32x256xf32, #tpu.memory_space<vmem>>, vector<16xf32>,
        %broadcast_in_dim3A_216 = arith.constant 5 : i32
        %broadcast_in_dim3A_217 = vector.broadcast %broadcast_in_dim3A_216 : i32 to vector<16xi32>
        %gather3A_218 = tpu.vector_load_idx %arg5[%broadcast_in_dim3A_217, %convert_element_type3A] : memref<32x2048xf32, #tpu.memory_space<vmem>>[vector<16xi32>, vector<16xi32>], vector<16xf32>,
        %mul3A_219 = arith.mulf %get3A_140, %gather3A_218 : vector<16xf32>
        %gather3A_220 = tpu.vector_load_idx %arg5[%broadcast_in_dim3A_217, %convert_element_type3A_131] : memref<32x2048xf32, #tpu.memory_space<vmem>>[vector<16xi32>, vector<16xi32>], vector<16xf32>,
        %mul3A_221 = arith.mulf %get3A_144, %gather3A_220 : vector<16xf32>
        %add3A_222 = arith.addf %mul3A_219, %mul3A_221 : vector<16xf32>
        %gather3A_223 = tpu.vector_load_idx %arg5[%broadcast_in_dim3A_217, %convert_element_type3A_136] : memref<32x2048xf32, #tpu.memory_space<vmem>>[vector<16xi32>, vector<16xi32>], vector<16xf32>,
        %mul3A_224 = arith.mulf %get3A_148, %gather3A_223 : vector<16xf32>
        %add3A_225 = arith.addf %add3A_222, %mul3A_224 : vector<16xf32>
        %swap3A_226 = arith.constant 5 : i32
        %swap3A_227 = arith.index_cast %swap3A_226 : i32 to index
        %swap3A_228 = arith.index_cast %mul3A_123 : i32 to index
        %swap3A_229 = tpu.vector_load %arg9[%swap3A_227, %swap3A_228] {strides = array<i32>} : memref<32x256xf32, #tpu.memory_space<vmem>>, vector<16xf32>,
        tpu.vector_store %arg9[%swap3A_227, %swap3A_228], %add3A_225 {strides = array<i32>} : memref<32x256xf32, #tpu.memory_space<vmem>>, vector<16xf32>,
        %broadcast_in_dim3A_230 = arith.constant 6 : i32
        %broadcast_in_dim3A_231 = vector.broadcast %broadcast_in_dim3A_230 : i32 to vector<16xi32>
        %gather3A_232 = tpu.vector_load_idx %arg5[%broadcast_in_dim3A_231, %convert_element_type3A] : memref<32x2048xf32, #tpu.memory_space<vmem>>[vector<16xi32>, vector<16xi32>], vector<16xf32>,
        %mul3A_233 = arith.mulf %get3A_140, %gather3A_232 : vector<16xf32>
        %gather3A_234 = tpu.vector_load_idx %arg5[%broadcast_in_dim3A_231, %convert_element_type3A_131] : memref<32x2048xf32, #tpu.memory_space<vmem>>[vector<16xi32>, vector<16xi32>], vector<16xf32>,
        %mul3A_235 = arith.mulf %get3A_144, %gather3A_234 : vector<16xf32>
        %add3A_236 = arith.addf %mul3A_233, %mul3A_235 : vector<16xf32>
        %gather3A_237 = tpu.vector_load_idx %arg5[%broadcast_in_dim3A_231, %convert_element_type3A_136] : memref<32x2048xf32, #tpu.memory_space<vmem>>[vector<16xi32>, vector<16xi32>], vector<16xf32>,
        %mul3A_238 = arith.mulf %get3A_148, %gather3A_237 : vector<16xf32>
        %add3A_239 = arith.addf %add3A_236, %mul3A_238 : vector<16xf32>
        %swap3A_240 = arith.constant 6 : i32
        %swap3A_241 = arith.index_cast %swap3A_240 : i32 to index
        %swap3A_242 = arith.index_cast %mul3A_123 : i32 to index
        %swap3A_243 = tpu.vector_load %arg9[%swap3A_241, %swap3A_242] {strides = array<i32>} : memref<32x256xf32, #tpu.memory_space<vmem>>, vector<16xf32>,
        tpu.vector_store %arg9[%swap3A_241, %swap3A_242], %add3A_239 {strides = array<i32>} : memref<32x256xf32, #tpu.memory_space<vmem>>, vector<16xf32>,
        %broadcast_in_dim3A_244 = arith.constant 7 : i32
        %broadcast_in_dim3A_245 = vector.broadcast %broadcast_in_dim3A_244 : i32 to vector<16xi32>
        %gather3A_246 = tpu.vector_load_idx %arg5[%broadcast_in_dim3A_245, %convert_element_type3A] : memref<32x2048xf32, #tpu.memory_space<vmem>>[vector<16xi32>, vector<16xi32>], vector<16xf32>,
        %mul3A_247 = arith.mulf %get3A_140, %gather3A_246 : vector<16xf32>
        %gather3A_248 = tpu.vector_load_idx %arg5[%broadcast_in_dim3A_245, %convert_element_type3A_131] : memref<32x2048xf32, #tpu.memory_space<vmem>>[vector<16xi32>, vector<16xi32>], vector<16xf32>,
        %mul3A_249 = arith.mulf %get3A_144, %gather3A_248 : vector<16xf32>
        %add3A_250 = arith.addf %mul3A_247, %mul3A_249 : vector<16xf32>
        %gather3A_251 = tpu.vector_load_idx %arg5[%broadcast_in_dim3A_245, %convert_element_type3A_136] : memref<32x2048xf32, #tpu.memory_space<vmem>>[vector<16xi32>, vector<16xi32>], vector<16xf32>,
        %mul3A_252 = arith.mulf %get3A_148, %gather3A_251 : vector<16xf32>
        %add3A_253 = arith.addf %add3A_250, %mul3A_252 : vector<16xf32>
        %swap3A_254 = arith.constant 7 : i32
        %swap3A_255 = arith.index_cast %swap3A_254 : i32 to index
        %swap3A_256 = arith.index_cast %mul3A_123 : i32 to index
        %swap3A_257 = tpu.vector_load %arg9[%swap3A_255, %swap3A_256] {strides = array<i32>} : memref<32x256xf32, #tpu.memory_space<vmem>>, vector<16xf32>,
        tpu.vector_store %arg9[%swap3A_255, %swap3A_256], %add3A_253 {strides = array<i32>} : memref<32x256xf32, #tpu.memory_space<vmem>>, vector<16xf32>,
        %broadcast_in_dim3A_258 = arith.constant 8 : i32
        %broadcast_in_dim3A_259 = vector.broadcast %broadcast_in_dim3A_258 : i32 to vector<16xi32>
        %gather3A_260 = tpu.vector_load_idx %arg5[%broadcast_in_dim3A_259, %convert_element_type3A] : memref<32x2048xf32, #tpu.memory_space<vmem>>[vector<16xi32>, vector<16xi32>], vector<16xf32>,
        %mul3A_261 = arith.mulf %get3A_140, %gather3A_260 : vector<16xf32>
        %gather3A_262 = tpu.vector_load_idx %arg5[%broadcast_in_dim3A_259, %convert_element_type3A_131] : memref<32x2048xf32, #tpu.memory_space<vmem>>[vector<16xi32>, vector<16xi32>], vector<16xf32>,
        %mul3A_263 = arith.mulf %get3A_144, %gather3A_262 : vector<16xf32>
        %add3A_264 = arith.addf %mul3A_261, %mul3A_263 : vector<16xf32>
        %gather3A_265 = tpu.vector_load_idx %arg5[%broadcast_in_dim3A_259, %convert_element_type3A_136] : memref<32x2048xf32, #tpu.memory_space<vmem>>[vector<16xi32>, vector<16xi32>], vector<16xf32>,
        %mul3A_266 = arith.mulf %get3A_148, %gather3A_265 : vector<16xf32>
        %add3A_267 = arith.addf %add3A_264, %mul3A_266 : vector<16xf32>
        %swap3A_268 = arith.constant 8 : i32
        %swap3A_269 = arith.index_cast %swap3A_268 : i32 to index
        %swap3A_270 = arith.index_cast %mul3A_123 : i32 to index
        %swap3A_271 = tpu.vector_load %arg9[%swap3A_269, %swap3A_270] {strides = array<i32>} : memref<32x256xf32, #tpu.memory_space<vmem>>, vector<16xf32>,
        tpu.vector_store %arg9[%swap3A_269, %swap3A_270], %add3A_267 {strides = array<i32>} : memref<32x256xf32, #tpu.memory_space<vmem>>, vector<16xf32>,
        %broadcast_in_dim3A_272 = arith.constant 9 : i32
        %broadcast_in_dim3A_273 = vector.broadcast %broadcast_in_dim3A_272 : i32 to vector<16xi32>
        %gather3A_274 = tpu.vector_load_idx %arg5[%broadcast_in_dim3A_273, %convert_element_type3A] : memref<32x2048xf32, #tpu.memory_space<vmem>>[vector<16xi32>, vector<16xi32>], vector<16xf32>,
        %mul3A_275 = arith.mulf %get3A_140, %gather3A_274 : vector<16xf32>
        %gather3A_276 = tpu.vector_load_idx %arg5[%broadcast_in_dim3A_273, %convert_element_type3A_131] : memref<32x2048xf32, #tpu.memory_space<vmem>>[vector<16xi32>, vector<16xi32>], vector<16xf32>,
        %mul3A_277 = arith.mulf %get3A_144, %gather3A_276 : vector<16xf32>
        %add3A_278 = arith.addf %mul3A_275, %mul3A_277 : vector<16xf32>
        %gather3A_279 = tpu.vector_load_idx %arg5[%broadcast_in_dim3A_273, %convert_element_type3A_136] : memref<32x2048xf32, #tpu.memory_space<vmem>>[vector<16xi32>, vector<16xi32>], vector<16xf32>,
        %mul3A_280 = arith.mulf %get3A_148, %gather3A_279 : vector<16xf32>
        %add3A_281 = arith.addf %add3A_278, %mul3A_280 : vector<16xf32>
        %swap3A_282 = arith.constant 9 : i32
        %swap3A_283 = arith.index_cast %swap3A_282 : i32 to index
        %swap3A_284 = arith.index_cast %mul3A_123 : i32 to index
        %swap3A_285 = tpu.vector_load %arg9[%swap3A_283, %swap3A_284] {strides = array<i32>} : memref<32x256xf32, #tpu.memory_space<vmem>>, vector<16xf32>,
        tpu.vector_store %arg9[%swap3A_283, %swap3A_284], %add3A_281 {strides = array<i32>} : memref<32x256xf32, #tpu.memory_space<vmem>>, vector<16xf32>,
        %broadcast_in_dim3A_286 = arith.constant 10 : i32
        %broadcast_in_dim3A_287 = vector.broadcast %broadcast_in_dim3A_286 : i32 to vector<16xi32>
        %gather3A_288 = tpu.vector_load_idx %arg5[%broadcast_in_dim3A_287, %convert_element_type3A] : memref<32x2048xf32, #tpu.memory_space<vmem>>[vector<16xi32>, vector<16xi32>], vector<16xf32>,
        %mul3A_289 = arith.mulf %get3A_140, %gather3A_288 : vector<16xf32>
        %gather3A_290 = tpu.vector_load_idx %arg5[%broadcast_in_dim3A_287, %convert_element_type3A_131] : memref<32x2048xf32, #tpu.memory_space<vmem>>[vector<16xi32>, vector<16xi32>], vector<16xf32>,
        %mul3A_291 = arith.mulf %get3A_144, %gather3A_290 : vector<16xf32>
        %add3A_292 = arith.addf %mul3A_289, %mul3A_291 : vector<16xf32>
        %gather3A_293 = tpu.vector_load_idx %arg5[%broadcast_in_dim3A_287, %convert_element_type3A_136] : memref<32x2048xf32, #tpu.memory_space<vmem>>[vector<16xi32>, vector<16xi32>], vector<16xf32>,
        %mul3A_294 = arith.mulf %get3A_148, %gather3A_293 : vector<16xf32>
        %add3A_295 = arith.addf %add3A_292, %mul3A_294 : vector<16xf32>
        %swap3A_296 = arith.constant 10 : i32
        %swap3A_297 = arith.index_cast %swap3A_296 : i32 to index
        %swap3A_298 = arith.index_cast %mul3A_123 : i32 to index
        %swap3A_299 = tpu.vector_load %arg9[%swap3A_297, %swap3A_298] {strides = array<i32>} : memref<32x256xf32, #tpu.memory_space<vmem>>, vector<16xf32>,
        tpu.vector_store %arg9[%swap3A_297, %swap3A_298], %add3A_295 {strides = array<i32>} : memref<32x256xf32, #tpu.memory_space<vmem>>, vector<16xf32>,
        %broadcast_in_dim3A_300 = arith.constant 11 : i32
        %broadcast_in_dim3A_301 = vector.broadcast %broadcast_in_dim3A_300 : i32 to vector<16xi32>
        %gather3A_302 = tpu.vector_load_idx %arg5[%broadcast_in_dim3A_301, %convert_element_type3A] : memref<32x2048xf32, #tpu.memory_space<vmem>>[vector<16xi32>, vector<16xi32>], vector<16xf32>,
        %mul3A_303 = arith.mulf %get3A_140, %gather3A_302 : vector<16xf32>
        %gather3A_304 = tpu.vector_load_idx %arg5[%broadcast_in_dim3A_301, %convert_element_type3A_131] : memref<32x2048xf32, #tpu.memory_space<vmem>>[vector<16xi32>, vector<16xi32>], vector<16xf32>,
        %mul3A_305 = arith.mulf %get3A_144, %gather3A_304 : vector<16xf32>
        %add3A_306 = arith.addf %mul3A_303, %mul3A_305 : vector<16xf32>
        %gather3A_307 = tpu.vector_load_idx %arg5[%broadcast_in_dim3A_301, %convert_element_type3A_136] : memref<32x2048xf32, #tpu.memory_space<vmem>>[vector<16xi32>, vector<16xi32>], vector<16xf32>,
        %mul3A_308 = arith.mulf %get3A_148, %gather3A_307 : vector<16xf32>
        %add3A_309 = arith.addf %add3A_306, %mul3A_308 : vector<16xf32>
        %swap3A_310 = arith.constant 11 : i32
        %swap3A_311 = arith.index_cast %swap3A_310 : i32 to index
        %swap3A_312 = arith.index_cast %mul3A_123 : i32 to index
        %swap3A_313 = tpu.vector_load %arg9[%swap3A_311, %swap3A_312] {strides = array<i32>} : memref<32x256xf32, #tpu.memory_space<vmem>>, vector<16xf32>,
        tpu.vector_store %arg9[%swap3A_311, %swap3A_312], %add3A_309 {strides = array<i32>} : memref<32x256xf32, #tpu.memory_space<vmem>>, vector<16xf32>,
        %broadcast_in_dim3A_314 = arith.constant 12 : i32
        %broadcast_in_dim3A_315 = vector.broadcast %broadcast_in_dim3A_314 : i32 to vector<16xi32>
        %gather3A_316 = tpu.vector_load_idx %arg5[%broadcast_in_dim3A_315, %convert_element_type3A] : memref<32x2048xf32, #tpu.memory_space<vmem>>[vector<16xi32>, vector<16xi32>], vector<16xf32>,
        %mul3A_317 = arith.mulf %get3A_140, %gather3A_316 : vector<16xf32>
        %gather3A_318 = tpu.vector_load_idx %arg5[%broadcast_in_dim3A_315, %convert_element_type3A_131] : memref<32x2048xf32, #tpu.memory_space<vmem>>[vector<16xi32>, vector<16xi32>], vector<16xf32>,
        %mul3A_319 = arith.mulf %get3A_144, %gather3A_318 : vector<16xf32>
        %add3A_320 = arith.addf %mul3A_317, %mul3A_319 : vector<16xf32>
        %gather3A_321 = tpu.vector_load_idx %arg5[%broadcast_in_dim3A_315, %convert_element_type3A_136] : memref<32x2048xf32, #tpu.memory_space<vmem>>[vector<16xi32>, vector<16xi32>], vector<16xf32>,
        %mul3A_322 = arith.mulf %get3A_148, %gather3A_321 : vector<16xf32>
        %add3A_323 = arith.addf %add3A_320, %mul3A_322 : vector<16xf32>
        %swap3A_324 = arith.constant 12 : i32
        %swap3A_325 = arith.index_cast %swap3A_324 : i32 to index
        %swap3A_326 = arith.index_cast %mul3A_123 : i32 to index
        %swap3A_327 = tpu.vector_load %arg9[%swap3A_325, %swap3A_326] {strides = array<i32>} : memref<32x256xf32, #tpu.memory_space<vmem>>, vector<16xf32>,
        tpu.vector_store %arg9[%swap3A_325, %swap3A_326], %add3A_323 {strides = array<i32>} : memref<32x256xf32, #tpu.memory_space<vmem>>, vector<16xf32>,
        %broadcast_in_dim3A_328 = arith.constant 13 : i32
        %broadcast_in_dim3A_329 = vector.broadcast %broadcast_in_dim3A_328 : i32 to vector<16xi32>
        %gather3A_330 = tpu.vector_load_idx %arg5[%broadcast_in_dim3A_329, %convert_element_type3A] : memref<32x2048xf32, #tpu.memory_space<vmem>>[vector<16xi32>, vector<16xi32>], vector<16xf32>,
        %mul3A_331 = arith.mulf %get3A_140, %gather3A_330 : vector<16xf32>
        %gather3A_332 = tpu.vector_load_idx %arg5[%broadcast_in_dim3A_329, %convert_element_type3A_131] : memref<32x2048xf32, #tpu.memory_space<vmem>>[vector<16xi32>, vector<16xi32>], vector<16xf32>,
        %mul3A_333 = arith.mulf %get3A_144, %gather3A_332 : vector<16xf32>
        %add3A_334 = arith.addf %mul3A_331, %mul3A_333 : vector<16xf32>
        %gather3A_335 = tpu.vector_load_idx %arg5[%broadcast_in_dim3A_329, %convert_element_type3A_136] : memref<32x2048xf32, #tpu.memory_space<vmem>>[vector<16xi32>, vector<16xi32>], vector<16xf32>,
        %mul3A_336 = arith.mulf %get3A_148, %gather3A_335 : vector<16xf32>
        %add3A_337 = arith.addf %add3A_334, %mul3A_336 : vector<16xf32>
        %swap3A_338 = arith.constant 13 : i32
        %swap3A_339 = arith.index_cast %swap3A_338 : i32 to index
        %swap3A_340 = arith.index_cast %mul3A_123 : i32 to index
        %swap3A_341 = tpu.vector_load %arg9[%swap3A_339, %swap3A_340] {strides = array<i32>} : memref<32x256xf32, #tpu.memory_space<vmem>>, vector<16xf32>,
        tpu.vector_store %arg9[%swap3A_339, %swap3A_340], %add3A_337 {strides = array<i32>} : memref<32x256xf32, #tpu.memory_space<vmem>>, vector<16xf32>,
        %broadcast_in_dim3A_342 = arith.constant 14 : i32
        %broadcast_in_dim3A_343 = vector.broadcast %broadcast_in_dim3A_342 : i32 to vector<16xi32>
        %gather3A_344 = tpu.vector_load_idx %arg5[%broadcast_in_dim3A_343, %convert_element_type3A] : memref<32x2048xf32, #tpu.memory_space<vmem>>[vector<16xi32>, vector<16xi32>], vector<16xf32>,
        %mul3A_345 = arith.mulf %get3A_140, %gather3A_344 : vector<16xf32>
        %gather3A_346 = tpu.vector_load_idx %arg5[%broadcast_in_dim3A_343, %convert_element_type3A_131] : memref<32x2048xf32, #tpu.memory_space<vmem>>[vector<16xi32>, vector<16xi32>], vector<16xf32>,
        %mul3A_347 = arith.mulf %get3A_144, %gather3A_346 : vector<16xf32>
        %add3A_348 = arith.addf %mul3A_345, %mul3A_347 : vector<16xf32>
        %gather3A_349 = tpu.vector_load_idx %arg5[%broadcast_in_dim3A_343, %convert_element_type3A_136] : memref<32x2048xf32, #tpu.memory_space<vmem>>[vector<16xi32>, vector<16xi32>], vector<16xf32>,
        %mul3A_350 = arith.mulf %get3A_148, %gather3A_349 : vector<16xf32>
        %add3A_351 = arith.addf %add3A_348, %mul3A_350 : vector<16xf32>
        %swap3A_352 = arith.constant 14 : i32
        %swap3A_353 = arith.index_cast %swap3A_352 : i32 to index
        %swap3A_354 = arith.index_cast %mul3A_123 : i32 to index
        %swap3A_355 = tpu.vector_load %arg9[%swap3A_353, %swap3A_354] {strides = array<i32>} : memref<32x256xf32, #tpu.memory_space<vmem>>, vector<16xf32>,
        tpu.vector_store %arg9[%swap3A_353, %swap3A_354], %add3A_351 {strides = array<i32>} : memref<32x256xf32, #tpu.memory_space<vmem>>, vector<16xf32>,
        %broadcast_in_dim3A_356 = arith.constant 15 : i32
        %broadcast_in_dim3A_357 = vector.broadcast %broadcast_in_dim3A_356 : i32 to vector<16xi32>
        %gather3A_358 = tpu.vector_load_idx %arg5[%broadcast_in_dim3A_357, %convert_element_type3A] : memref<32x2048xf32, #tpu.memory_space<vmem>>[vector<16xi32>, vector<16xi32>], vector<16xf32>,
        %mul3A_359 = arith.mulf %get3A_140, %gather3A_358 : vector<16xf32>
        %gather3A_360 = tpu.vector_load_idx %arg5[%broadcast_in_dim3A_357, %convert_element_type3A_131] : memref<32x2048xf32, #tpu.memory_space<vmem>>[vector<16xi32>, vector<16xi32>], vector<16xf32>,
        %mul3A_361 = arith.mulf %get3A_144, %gather3A_360 : vector<16xf32>
        %add3A_362 = arith.addf %mul3A_359, %mul3A_361 : vector<16xf32>
        %gather3A_363 = tpu.vector_load_idx %arg5[%broadcast_in_dim3A_357, %convert_element_type3A_136] : memref<32x2048xf32, #tpu.memory_space<vmem>>[vector<16xi32>, vector<16xi32>], vector<16xf32>,
        %mul3A_364 = arith.mulf %get3A_148, %gather3A_363 : vector<16xf32>
        %add3A_365 = arith.addf %add3A_362, %mul3A_364 : vector<16xf32>
        %swap3A_366 = arith.constant 15 : i32
        %swap3A_367 = arith.index_cast %swap3A_366 : i32 to index
        %swap3A_368 = arith.index_cast %mul3A_123 : i32 to index
        %swap3A_369 = tpu.vector_load %arg9[%swap3A_367, %swap3A_368] {strides = array<i32>} : memref<32x256xf32, #tpu.memory_space<vmem>>, vector<16xf32>,
        tpu.vector_store %arg9[%swap3A_367, %swap3A_368], %add3A_365 {strides = array<i32>} : memref<32x256xf32, #tpu.memory_space<vmem>>, vector<16xf32>,
        %broadcast_in_dim3A_370 = arith.constant 16 : i32
        %broadcast_in_dim3A_371 = vector.broadcast %broadcast_in_dim3A_370 : i32 to vector<16xi32>
        %gather3A_372 = tpu.vector_load_idx %arg5[%broadcast_in_dim3A_371, %convert_element_type3A] : memref<32x2048xf32, #tpu.memory_space<vmem>>[vector<16xi32>, vector<16xi32>], vector<16xf32>,
        %mul3A_373 = arith.mulf %get3A_140, %gather3A_372 : vector<16xf32>
        %gather3A_374 = tpu.vector_load_idx %arg5[%broadcast_in_dim3A_371, %convert_element_type3A_131] : memref<32x2048xf32, #tpu.memory_space<vmem>>[vector<16xi32>, vector<16xi32>], vector<16xf32>,
        %mul3A_375 = arith.mulf %get3A_144, %gather3A_374 : vector<16xf32>
        %add3A_376 = arith.addf %mul3A_373, %mul3A_375 : vector<16xf32>
        %gather3A_377 = tpu.vector_load_idx %arg5[%broadcast_in_dim3A_371, %convert_element_type3A_136] : memref<32x2048xf32, #tpu.memory_space<vmem>>[vector<16xi32>, vector<16xi32>], vector<16xf32>,
        %mul3A_378 = arith.mulf %get3A_148, %gather3A_377 : vector<16xf32>
        %add3A_379 = arith.addf %add3A_376, %mul3A_378 : vector<16xf32>
        %swap3A_380 = arith.constant 16 : i32
        %swap3A_381 = arith.index_cast %swap3A_380 : i32 to index
        %swap3A_382 = arith.index_cast %mul3A_123 : i32 to index
        %swap3A_383 = tpu.vector_load %arg9[%swap3A_381, %swap3A_382] {strides = array<i32>} : memref<32x256xf32, #tpu.memory_space<vmem>>, vector<16xf32>,
        tpu.vector_store %arg9[%swap3A_381, %swap3A_382], %add3A_379 {strides = array<i32>} : memref<32x256xf32, #tpu.memory_space<vmem>>, vector<16xf32>,
        %broadcast_in_dim3A_384 = arith.constant 17 : i32
        %broadcast_in_dim3A_385 = vector.broadcast %broadcast_in_dim3A_384 : i32 to vector<16xi32>
        %gather3A_386 = tpu.vector_load_idx %arg5[%broadcast_in_dim3A_385, %convert_element_type3A] : memref<32x2048xf32, #tpu.memory_space<vmem>>[vector<16xi32>, vector<16xi32>], vector<16xf32>,
        %mul3A_387 = arith.mulf %get3A_140, %gather3A_386 : vector<16xf32>
        %gather3A_388 = tpu.vector_load_idx %arg5[%broadcast_in_dim3A_385, %convert_element_type3A_131] : memref<32x2048xf32, #tpu.memory_space<vmem>>[vector<16xi32>, vector<16xi32>], vector<16xf32>,
        %mul3A_389 = arith.mulf %get3A_144, %gather3A_388 : vector<16xf32>
        %add3A_390 = arith.addf %mul3A_387, %mul3A_389 : vector<16xf32>
        %gather3A_391 = tpu.vector_load_idx %arg5[%broadcast_in_dim3A_385, %convert_element_type3A_136] : memref<32x2048xf32, #tpu.memory_space<vmem>>[vector<16xi32>, vector<16xi32>], vector<16xf32>,
        %mul3A_392 = arith.mulf %get3A_148, %gather3A_391 : vector<16xf32>
        %add3A_393 = arith.addf %add3A_390, %mul3A_392 : vector<16xf32>
        %swap3A_394 = arith.constant 17 : i32
        %swap3A_395 = arith.index_cast %swap3A_394 : i32 to index
        %swap3A_396 = arith.index_cast %mul3A_123 : i32 to index
        %swap3A_397 = tpu.vector_load %arg9[%swap3A_395, %swap3A_396] {strides = array<i32>} : memref<32x256xf32, #tpu.memory_space<vmem>>, vector<16xf32>,
        tpu.vector_store %arg9[%swap3A_395, %swap3A_396], %add3A_393 {strides = array<i32>} : memref<32x256xf32, #tpu.memory_space<vmem>>, vector<16xf32>,
        %broadcast_in_dim3A_398 = arith.constant 18 : i32
        %broadcast_in_dim3A_399 = vector.broadcast %broadcast_in_dim3A_398 : i32 to vector<16xi32>
        %gather3A_400 = tpu.vector_load_idx %arg5[%broadcast_in_dim3A_399, %convert_element_type3A] : memref<32x2048xf32, #tpu.memory_space<vmem>>[vector<16xi32>, vector<16xi32>], vector<16xf32>,
        %mul3A_401 = arith.mulf %get3A_140, %gather3A_400 : vector<16xf32>
        %gather3A_402 = tpu.vector_load_idx %arg5[%broadcast_in_dim3A_399, %convert_element_type3A_131] : memref<32x2048xf32, #tpu.memory_space<vmem>>[vector<16xi32>, vector<16xi32>], vector<16xf32>,
        %mul3A_403 = arith.mulf %get3A_144, %gather3A_402 : vector<16xf32>
        %add3A_404 = arith.addf %mul3A_401, %mul3A_403 : vector<16xf32>
        %gather3A_405 = tpu.vector_load_idx %arg5[%broadcast_in_dim3A_399, %convert_element_type3A_136] : memref<32x2048xf32, #tpu.memory_space<vmem>>[vector<16xi32>, vector<16xi32>], vector<16xf32>,
        %mul3A_406 = arith.mulf %get3A_148, %gather3A_405 : vector<16xf32>
        %add3A_407 = arith.addf %add3A_404, %mul3A_406 : vector<16xf32>
        %swap3A_408 = arith.constant 18 : i32
        %swap3A_409 = arith.index_cast %swap3A_408 : i32 to index
        %swap3A_410 = arith.index_cast %mul3A_123 : i32 to index
        %swap3A_411 = tpu.vector_load %arg9[%swap3A_409, %swap3A_410] {strides = array<i32>} : memref<32x256xf32, #tpu.memory_space<vmem>>, vector<16xf32>,
        tpu.vector_store %arg9[%swap3A_409, %swap3A_410], %add3A_407 {strides = array<i32>} : memref<32x256xf32, #tpu.memory_space<vmem>>, vector<16xf32>,
        %broadcast_in_dim3A_412 = arith.constant 19 : i32
        %broadcast_in_dim3A_413 = vector.broadcast %broadcast_in_dim3A_412 : i32 to vector<16xi32>
        %gather3A_414 = tpu.vector_load_idx %arg5[%broadcast_in_dim3A_413, %convert_element_type3A] : memref<32x2048xf32, #tpu.memory_space<vmem>>[vector<16xi32>, vector<16xi32>], vector<16xf32>,
        %mul3A_415 = arith.mulf %get3A_140, %gather3A_414 : vector<16xf32>
        %gather3A_416 = tpu.vector_load_idx %arg5[%broadcast_in_dim3A_413, %convert_element_type3A_131] : memref<32x2048xf32, #tpu.memory_space<vmem>>[vector<16xi32>, vector<16xi32>], vector<16xf32>,
        %mul3A_417 = arith.mulf %get3A_144, %gather3A_416 : vector<16xf32>
        %add3A_418 = arith.addf %mul3A_415, %mul3A_417 : vector<16xf32>
        %gather3A_419 = tpu.vector_load_idx %arg5[%broadcast_in_dim3A_413, %convert_element_type3A_136] : memref<32x2048xf32, #tpu.memory_space<vmem>>[vector<16xi32>, vector<16xi32>], vector<16xf32>,
        %mul3A_420 = arith.mulf %get3A_148, %gather3A_419 : vector<16xf32>
        %add3A_421 = arith.addf %add3A_418, %mul3A_420 : vector<16xf32>
        %swap3A_422 = arith.constant 19 : i32
        %swap3A_423 = arith.index_cast %swap3A_422 : i32 to index
        %swap3A_424 = arith.index_cast %mul3A_123 : i32 to index
        %swap3A_425 = tpu.vector_load %arg9[%swap3A_423, %swap3A_424] {strides = array<i32>} : memref<32x256xf32, #tpu.memory_space<vmem>>, vector<16xf32>,
        tpu.vector_store %arg9[%swap3A_423, %swap3A_424], %add3A_421 {strides = array<i32>} : memref<32x256xf32, #tpu.memory_space<vmem>>, vector<16xf32>,
        %broadcast_in_dim3A_426 = arith.constant 20 : i32
        %broadcast_in_dim3A_427 = vector.broadcast %broadcast_in_dim3A_426 : i32 to vector<16xi32>
        %gather3A_428 = tpu.vector_load_idx %arg5[%broadcast_in_dim3A_427, %convert_element_type3A] : memref<32x2048xf32, #tpu.memory_space<vmem>>[vector<16xi32>, vector<16xi32>], vector<16xf32>,
        %mul3A_429 = arith.mulf %get3A_140, %gather3A_428 : vector<16xf32>
        %gather3A_430 = tpu.vector_load_idx %arg5[%broadcast_in_dim3A_427, %convert_element_type3A_131] : memref<32x2048xf32, #tpu.memory_space<vmem>>[vector<16xi32>, vector<16xi32>], vector<16xf32>,
        %mul3A_431 = arith.mulf %get3A_144, %gather3A_430 : vector<16xf32>
        %add3A_432 = arith.addf %mul3A_429, %mul3A_431 : vector<16xf32>
        %gather3A_433 = tpu.vector_load_idx %arg5[%broadcast_in_dim3A_427, %convert_element_type3A_136] : memref<32x2048xf32, #tpu.memory_space<vmem>>[vector<16xi32>, vector<16xi32>], vector<16xf32>,
        %mul3A_434 = arith.mulf %get3A_148, %gather3A_433 : vector<16xf32>
        %add3A_435 = arith.addf %add3A_432, %mul3A_434 : vector<16xf32>
        %swap3A_436 = arith.constant 20 : i32
        %swap3A_437 = arith.index_cast %swap3A_436 : i32 to index
        %swap3A_438 = arith.index_cast %mul3A_123 : i32 to index
        %swap3A_439 = tpu.vector_load %arg9[%swap3A_437, %swap3A_438] {strides = array<i32>} : memref<32x256xf32, #tpu.memory_space<vmem>>, vector<16xf32>,
        tpu.vector_store %arg9[%swap3A_437, %swap3A_438], %add3A_435 {strides = array<i32>} : memref<32x256xf32, #tpu.memory_space<vmem>>, vector<16xf32>,
        %broadcast_in_dim3A_440 = arith.constant 21 : i32
        %broadcast_in_dim3A_441 = vector.broadcast %broadcast_in_dim3A_440 : i32 to vector<16xi32>
        %gather3A_442 = tpu.vector_load_idx %arg5[%broadcast_in_dim3A_441, %convert_element_type3A] : memref<32x2048xf32, #tpu.memory_space<vmem>>[vector<16xi32>, vector<16xi32>], vector<16xf32>,
        %mul3A_443 = arith.mulf %get3A_140, %gather3A_442 : vector<16xf32>
        %gather3A_444 = tpu.vector_load_idx %arg5[%broadcast_in_dim3A_441, %convert_element_type3A_131] : memref<32x2048xf32, #tpu.memory_space<vmem>>[vector<16xi32>, vector<16xi32>], vector<16xf32>,
        %mul3A_445 = arith.mulf %get3A_144, %gather3A_444 : vector<16xf32>
        %add3A_446 = arith.addf %mul3A_443, %mul3A_445 : vector<16xf32>
        %gather3A_447 = tpu.vector_load_idx %arg5[%broadcast_in_dim3A_441, %convert_element_type3A_136] : memref<32x2048xf32, #tpu.memory_space<vmem>>[vector<16xi32>, vector<16xi32>], vector<16xf32>,
        %mul3A_448 = arith.mulf %get3A_148, %gather3A_447 : vector<16xf32>
        %add3A_449 = arith.addf %add3A_446, %mul3A_448 : vector<16xf32>
        %swap3A_450 = arith.constant 21 : i32
        %swap3A_451 = arith.index_cast %swap3A_450 : i32 to index
        %swap3A_452 = arith.index_cast %mul3A_123 : i32 to index
        %swap3A_453 = tpu.vector_load %arg9[%swap3A_451, %swap3A_452] {strides = array<i32>} : memref<32x256xf32, #tpu.memory_space<vmem>>, vector<16xf32>,
        tpu.vector_store %arg9[%swap3A_451, %swap3A_452], %add3A_449 {strides = array<i32>} : memref<32x256xf32, #tpu.memory_space<vmem>>, vector<16xf32>,
        %broadcast_in_dim3A_454 = arith.constant 22 : i32
        %broadcast_in_dim3A_455 = vector.broadcast %broadcast_in_dim3A_454 : i32 to vector<16xi32>
        %gather3A_456 = tpu.vector_load_idx %arg5[%broadcast_in_dim3A_455, %convert_element_type3A] : memref<32x2048xf32, #tpu.memory_space<vmem>>[vector<16xi32>, vector<16xi32>], vector<16xf32>,
        %mul3A_457 = arith.mulf %get3A_140, %gather3A_456 : vector<16xf32>
        %gather3A_458 = tpu.vector_load_idx %arg5[%broadcast_in_dim3A_455, %convert_element_type3A_131] : memref<32x2048xf32, #tpu.memory_space<vmem>>[vector<16xi32>, vector<16xi32>], vector<16xf32>,
        %mul3A_459 = arith.mulf %get3A_144, %gather3A_458 : vector<16xf32>
        %add3A_460 = arith.addf %mul3A_457, %mul3A_459 : vector<16xf32>
        %gather3A_461 = tpu.vector_load_idx %arg5[%broadcast_in_dim3A_455, %convert_element_type3A_136] : memref<32x2048xf32, #tpu.memory_space<vmem>>[vector<16xi32>, vector<16xi32>], vector<16xf32>,
        %mul3A_462 = arith.mulf %get3A_148, %gather3A_461 : vector<16xf32>
        %add3A_463 = arith.addf %add3A_460, %mul3A_462 : vector<16xf32>
        %swap3A_464 = arith.constant 22 : i32
        %swap3A_465 = arith.index_cast %swap3A_464 : i32 to index
        %swap3A_466 = arith.index_cast %mul3A_123 : i32 to index
        %swap3A_467 = tpu.vector_load %arg9[%swap3A_465, %swap3A_466] {strides = array<i32>} : memref<32x256xf32, #tpu.memory_space<vmem>>, vector<16xf32>,
        tpu.vector_store %arg9[%swap3A_465, %swap3A_466], %add3A_463 {strides = array<i32>} : memref<32x256xf32, #tpu.memory_space<vmem>>, vector<16xf32>,
        %broadcast_in_dim3A_468 = arith.constant 23 : i32
        %broadcast_in_dim3A_469 = vector.broadcast %broadcast_in_dim3A_468 : i32 to vector<16xi32>
        %gather3A_470 = tpu.vector_load_idx %arg5[%broadcast_in_dim3A_469, %convert_element_type3A] : memref<32x2048xf32, #tpu.memory_space<vmem>>[vector<16xi32>, vector<16xi32>], vector<16xf32>,
        %mul3A_471 = arith.mulf %get3A_140, %gather3A_470 : vector<16xf32>
        %gather3A_472 = tpu.vector_load_idx %arg5[%broadcast_in_dim3A_469, %convert_element_type3A_131] : memref<32x2048xf32, #tpu.memory_space<vmem>>[vector<16xi32>, vector<16xi32>], vector<16xf32>,
        %mul3A_473 = arith.mulf %get3A_144, %gather3A_472 : vector<16xf32>
        %add3A_474 = arith.addf %mul3A_471, %mul3A_473 : vector<16xf32>
        %gather3A_475 = tpu.vector_load_idx %arg5[%broadcast_in_dim3A_469, %convert_element_type3A_136] : memref<32x2048xf32, #tpu.memory_space<vmem>>[vector<16xi32>, vector<16xi32>], vector<16xf32>,
        %mul3A_476 = arith.mulf %get3A_148, %gather3A_475 : vector<16xf32>
        %add3A_477 = arith.addf %add3A_474, %mul3A_476 : vector<16xf32>
        %swap3A_478 = arith.constant 23 : i32
        %swap3A_479 = arith.index_cast %swap3A_478 : i32 to index
        %swap3A_480 = arith.index_cast %mul3A_123 : i32 to index
        %swap3A_481 = tpu.vector_load %arg9[%swap3A_479, %swap3A_480] {strides = array<i32>} : memref<32x256xf32, #tpu.memory_space<vmem>>, vector<16xf32>,
        tpu.vector_store %arg9[%swap3A_479, %swap3A_480], %add3A_477 {strides = array<i32>} : memref<32x256xf32, #tpu.memory_space<vmem>>, vector<16xf32>,
        %broadcast_in_dim3A_482 = arith.constant 24 : i32
        %broadcast_in_dim3A_483 = vector.broadcast %broadcast_in_dim3A_482 : i32 to vector<16xi32>
        %gather3A_484 = tpu.vector_load_idx %arg5[%broadcast_in_dim3A_483, %convert_element_type3A] : memref<32x2048xf32, #tpu.memory_space<vmem>>[vector<16xi32>, vector<16xi32>], vector<16xf32>,
        %mul3A_485 = arith.mulf %get3A_140, %gather3A_484 : vector<16xf32>
        %gather3A_486 = tpu.vector_load_idx %arg5[%broadcast_in_dim3A_483, %convert_element_type3A_131] : memref<32x2048xf32, #tpu.memory_space<vmem>>[vector<16xi32>, vector<16xi32>], vector<16xf32>,
        %mul3A_487 = arith.mulf %get3A_144, %gather3A_486 : vector<16xf32>
        %add3A_488 = arith.addf %mul3A_485, %mul3A_487 : vector<16xf32>
        %gather3A_489 = tpu.vector_load_idx %arg5[%broadcast_in_dim3A_483, %convert_element_type3A_136] : memref<32x2048xf32, #tpu.memory_space<vmem>>[vector<16xi32>, vector<16xi32>], vector<16xf32>,
        %mul3A_490 = arith.mulf %get3A_148, %gather3A_489 : vector<16xf32>
        %add3A_491 = arith.addf %add3A_488, %mul3A_490 : vector<16xf32>
        %swap3A_492 = arith.constant 24 : i32
        %swap3A_493 = arith.index_cast %swap3A_492 : i32 to index
        %swap3A_494 = arith.index_cast %mul3A_123 : i32 to index
        %swap3A_495 = tpu.vector_load %arg9[%swap3A_493, %swap3A_494] {strides = array<i32>} : memref<32x256xf32, #tpu.memory_space<vmem>>, vector<16xf32>,
        tpu.vector_store %arg9[%swap3A_493, %swap3A_494], %add3A_491 {strides = array<i32>} : memref<32x256xf32, #tpu.memory_space<vmem>>, vector<16xf32>,
        %broadcast_in_dim3A_496 = arith.constant 25 : i32
        %broadcast_in_dim3A_497 = vector.broadcast %broadcast_in_dim3A_496 : i32 to vector<16xi32>
        %gather3A_498 = tpu.vector_load_idx %arg5[%broadcast_in_dim3A_497, %convert_element_type3A] : memref<32x2048xf32, #tpu.memory_space<vmem>>[vector<16xi32>, vector<16xi32>], vector<16xf32>,
        %mul3A_499 = arith.mulf %get3A_140, %gather3A_498 : vector<16xf32>
        %gather3A_500 = tpu.vector_load_idx %arg5[%broadcast_in_dim3A_497, %convert_element_type3A_131] : memref<32x2048xf32, #tpu.memory_space<vmem>>[vector<16xi32>, vector<16xi32>], vector<16xf32>,
        %mul3A_501 = arith.mulf %get3A_144, %gather3A_500 : vector<16xf32>
        %add3A_502 = arith.addf %mul3A_499, %mul3A_501 : vector<16xf32>
        %gather3A_503 = tpu.vector_load_idx %arg5[%broadcast_in_dim3A_497, %convert_element_type3A_136] : memref<32x2048xf32, #tpu.memory_space<vmem>>[vector<16xi32>, vector<16xi32>], vector<16xf32>,
        %mul3A_504 = arith.mulf %get3A_148, %gather3A_503 : vector<16xf32>
        %add3A_505 = arith.addf %add3A_502, %mul3A_504 : vector<16xf32>
        %swap3A_506 = arith.constant 25 : i32
        %swap3A_507 = arith.index_cast %swap3A_506 : i32 to index
        %swap3A_508 = arith.index_cast %mul3A_123 : i32 to index
        %swap3A_509 = tpu.vector_load %arg9[%swap3A_507, %swap3A_508] {strides = array<i32>} : memref<32x256xf32, #tpu.memory_space<vmem>>, vector<16xf32>,
        tpu.vector_store %arg9[%swap3A_507, %swap3A_508], %add3A_505 {strides = array<i32>} : memref<32x256xf32, #tpu.memory_space<vmem>>, vector<16xf32>,
        %broadcast_in_dim3A_510 = arith.constant 26 : i32
        %broadcast_in_dim3A_511 = vector.broadcast %broadcast_in_dim3A_510 : i32 to vector<16xi32>
        %gather3A_512 = tpu.vector_load_idx %arg5[%broadcast_in_dim3A_511, %convert_element_type3A] : memref<32x2048xf32, #tpu.memory_space<vmem>>[vector<16xi32>, vector<16xi32>], vector<16xf32>,
        %mul3A_513 = arith.mulf %get3A_140, %gather3A_512 : vector<16xf32>
        %gather3A_514 = tpu.vector_load_idx %arg5[%broadcast_in_dim3A_511, %convert_element_type3A_131] : memref<32x2048xf32, #tpu.memory_space<vmem>>[vector<16xi32>, vector<16xi32>], vector<16xf32>,
        %mul3A_515 = arith.mulf %get3A_144, %gather3A_514 : vector<16xf32>
        %add3A_516 = arith.addf %mul3A_513, %mul3A_515 : vector<16xf32>
        %gather3A_517 = tpu.vector_load_idx %arg5[%broadcast_in_dim3A_511, %convert_element_type3A_136] : memref<32x2048xf32, #tpu.memory_space<vmem>>[vector<16xi32>, vector<16xi32>], vector<16xf32>,
        %mul3A_518 = arith.mulf %get3A_148, %gather3A_517 : vector<16xf32>
        %add3A_519 = arith.addf %add3A_516, %mul3A_518 : vector<16xf32>
        %swap3A_520 = arith.constant 26 : i32
        %swap3A_521 = arith.index_cast %swap3A_520 : i32 to index
        %swap3A_522 = arith.index_cast %mul3A_123 : i32 to index
        %swap3A_523 = tpu.vector_load %arg9[%swap3A_521, %swap3A_522] {strides = array<i32>} : memref<32x256xf32, #tpu.memory_space<vmem>>, vector<16xf32>,
        tpu.vector_store %arg9[%swap3A_521, %swap3A_522], %add3A_519 {strides = array<i32>} : memref<32x256xf32, #tpu.memory_space<vmem>>, vector<16xf32>,
        %broadcast_in_dim3A_524 = arith.constant 27 : i32
        %broadcast_in_dim3A_525 = vector.broadcast %broadcast_in_dim3A_524 : i32 to vector<16xi32>
        %gather3A_526 = tpu.vector_load_idx %arg5[%broadcast_in_dim3A_525, %convert_element_type3A] : memref<32x2048xf32, #tpu.memory_space<vmem>>[vector<16xi32>, vector<16xi32>], vector<16xf32>,
        %mul3A_527 = arith.mulf %get3A_140, %gather3A_526 : vector<16xf32>
        %gather3A_528 = tpu.vector_load_idx %arg5[%broadcast_in_dim3A_525, %convert_element_type3A_131] : memref<32x2048xf32, #tpu.memory_space<vmem>>[vector<16xi32>, vector<16xi32>], vector<16xf32>,
        %mul3A_529 = arith.mulf %get3A_144, %gather3A_528 : vector<16xf32>
        %add3A_530 = arith.addf %mul3A_527, %mul3A_529 : vector<16xf32>
        %gather3A_531 = tpu.vector_load_idx %arg5[%broadcast_in_dim3A_525, %convert_element_type3A_136] : memref<32x2048xf32, #tpu.memory_space<vmem>>[vector<16xi32>, vector<16xi32>], vector<16xf32>,
        %mul3A_532 = arith.mulf %get3A_148, %gather3A_531 : vector<16xf32>
        %add3A_533 = arith.addf %add3A_530, %mul3A_532 : vector<16xf32>
        %swap3A_534 = arith.constant 27 : i32
        %swap3A_535 = arith.index_cast %swap3A_534 : i32 to index
        %swap3A_536 = arith.index_cast %mul3A_123 : i32 to index
        %swap3A_537 = tpu.vector_load %arg9[%swap3A_535, %swap3A_536] {strides = array<i32>} : memref<32x256xf32, #tpu.memory_space<vmem>>, vector<16xf32>,
        tpu.vector_store %arg9[%swap3A_535, %swap3A_536], %add3A_533 {strides = array<i32>} : memref<32x256xf32, #tpu.memory_space<vmem>>, vector<16xf32>,
        %broadcast_in_dim3A_538 = arith.constant 28 : i32
        %broadcast_in_dim3A_539 = vector.broadcast %broadcast_in_dim3A_538 : i32 to vector<16xi32>
        %gather3A_540 = tpu.vector_load_idx %arg5[%broadcast_in_dim3A_539, %convert_element_type3A] : memref<32x2048xf32, #tpu.memory_space<vmem>>[vector<16xi32>, vector<16xi32>], vector<16xf32>,
        %mul3A_541 = arith.mulf %get3A_140, %gather3A_540 : vector<16xf32>
        %gather3A_542 = tpu.vector_load_idx %arg5[%broadcast_in_dim3A_539, %convert_element_type3A_131] : memref<32x2048xf32, #tpu.memory_space<vmem>>[vector<16xi32>, vector<16xi32>], vector<16xf32>,
        %mul3A_543 = arith.mulf %get3A_144, %gather3A_542 : vector<16xf32>
        %add3A_544 = arith.addf %mul3A_541, %mul3A_543 : vector<16xf32>
        %gather3A_545 = tpu.vector_load_idx %arg5[%broadcast_in_dim3A_539, %convert_element_type3A_136] : memref<32x2048xf32, #tpu.memory_space<vmem>>[vector<16xi32>, vector<16xi32>], vector<16xf32>,
        %mul3A_546 = arith.mulf %get3A_148, %gather3A_545 : vector<16xf32>
        %add3A_547 = arith.addf %add3A_544, %mul3A_546 : vector<16xf32>
        %swap3A_548 = arith.constant 28 : i32
        %swap3A_549 = arith.index_cast %swap3A_548 : i32 to index
        %swap3A_550 = arith.index_cast %mul3A_123 : i32 to index
        %swap3A_551 = tpu.vector_load %arg9[%swap3A_549, %swap3A_550] {strides = array<i32>} : memref<32x256xf32, #tpu.memory_space<vmem>>, vector<16xf32>,
        tpu.vector_store %arg9[%swap3A_549, %swap3A_550], %add3A_547 {strides = array<i32>} : memref<32x256xf32, #tpu.memory_space<vmem>>, vector<16xf32>,
        %broadcast_in_dim3A_552 = arith.constant 29 : i32
        %broadcast_in_dim3A_553 = vector.broadcast %broadcast_in_dim3A_552 : i32 to vector<16xi32>
        %gather3A_554 = tpu.vector_load_idx %arg5[%broadcast_in_dim3A_553, %convert_element_type3A] : memref<32x2048xf32, #tpu.memory_space<vmem>>[vector<16xi32>, vector<16xi32>], vector<16xf32>,
        %mul3A_555 = arith.mulf %get3A_140, %gather3A_554 : vector<16xf32>
        %gather3A_556 = tpu.vector_load_idx %arg5[%broadcast_in_dim3A_553, %convert_element_type3A_131] : memref<32x2048xf32, #tpu.memory_space<vmem>>[vector<16xi32>, vector<16xi32>], vector<16xf32>,
        %mul3A_557 = arith.mulf %get3A_144, %gather3A_556 : vector<16xf32>
        %add3A_558 = arith.addf %mul3A_555, %mul3A_557 : vector<16xf32>
        %gather3A_559 = tpu.vector_load_idx %arg5[%broadcast_in_dim3A_553, %convert_element_type3A_136] : memref<32x2048xf32, #tpu.memory_space<vmem>>[vector<16xi32>, vector<16xi32>], vector<16xf32>,
        %mul3A_560 = arith.mulf %get3A_148, %gather3A_559 : vector<16xf32>
        %add3A_561 = arith.addf %add3A_558, %mul3A_560 : vector<16xf32>
        %swap3A_562 = arith.constant 29 : i32
        %swap3A_563 = arith.index_cast %swap3A_562 : i32 to index
        %swap3A_564 = arith.index_cast %mul3A_123 : i32 to index
        %swap3A_565 = tpu.vector_load %arg9[%swap3A_563, %swap3A_564] {strides = array<i32>} : memref<32x256xf32, #tpu.memory_space<vmem>>, vector<16xf32>,
        tpu.vector_store %arg9[%swap3A_563, %swap3A_564], %add3A_561 {strides = array<i32>} : memref<32x256xf32, #tpu.memory_space<vmem>>, vector<16xf32>,
        %broadcast_in_dim3A_566 = arith.constant 30 : i32
        %broadcast_in_dim3A_567 = vector.broadcast %broadcast_in_dim3A_566 : i32 to vector<16xi32>
        %gather3A_568 = tpu.vector_load_idx %arg5[%broadcast_in_dim3A_567, %convert_element_type3A] : memref<32x2048xf32, #tpu.memory_space<vmem>>[vector<16xi32>, vector<16xi32>], vector<16xf32>,
        %mul3A_569 = arith.mulf %get3A_140, %gather3A_568 : vector<16xf32>
        %gather3A_570 = tpu.vector_load_idx %arg5[%broadcast_in_dim3A_567, %convert_element_type3A_131] : memref<32x2048xf32, #tpu.memory_space<vmem>>[vector<16xi32>, vector<16xi32>], vector<16xf32>,
        %mul3A_571 = arith.mulf %get3A_144, %gather3A_570 : vector<16xf32>
        %add3A_572 = arith.addf %mul3A_569, %mul3A_571 : vector<16xf32>
        %gather3A_573 = tpu.vector_load_idx %arg5[%broadcast_in_dim3A_567, %convert_element_type3A_136] : memref<32x2048xf32, #tpu.memory_space<vmem>>[vector<16xi32>, vector<16xi32>], vector<16xf32>,
        %mul3A_574 = arith.mulf %get3A_148, %gather3A_573 : vector<16xf32>
        %add3A_575 = arith.addf %add3A_572, %mul3A_574 : vector<16xf32>
        %swap3A_576 = arith.constant 30 : i32
        %swap3A_577 = arith.index_cast %swap3A_576 : i32 to index
        %swap3A_578 = arith.index_cast %mul3A_123 : i32 to index
        %swap3A_579 = tpu.vector_load %arg9[%swap3A_577, %swap3A_578] {strides = array<i32>} : memref<32x256xf32, #tpu.memory_space<vmem>>, vector<16xf32>,
        tpu.vector_store %arg9[%swap3A_577, %swap3A_578], %add3A_575 {strides = array<i32>} : memref<32x256xf32, #tpu.memory_space<vmem>>, vector<16xf32>,
        %broadcast_in_dim3A_580 = arith.constant 31 : i32
        %broadcast_in_dim3A_581 = vector.broadcast %broadcast_in_dim3A_580 : i32 to vector<16xi32>
        %gather3A_582 = tpu.vector_load_idx %arg5[%broadcast_in_dim3A_581, %convert_element_type3A] : memref<32x2048xf32, #tpu.memory_space<vmem>>[vector<16xi32>, vector<16xi32>], vector<16xf32>,
        %mul3A_583 = arith.mulf %get3A_140, %gather3A_582 : vector<16xf32>
        %gather3A_584 = tpu.vector_load_idx %arg5[%broadcast_in_dim3A_581, %convert_element_type3A_131] : memref<32x2048xf32, #tpu.memory_space<vmem>>[vector<16xi32>, vector<16xi32>], vector<16xf32>,
        %mul3A_585 = arith.mulf %get3A_144, %gather3A_584 : vector<16xf32>
        %add3A_586 = arith.addf %mul3A_583, %mul3A_585 : vector<16xf32>
        %gather3A_587 = tpu.vector_load_idx %arg5[%broadcast_in_dim3A_581, %convert_element_type3A_136] : memref<32x2048xf32, #tpu.memory_space<vmem>>[vector<16xi32>, vector<16xi32>], vector<16xf32>,
        %mul3A_588 = arith.mulf %get3A_148, %gather3A_587 : vector<16xf32>
        %add3A_589 = arith.addf %add3A_586, %mul3A_588 : vector<16xf32>
        %swap3A_590 = arith.constant 31 : i32
        %swap3A_591 = arith.index_cast %swap3A_590 : i32 to index
        %swap3A_592 = arith.index_cast %mul3A_123 : i32 to index
        %swap3A_593 = tpu.vector_load %arg9[%swap3A_591, %swap3A_592] {strides = array<i32>} : memref<32x256xf32, #tpu.memory_space<vmem>>, vector<16xf32>,
        tpu.vector_store %arg9[%swap3A_591, %swap3A_592], %add3A_589 {strides = array<i32>} : memref<32x256xf32, #tpu.memory_space<vmem>>, vector<16xf32>,
        %scan3A_594 = arith.constant 0 : i32
        scf.yield %scan3A_594 : i32
      }
      %scan3A_113 = arith.constant 16 : i32
      %mul3A_114 = arith.constant 32 : i32
      %mul3A_115 = arith.muli %select_n3A_30, %mul3A_114 : i32
      %mul3A_116 = arith.constant 256 : i32
      %mul3A_117 = arith.muli %add3A_106, %mul3A_116 : i32
      %add3A_118 = arith.addi %mul3A_32, %mul3A_117 : i32
      "tpu.region"() ({
        %run_scoped3A = tpu.sem_alloc : memref<!tpu.dma_semaphore, #tpu.memory_space<semaphore_mem>>
        %dma_start3A_120 = tpu.memref_slice %arg4[%mul3A_115, %add3A_118] : memref<256x32768xf32, #tpu.memory_space<hbm>> -> memref<32x256xf32, #tpu.memory_space<hbm>>
        %dma_start3A_121 = tpu.memref_slice %arg4[%mul3A_115, %add3A_118] : memref<256x32768xf32, #tpu.memory_space<hbm>> -> memref<32x256xf32, #tpu.memory_space<hbm>>
        tpu.enqueue_dma source(%arg9 : memref<32x256xf32, #tpu.memory_space<vmem>>) target(%dma_start3A_121 : memref<32x256xf32, #tpu.memory_space<hbm>>) target_semaphore(%run_scoped3A : memref<!tpu.dma_semaphore, #tpu.memory_space<semaphore_mem>>)
        %dma_wait3A_122 = tpu.memref_slice %arg4[%mul3A_115, %add3A_118] : memref<256x32768xf32, #tpu.memory_space<hbm>> -> memref<32x256xf32, #tpu.memory_space<hbm>>
        %dma_wait3A_123 = tpu.memref_slice %arg4[%mul3A_115, %add3A_118] : memref<256x32768xf32, #tpu.memory_space<hbm>> -> memref<32x256xf32, #tpu.memory_space<hbm>>
        tpu.wait_dma2 semaphore(%run_scoped3A : memref<!tpu.dma_semaphore, #tpu.memory_space<semaphore_mem>>) src(%arg9 : memref<32x256xf32, #tpu.memory_space<vmem>>) dst(%dma_wait3A_123 : memref<32x256xf32, #tpu.memory_space<hbm>>)
        tpu.yield
      }) : () -> ()
      %scan3A_119 = arith.constant 0 : i32
      scf.yield %scan3A_119 : i32
    }
    %scan3A_47 = arith.constant 16 : i32
    %add3A_48 = arith.constant 0 : i32
    %add3A_49 = arith.addi %mul3A_32, %add3A_48 : i32
    %dma_wait3A = arith.constant 0 : i32
    %dma_wait3A_50 = tpu.memref_slice %arg2[%dma_wait3A, %add3A_49] : memref<8x32768xf32, #tpu.memory_space<hbm>> -> memref<8x256xf32, #tpu.memory_space<hbm>>
    %dma_wait3A_51 = arith.constant 0 : i32
    %dma_wait3A_52 = tpu.memref_slice %arg2[%dma_wait3A_51, %add3A_49] : memref<8x32768xf32, #tpu.memory_space<hbm>> -> memref<8x256xf32, #tpu.memory_space<hbm>>
    tpu.wait_dma2 semaphore(%arg10 : memref<!tpu.dma_semaphore, #tpu.memory_space<semaphore_mem>>) src(%dma_wait3A_52 : memref<8x256xf32, #tpu.memory_space<hbm>>) dst(%arg6 : memref<8x256xf32, #tpu.memory_space<vmem>>)
    return
  }
}

module attributes {stable_mosaic.version = 14 : i64} {
  func.func @_dense_t_body(%arg0: i32, %arg1: memref<512x512xf32, #tpu.memory_space<vmem>>, %arg2: memref<512x256xf32, #tpu.memory_space<vmem>>, %arg3: memref<1x256xf32, #tpu.memory_space<vmem>>, %arg4: memref<1x256xf32, #tpu.memory_space<vmem>>, %arg5: memref<256x512xf32, #tpu.memory_space<vmem>>) attributes {dimension_semantics = [#tpu.dimension_semantics<arbitrary>], iteration_bounds = array<i64: 16>, scalar_prefetch = 0 : i64, scratch_operands = 0 : i64, tpu.core_type = #tpu.core_type<tc>, window_params = [{transform_indices = @transform_0, window_bounds = array<i64: 512, 512>}, {pipeline_mode = #tpu.pipeline_mode<synchronous>, transform_indices = @transform_1, window_bounds = array<i64: 512, 256>}, {pipeline_mode = #tpu.pipeline_mode<synchronous>, transform_indices = @transform_2, window_bounds = array<i64: 1, 256>}, {pipeline_mode = #tpu.pipeline_mode<synchronous>, transform_indices = @transform_3, window_bounds = array<i64: 1, 256>}, {transform_indices = @transform_4, window_bounds = array<i64: 256, 512>}]} {
    %get3A = arith.constant 0 : index
    %get3A_0 = arith.constant 0 : index
    %get3A_1 = vector.load %arg1[%get3A, %get3A_0] : memref<512x512xf32, #tpu.memory_space<vmem>>, vector<512x512xf32>
    %convert_element_type3A = arith.truncf %get3A_1 : vector<512x512xf32> to vector<512x512xbf16>
    %get3A_2 = arith.constant 0 : index
    %get3A_3 = arith.constant 0 : index
    %get3A_4 = vector.load %arg2[%get3A_2, %get3A_3] : memref<512x256xf32, #tpu.memory_space<vmem>>, vector<512x256xf32>
    %convert_element_type3A_5 = arith.truncf %get3A_4 : vector<512x256xf32> to vector<512x256xbf16>
    %dot_general3A = arith.constant dense<0.000000e+00> : vector<512x256xf32>
    %dot_general3A_6 = tpu.matmul %convert_element_type3A, %convert_element_type3A_5, %dot_general3A {dimension_numbers = #tpu.dot_dimension_numbers<[1], [0], [0], [1], [0, 0, 1, 1], [], []>, transpose_lhs_hint = false} : vector<512x512xbf16>, vector<512x256xbf16>, vector<512x256xf32> -> vector<512x256xf32>
    %get3A_7 = arith.constant 0 : index
    %get3A_8 = arith.constant 0 : index
    %get3A_9 = vector.load %arg3[%get3A_7, %get3A_8] : memref<1x256xf32, #tpu.memory_space<vmem>>, vector<1x256xf32>
    %mul3A = vector.broadcast %get3A_9 : vector<1x256xf32> to vector<512x256xf32>
    %mul3A_10 = arith.mulf %dot_general3A_6, %mul3A : vector<512x256xf32>
    %get3A_11 = arith.constant 0 : index
    %get3A_12 = arith.constant 0 : index
    %get3A_13 = vector.load %arg4[%get3A_11, %get3A_12] : memref<1x256xf32, #tpu.memory_space<vmem>>, vector<1x256xf32>
    %add3A = vector.broadcast %get3A_13 : vector<1x256xf32> to vector<512x256xf32>
    %add3A_14 = arith.addf %mul3A_10, %add3A : vector<512x256xf32>
    %max3A = arith.constant 0.000000e+00 : f32
    %max3A_15 = vector.broadcast %max3A : f32 to vector<512x256xf32>
    %max3A_16 = arith.maximumf %add3A_14, %max3A_15 : vector<512x256xf32>
    %transpose3A = tpu.transpose %max3A_16, [1, 0] : vector<512x256xf32> -> vector<256x512xf32>
    %swap3A = arith.constant 0 : index
    %swap3A_17 = arith.constant 0 : index
    %swap3A_18 = vector.load %arg5[%swap3A, %swap3A_17] : memref<256x512xf32, #tpu.memory_space<vmem>>, vector<256x512xf32>
    tpu.vector_store %arg5[%swap3A, %swap3A_17], %transpose3A {strides = array<i32>} : memref<256x512xf32, #tpu.memory_space<vmem>>, vector<256x512xf32>,
    return
  }
  func.func @transform_0(%arg0: i32) -> (i32, i32) {
    %c0_i32 = arith.constant 0 : i32
    %c0_i32_0 = arith.constant 0 : i32
    return %arg0, %c0_i32 : i32, i32
  }
  func.func @transform_1(%arg0: i32) -> (i32, i32) {
    %c0_i32 = arith.constant 0 : i32
    %c0_i32_0 = arith.constant 0 : i32
    %c0_i32_1 = arith.constant 0 : i32
    return %c0_i32, %c0_i32_0 : i32, i32
  }
  func.func @transform_2(%arg0: i32) -> (i32, i32) {
    %c0_i32 = arith.constant 0 : i32
    %c0_i32_0 = arith.constant 0 : i32
    %c0_i32_1 = arith.constant 0 : i32
    return %c0_i32, %c0_i32_0 : i32, i32
  }
  func.func @transform_3(%arg0: i32) -> (i32, i32) {
    %c0_i32 = arith.constant 0 : i32
    %c0_i32_0 = arith.constant 0 : i32
    %c0_i32_1 = arith.constant 0 : i32
    return %c0_i32, %c0_i32_0 : i32, i32
  }
  func.func @transform_4(%arg0: i32) -> (i32, i32) {
    %c0_i32 = arith.constant 0 : i32
    %c0_i32_0 = arith.constant 0 : i32
    return %c0_i32, %arg0 : i32, i32
  }
}

module attributes {stable_mosaic.version = 14 : i64} {
  func.func @_knn_body(%arg0: i32, %arg1: memref<1024x8xf32, #tpu.memory_space<vmem>>, %arg2: memref<8x2048xf32, #tpu.memory_space<vmem>>, %arg3: memref<8x1024xf32, #tpu.memory_space<vmem>>) attributes {dimension_semantics = [#tpu.dimension_semantics<arbitrary>], iteration_bounds = array<i64: 32>, scalar_prefetch = 0 : i64, scratch_operands = 0 : i64, tpu.core_type = #tpu.core_type<tc>, window_params = [{transform_indices = @transform_0, window_bounds = array<i64: 1024, 8>}, {transform_indices = @transform_1, window_bounds = array<i64: 8, 2048>}, {transform_indices = @transform_2, window_bounds = array<i64: 8, 1024>}]} {
    %get3A = arith.constant 0 : index
    %get3A_0 = arith.constant 0 : index
    %get3A_1 = vector.load %arg1[%get3A, %get3A_0] : memref<1024x8xf32, #tpu.memory_space<vmem>>, vector<1024x8xf32>
    %get3A_2 = arith.constant 0 : index
    %get3A_3 = arith.constant 0 : index
    %get3A_4 = vector.load %arg2[%get3A_2, %get3A_3] : memref<8x2048xf32, #tpu.memory_space<vmem>>, vector<8x2048xf32>
    %convert_element_type3A = arith.truncf %get3A_1 : vector<1024x8xf32> to vector<1024x8xbf16>
    %convert_element_type3A_5 = arith.truncf %get3A_4 : vector<8x2048xf32> to vector<8x2048xbf16>
    %dot_general3A = arith.constant dense<0.000000e+00> : vector<1024x2048xf32>
    %dot_general3A_6 = tpu.matmul %convert_element_type3A, %convert_element_type3A_5, %dot_general3A {dimension_numbers = #tpu.dot_dimension_numbers<[1], [0], [0], [1], [0, 0, 1, 1], [], []>, transpose_lhs_hint = false} : vector<1024x8xbf16>, vector<8x2048xbf16>, vector<1024x2048xf32> -> vector<1024x2048xf32>
    %mul3A = arith.mulf %get3A_1, %get3A_1 : vector<1024x8xf32>
    %reduce_sum3A = arith.constant dense<0.000000e+00> : vector<1024xf32>
    %reduce_sum3A_7 = vector.multi_reduction <add>, %mul3A, %reduce_sum3A [1] : vector<1024x8xf32> to vector<1024xf32>
    %broadcast_in_dim3A = vector.shape_cast %reduce_sum3A_7 : vector<1024xf32> to vector<1024x1xf32>
    %mul3A_8 = arith.mulf %get3A_4, %get3A_4 : vector<8x2048xf32>
    %reduce_sum3A_9 = arith.constant dense<0.000000e+00> : vector<2048xf32>
    %reduce_sum3A_10 = vector.multi_reduction <add>, %mul3A_8, %reduce_sum3A_9 [0] : vector<8x2048xf32> to vector<2048xf32>
    %broadcast_in_dim3A_11 = vector.shape_cast %reduce_sum3A_10 : vector<2048xf32> to vector<1x2048xf32>
    %add3A = vector.broadcast %broadcast_in_dim3A : vector<1024x1xf32> to vector<1024x2048xf32>
    %add3A_12 = vector.broadcast %broadcast_in_dim3A_11 : vector<1x2048xf32> to vector<1024x2048xf32>
    %add3A_13 = arith.addf %add3A, %add3A_12 : vector<1024x2048xf32>
    %mul3A_14 = arith.constant 2.000000e+00 : f32
    %mul3A_15 = vector.broadcast %mul3A_14 : f32 to vector<1024x2048xf32>
    %mul3A_16 = arith.mulf %mul3A_15, %dot_general3A_6 : vector<1024x2048xf32>
    %sub3A = arith.subf %add3A_13, %mul3A_16 : vector<1024x2048xf32>
    %iota3A = tpu.iota {dimensions = array<i32: 1>} : vector<1024x2048xi32>
    %convert_element_type3A_17 = arith.sitofp %iota3A : vector<1024x2048xi32> to vector<1024x2048xf32>
    %reduce_min3A = arith.constant dense<0x7F800000> : vector<1024xf32>
    %reduce_min3A_18 = vector.multi_reduction <minimumf>, %sub3A, %reduce_min3A [1] : vector<1024x2048xf32> to vector<1024xf32>
    %broadcast_in_dim3A_19 = vector.shape_cast %reduce_min3A_18 : vector<1024xf32> to vector<1024x1xf32>
    %eq3A = vector.broadcast %broadcast_in_dim3A_19 : vector<1024x1xf32> to vector<1024x2048xf32>
    %eq3A_20 = arith.cmpf oeq, %sub3A, %eq3A : vector<1024x2048xf32>
    %jit3A = arith.constant 2.048000e+03 : f32
    %broadcast_in_dim3A_21 = vector.broadcast %jit3A : f32 to vector<1024x2048xf32>
    %select_n3A = arith.select %eq3A_20, %convert_element_type3A_17, %broadcast_in_dim3A_21 : vector<1024x2048xi1>, vector<1024x2048xf32>
    %reduce_min3A_22 = arith.constant dense<0x7F800000> : vector<1024xf32>
    %reduce_min3A_23 = vector.multi_reduction <minimumf>, %select_n3A, %reduce_min3A_22 [1] : vector<1024x2048xf32> to vector<1024xf32>
    %broadcast_in_dim3A_24 = vector.shape_cast %reduce_min3A_23 : vector<1024xf32> to vector<1024x1xf32>
    %eq3A_25 = vector.broadcast %broadcast_in_dim3A_24 : vector<1024x1xf32> to vector<1024x2048xf32>
    %eq3A_26 = arith.cmpf oeq, %convert_element_type3A_17, %eq3A_25 : vector<1024x2048xf32>
    %jit3A_27 = arith.constant 3.000000e+38 : f32
    %broadcast_in_dim3A_28 = vector.broadcast %jit3A_27 : f32 to vector<1024x2048xf32>
    %select_n3A_29 = arith.select %eq3A_26, %broadcast_in_dim3A_28, %sub3A : vector<1024x2048xi1>, vector<1024x2048xf32>
    %reduce_min3A_30 = arith.constant dense<0x7F800000> : vector<1024xf32>
    %reduce_min3A_31 = vector.multi_reduction <minimumf>, %select_n3A_29, %reduce_min3A_30 [1] : vector<1024x2048xf32> to vector<1024xf32>
    %broadcast_in_dim3A_32 = vector.shape_cast %reduce_min3A_31 : vector<1024xf32> to vector<1024x1xf32>
    %eq3A_33 = vector.broadcast %broadcast_in_dim3A_32 : vector<1024x1xf32> to vector<1024x2048xf32>
    %eq3A_34 = arith.cmpf oeq, %sub3A, %eq3A_33 : vector<1024x2048xf32>
    %not3A = arith.constant dense<true> : vector<1024x2048xi1>
    %not3A_35 = arith.xori %eq3A_26, %not3A : vector<1024x2048xi1>
    %and3A = arith.andi %eq3A_34, %not3A_35 : vector<1024x2048xi1>
    %jit3A_36 = arith.constant 2.048000e+03 : f32
    %broadcast_in_dim3A_37 = vector.broadcast %jit3A_36 : f32 to vector<1024x2048xf32>
    %select_n3A_38 = arith.select %and3A, %convert_element_type3A_17, %broadcast_in_dim3A_37 : vector<1024x2048xi1>, vector<1024x2048xf32>
    %reduce_min3A_39 = arith.constant dense<0x7F800000> : vector<1024xf32>
    %reduce_min3A_40 = vector.multi_reduction <minimumf>, %select_n3A_38, %reduce_min3A_39 [1] : vector<1024x2048xf32> to vector<1024xf32>
    %broadcast_in_dim3A_41 = vector.shape_cast %reduce_min3A_40 : vector<1024xf32> to vector<1024x1xf32>
    %eq3A_42 = vector.broadcast %broadcast_in_dim3A_41 : vector<1024x1xf32> to vector<1024x2048xf32>
    %eq3A_43 = arith.cmpf oeq, %convert_element_type3A_17, %eq3A_42 : vector<1024x2048xf32>
    %or3A = arith.ori %eq3A_26, %eq3A_43 : vector<1024x2048xi1>
    %jit3A_44 = arith.constant 3.000000e+38 : f32
    %broadcast_in_dim3A_45 = vector.broadcast %jit3A_44 : f32 to vector<1024x2048xf32>
    %select_n3A_46 = arith.select %or3A, %broadcast_in_dim3A_45, %sub3A : vector<1024x2048xi1>, vector<1024x2048xf32>
    %reduce_min3A_47 = arith.constant dense<0x7F800000> : vector<1024xf32>
    %reduce_min3A_48 = vector.multi_reduction <minimumf>, %select_n3A_46, %reduce_min3A_47 [1] : vector<1024x2048xf32> to vector<1024xf32>
    %broadcast_in_dim3A_49 = vector.shape_cast %reduce_min3A_48 : vector<1024xf32> to vector<1024x1xf32>
    %eq3A_50 = vector.broadcast %broadcast_in_dim3A_49 : vector<1024x1xf32> to vector<1024x2048xf32>
    %eq3A_51 = arith.cmpf oeq, %sub3A, %eq3A_50 : vector<1024x2048xf32>
    %not3A_52 = arith.constant dense<true> : vector<1024x2048xi1>
    %not3A_53 = arith.xori %or3A, %not3A_52 : vector<1024x2048xi1>
    %and3A_54 = arith.andi %eq3A_51, %not3A_53 : vector<1024x2048xi1>
    %jit3A_55 = arith.constant 2.048000e+03 : f32
    %broadcast_in_dim3A_56 = vector.broadcast %jit3A_55 : f32 to vector<1024x2048xf32>
    %select_n3A_57 = arith.select %and3A_54, %convert_element_type3A_17, %broadcast_in_dim3A_56 : vector<1024x2048xi1>, vector<1024x2048xf32>
    %reduce_min3A_58 = arith.constant dense<0x7F800000> : vector<1024xf32>
    %reduce_min3A_59 = vector.multi_reduction <minimumf>, %select_n3A_57, %reduce_min3A_58 [1] : vector<1024x2048xf32> to vector<1024xf32>
    %broadcast_in_dim3A_60 = vector.shape_cast %reduce_min3A_59 : vector<1024xf32> to vector<1024x1xf32>
    %concatenate3A = tpu.concatenate %broadcast_in_dim3A_19, %broadcast_in_dim3A_32, %broadcast_in_dim3A_49 in 1 : vector<1024x1xf32>, vector<1024x1xf32>, vector<1024x1xf32> -> vector<1024x3xf32>
    %add3A_61 = arith.constant 9.99999993E-9 : f32
    %add3A_62 = vector.broadcast %add3A_61 : f32 to vector<1024x3xf32>
    %add3A_63 = arith.addf %concatenate3A, %add3A_62 : vector<1024x3xf32>
    %div3A = arith.constant 1.000000e+00 : f32
    %div3A_64 = vector.broadcast %div3A : f32 to vector<1024x3xf32>
    %div3A_65 = arith.divf %div3A_64, %add3A_63 : vector<1024x3xf32>
    %reduce_sum3A_66 = arith.constant dense<0.000000e+00> : vector<1024xf32>
    %reduce_sum3A_67 = vector.multi_reduction <add>, %div3A_65, %reduce_sum3A_66 [1] : vector<1024x3xf32> to vector<1024xf32>
    %broadcast_in_dim3A_68 = vector.shape_cast %reduce_sum3A_67 : vector<1024xf32> to vector<1024x1xf32>
    %div3A_69 = vector.broadcast %broadcast_in_dim3A_68 : vector<1024x1xf32> to vector<1024x3xf32>
    %div3A_70 = arith.divf %div3A_65, %div3A_69 : vector<1024x3xf32>
    %broadcast_in_dim3A_71 = arith.constant 0.000000e+00 : f32
    %broadcast_in_dim3A_72 = vector.broadcast %broadcast_in_dim3A_71 : f32 to vector<1024x2xf32>
    %concatenate3A_73 = tpu.concatenate %broadcast_in_dim3A_24, %broadcast_in_dim3A_41, %broadcast_in_dim3A_60, %div3A_70, %broadcast_in_dim3A_72 in 1 : vector<1024x1xf32>, vector<1024x1xf32>, vector<1024x1xf32>, vector<1024x3xf32>, vector<1024x2xf32> -> vector<1024x8xf32>
    %transpose3A = tpu.transpose %concatenate3A_73, [1, 0] : vector<1024x8xf32> -> vector<8x1024xf32>
    %swap3A = arith.constant 0 : index
    %swap3A_74 = arith.constant 0 : index
    %swap3A_75 = vector.load %arg3[%swap3A, %swap3A_74] : memref<8x1024xf32, #tpu.memory_space<vmem>>, vector<8x1024xf32>
    tpu.vector_store %arg3[%swap3A, %swap3A_74], %transpose3A {strides = array<i32>} : memref<8x1024xf32, #tpu.memory_space<vmem>>, vector<8x1024xf32>,
    return
  }
  func.func @transform_0(%arg0: i32) -> (i32, i32) {
    %c0_i32 = arith.constant 0 : i32
    %c0_i32_0 = arith.constant 0 : i32
    return %arg0, %c0_i32 : i32, i32
  }
  func.func @transform_1(%arg0: i32) -> (i32, i32) {
    %jit3A = arith.constant 8 : i32
    %div3A = arith.divsi %arg0, %jit3A : i32
    %sign3A = arith.constant 0 : i32
    %sign3A_0 = arith.cmpi sgt, %arg0, %sign3A : i32
    %sign3A_1 = arith.extui %sign3A_0 : i1 to i32
    %sign3A_2 = arith.constant 0 : i32
    %sign3A_3 = arith.cmpi slt, %arg0, %sign3A_2 : i32
    %sign3A_4 = arith.extui %sign3A_3 : i1 to i32
    %sign3A_5 = arith.subi %sign3A_1, %sign3A_4 : i32
    %sign3A_6 = arith.constant 0 : i32
    %sign3A_7 = arith.cmpi sgt, %jit3A, %sign3A_6 : i32
    %sign3A_8 = arith.extui %sign3A_7 : i1 to i32
    %sign3A_9 = arith.constant 0 : i32
    %sign3A_10 = arith.cmpi slt, %jit3A, %sign3A_9 : i32
    %sign3A_11 = arith.extui %sign3A_10 : i1 to i32
    %sign3A_12 = arith.subi %sign3A_8, %sign3A_11 : i32
    %ne3A = arith.cmpi ne, %sign3A_5, %sign3A_12 : i32
    %rem3A = arith.remsi %arg0, %jit3A : i32
    %ne3A_13 = arith.constant 0 : i32
    %ne3A_14 = arith.cmpi ne, %rem3A, %ne3A_13 : i32
    %and3A = arith.andi %ne3A, %ne3A_14 : i1
    %sub3A = arith.constant 1 : i32
    %sub3A_15 = arith.subi %div3A, %sub3A : i32
    %select_n3A = arith.select %and3A, %sub3A_15, %div3A : i32
    %c0_i32 = arith.constant 0 : i32
    %c0_i32_16 = arith.constant 0 : i32
    return %c0_i32, %select_n3A : i32, i32
  }
  func.func @transform_2(%arg0: i32) -> (i32, i32) {
    %c0_i32 = arith.constant 0 : i32
    %c0_i32_0 = arith.constant 0 : i32
    return %c0_i32, %arg0 : i32, i32
  }
}

module attributes {stable_mosaic.version = 14 : i64} {
  func.func @_dense_body(%arg0: i32, %arg1: memref<512x256xf32, #tpu.memory_space<vmem>>, %arg2: memref<256x256xf32, #tpu.memory_space<vmem>>, %arg3: memref<1x256xf32, #tpu.memory_space<vmem>>, %arg4: memref<1x256xf32, #tpu.memory_space<vmem>>, %arg5: memref<512x256xf32, #tpu.memory_space<vmem>>) attributes {dimension_semantics = [#tpu.dimension_semantics<arbitrary>], iteration_bounds = array<i64: 64>, scalar_prefetch = 0 : i64, scratch_operands = 0 : i64, tpu.core_type = #tpu.core_type<tc>, window_params = [{transform_indices = @transform_0, window_bounds = array<i64: 512, 256>}, {pipeline_mode = #tpu.pipeline_mode<synchronous>, transform_indices = @transform_1, window_bounds = array<i64: 256, 256>}, {pipeline_mode = #tpu.pipeline_mode<synchronous>, transform_indices = @transform_2, window_bounds = array<i64: 1, 256>}, {pipeline_mode = #tpu.pipeline_mode<synchronous>, transform_indices = @transform_3, window_bounds = array<i64: 1, 256>}, {transform_indices = @transform_4, window_bounds = array<i64: 512, 256>}]} {
    %get3A = arith.constant 0 : index
    %get3A_0 = arith.constant 0 : index
    %get3A_1 = vector.load %arg1[%get3A, %get3A_0] : memref<512x256xf32, #tpu.memory_space<vmem>>, vector<512x256xf32>
    %convert_element_type3A = arith.truncf %get3A_1 : vector<512x256xf32> to vector<512x256xbf16>
    %get3A_2 = arith.constant 0 : index
    %get3A_3 = arith.constant 0 : index
    %get3A_4 = vector.load %arg2[%get3A_2, %get3A_3] : memref<256x256xf32, #tpu.memory_space<vmem>>, vector<256x256xf32>
    %convert_element_type3A_5 = arith.truncf %get3A_4 : vector<256x256xf32> to vector<256x256xbf16>
    %dot_general3A = arith.constant dense<0.000000e+00> : vector<512x256xf32>
    %dot_general3A_6 = tpu.matmul %convert_element_type3A, %convert_element_type3A_5, %dot_general3A {dimension_numbers = #tpu.dot_dimension_numbers<[1], [0], [0], [1], [0, 0, 1, 1], [], []>, transpose_lhs_hint = false} : vector<512x256xbf16>, vector<256x256xbf16>, vector<512x256xf32> -> vector<512x256xf32>
    %get3A_7 = arith.constant 0 : index
    %get3A_8 = arith.constant 0 : index
    %get3A_9 = vector.load %arg3[%get3A_7, %get3A_8] : memref<1x256xf32, #tpu.memory_space<vmem>>, vector<1x256xf32>
    %mul3A = vector.broadcast %get3A_9 : vector<1x256xf32> to vector<512x256xf32>
    %mul3A_10 = arith.mulf %dot_general3A_6, %mul3A : vector<512x256xf32>
    %get3A_11 = arith.constant 0 : index
    %get3A_12 = arith.constant 0 : index
    %get3A_13 = vector.load %arg4[%get3A_11, %get3A_12] : memref<1x256xf32, #tpu.memory_space<vmem>>, vector<1x256xf32>
    %add3A = vector.broadcast %get3A_13 : vector<1x256xf32> to vector<512x256xf32>
    %add3A_14 = arith.addf %mul3A_10, %add3A : vector<512x256xf32>
    %max3A = arith.constant 0.000000e+00 : f32
    %max3A_15 = vector.broadcast %max3A : f32 to vector<512x256xf32>
    %max3A_16 = arith.maximumf %add3A_14, %max3A_15 : vector<512x256xf32>
    %swap3A = arith.constant 0 : index
    %swap3A_17 = arith.constant 0 : index
    %swap3A_18 = vector.load %arg5[%swap3A, %swap3A_17] : memref<512x256xf32, #tpu.memory_space<vmem>>, vector<512x256xf32>
    tpu.vector_store %arg5[%swap3A, %swap3A_17], %max3A_16 {strides = array<i32>} : memref<512x256xf32, #tpu.memory_space<vmem>>, vector<512x256xf32>,
    return
  }
  func.func @transform_0(%arg0: i32) -> (i32, i32) {
    %c0_i32 = arith.constant 0 : i32
    %c0_i32_0 = arith.constant 0 : i32
    return %arg0, %c0_i32 : i32, i32
  }
  func.func @transform_1(%arg0: i32) -> (i32, i32) {
    %c0_i32 = arith.constant 0 : i32
    %c0_i32_0 = arith.constant 0 : i32
    %c0_i32_1 = arith.constant 0 : i32
    return %c0_i32, %c0_i32_0 : i32, i32
  }
  func.func @transform_2(%arg0: i32) -> (i32, i32) {
    %c0_i32 = arith.constant 0 : i32
    %c0_i32_0 = arith.constant 0 : i32
    %c0_i32_1 = arith.constant 0 : i32
    return %c0_i32, %c0_i32_0 : i32, i32
  }
  func.func @transform_3(%arg0: i32) -> (i32, i32) {
    %c0_i32 = arith.constant 0 : i32
    %c0_i32_0 = arith.constant 0 : i32
    %c0_i32_1 = arith.constant 0 : i32
    return %c0_i32, %c0_i32_0 : i32, i32
  }
  func.func @transform_4(%arg0: i32) -> (i32, i32) {
    %c0_i32 = arith.constant 0 : i32
    %c0_i32_0 = arith.constant 0 : i32
    return %arg0, %c0_i32 : i32, i32
  }
}

module attributes {stable_mosaic.version = 14 : i64} {
  func.func @_fuse_body(%arg0: i32, %arg1: memref<256x256xf32, #tpu.memory_space<vmem>>, %arg2: memref<256x256xf32, #tpu.memory_space<vmem>>, %arg3: memref<256x256xf32, #tpu.memory_space<vmem>>) attributes {dimension_semantics = [#tpu.dimension_semantics<arbitrary>], iteration_bounds = array<i64: 128>, scalar_prefetch = 0 : i64, scratch_operands = 0 : i64, tpu.core_type = #tpu.core_type<tc>, window_params = [{transform_indices = @transform_0, window_bounds = array<i64: 256, 256>}, {transform_indices = @transform_1, window_bounds = array<i64: 256, 256>}, {transform_indices = @transform_2, window_bounds = array<i64: 256, 256>}]} {
    %get3A = arith.constant 0 : index
    %get3A_0 = arith.constant 0 : index
    %get3A_1 = vector.load %arg1[%get3A, %get3A_0] : memref<256x256xf32, #tpu.memory_space<vmem>>, vector<256x256xf32>
    %get3A_2 = arith.constant 0 : index
    %get3A_3 = arith.constant 0 : index
    %get3A_4 = vector.load %arg2[%get3A_2, %get3A_3] : memref<256x256xf32, #tpu.memory_space<vmem>>, vector<256x256xf32>
    %transpose3A = tpu.transpose %get3A_4, [1, 0] : vector<256x256xf32> -> vector<256x256xf32>
    %add3A = arith.addf %get3A_1, %transpose3A : vector<256x256xf32>
    %swap3A = arith.constant 0 : index
    %swap3A_5 = arith.constant 0 : index
    %swap3A_6 = vector.load %arg3[%swap3A, %swap3A_5] : memref<256x256xf32, #tpu.memory_space<vmem>>, vector<256x256xf32>
    tpu.vector_store %arg3[%swap3A, %swap3A_5], %add3A {strides = array<i32>} : memref<256x256xf32, #tpu.memory_space<vmem>>, vector<256x256xf32>,
    return
  }
  func.func @transform_0(%arg0: i32) -> (i32, i32) {
    %c0_i32 = arith.constant 0 : i32
    %c0_i32_0 = arith.constant 0 : i32
    return %arg0, %c0_i32 : i32, i32
  }
  func.func @transform_1(%arg0: i32) -> (i32, i32) {
    %c0_i32 = arith.constant 0 : i32
    %c0_i32_0 = arith.constant 0 : i32
    return %c0_i32, %arg0 : i32, i32
  }
  func.func @transform_2(%arg0: i32) -> (i32, i32) {
    %c0_i32 = arith.constant 0 : i32
    %c0_i32_0 = arith.constant 0 : i32
    return %arg0, %c0_i32 : i32, i32
  }
}

</mosaic_0001>

<sc_bundles>
// kernel: kernel.7.cloned.1.call-start
scs
__scs_entry_jumppad:
0x0: {  	(pc) =	sbr.rel $0x88, $3  }
0x1: {  	(tag) =	ssettag $0x0;
	lr =	simm.s32 $0x1  }
0x2: {  	[smem:$0x3F91] =	sst lr;
	_ =	strace $0xD0000000  }
0x3: {  	_ = 	snop  }
0x4: {  	_ = 	snop  }
0x5: {  	_ = 	snop  }
0x6: {  	_ = 	snop  }
0x7: {  	_ = 	snop  }
__scs_overlays_trampoline_lowered:
0x8: {  	[smem:$0x3FA0] =	sst s0  }
0x9: {  	[smem:$0x3FA1] =	sst s1  }
0xa: {  	[smem:$0x3FA2] =	sst s2  }
0xb: {  	[smem:$0x3FA3] =	sst s3  }
0xc: {  	[smem:$0x3FA4] =	sst s4  }
0xd: {  	[smem:$0x3FA5] =	sst s5  }
0xe: {  	[smem:$0x3FA6] =	sst s6  }
0xf: {  	[smem:$0x3FA7] =	sst s7  }
0x10: {  	[smem:$0x3FA8] =	sst s8  }
0x11: {  	[smem:$0x3FA9] =	sst s9;
	s0 =	simm.s32 @!p0 $0x0  }
0x12: {  	s1 =	sld [smem:$0x3F8F];
	s0 =	simm.s32 @p0 $0x1  }
0x13: {  	[smem:$0x3FAA] =	sst s0;
	s0 =	simm.s32 @!p1 $0x0  }
0x14: {  	s2 =	sld [smem:$0x3F8E];
	s0 =	simm.s32 @p1 $0x1  }
0x15: {  	[smem:$0x3FAB] =	sst s0;
	s0 =	simm.s32 @!p2 $0x0  }
0x16: {  	s3 =	sld [smem:$0x3FDB];
	s0 =	simm.s32 @p2 $0x1  }
0x17: {  	s4 =	simm.s32 $0x1BF5;
	[smem:$0x3FAD] =	sst s0  }
0x18: {  	s0 =	sld [smem:$0x3F90];
	_ =	swait.ge [sflag:s4], $0x0  }
0x19: {  	s7 =	sld [smem:$0x3F91]  }
0x1a: {  	s8 =	sadd.s32 $0xFFFFE003, lr  }
0x1b: {  	s9 =	sadd.s32 $0xFFFFFEF7, lr;
	s5 =	simm.s32 $0xFFFFFFFF;
	p2 =	slt.u32 s8, $0xFFFFF086  }
0x1c: {  	p1 =	slt.u32 s9, $0xF7A;
	s5 =	simm.s32 @!p2 $0x0  }
0x1d: {  	s5 =	simm.s32 @p1 $0x1;
	p0 =	seq.s32 s7, s2  }
0x1e: {  	s7 =	smul.u32 @!p0 $0xF7A, s2;
	p2 =	seq.s32 @!p0 s5, $0x0  }
0x1f: {  	s9 =	smul.u32 $0xF7A, s1;
	s8 =	simm.s32 @!p0 $0x1BF5;
	p2 =	por !p2, p0  }
0x20: {  	[sflag:s8] =	ssyncset.s32 @!p0 $0xFFFFF086;
	s6 =	sadd.s32 @!p0 s3, s7;
	s7 =	simm.s32 @!p0 $0x108  }
0x21: {  	s3 =	sadd.s32 s3, s9;
	s6 =	sadd.s32 @!p0 $0x88, s6;
	s7 =	simm.s32 @p2 $0x1082  }
0x22: {  	[simem:s7], [sflag:s8] =	dma.local @!p0 [hbm:s6], $0xF7A  }
0x23: {  	s9 =	sor.u32 $0xD0000000, s2;
	s6 =	simm.s32 $0x108;
	_ =	swait.ge @!p0 [sflag:s8], $0x0  }
0x24: {  	s3 =	sadd.s32 $0x88, s3;
	s6 =	simm.s32 @!p1 $0x1082;
	[sflag:s4] =	ssyncset.s32 $0xFFFFF086  }
0x25: {  	[simem:s6], [sflag:s4] =	dma.local [hbm:s3], $0xF7A  }
0x26: {  	[smem:$0x3F91] =	sst s1;
	(tag) =	ssettag s2;
	_ =	strace s9  }
0x27: {  	s1 =	sld [smem:$0x3FA1]  }
0x28: {  	s2 =	sld [smem:$0x3FA2]  }
0x29: {  	s4 =	sld [smem:$0x3FA4]  }
0x2a: {  	p0 =	seq.s32 s5, $0x0;
	s5 =	sld [smem:$0x3FA5]  }
0x2b: {  	s6 =	sld [smem:$0x3FA6]  }
0x2c: {  	s7 =	sld [smem:$0x3FA7]  }
0x2d: {  	s3 =	simm.s32 $0x108;
	s8 =	sld [smem:$0x3FA8]  }
0x2e: {  	s3 =	simm.s32 @!p0 $0x1082;
	s9 =	sld [smem:$0x3FA9]  }
0x2f: {  	lr =	sadd.s32 s0, s3;
	s0 =	sld [smem:$0x3FA0]  }
0x30: {  	s3 =	sld [smem:$0x3FA3]  }
0x31: {  	[smem:$0x3FAC] =	sst s10  }
0x32: {  	s10 =	sld [smem:$0x3FAA];
	_ =	sdelay $0x3  }
0x33: {  	p0 =	seq.s32 s10, $0x1;
	s10 =	sld [smem:$0x3FAC];
	_ =	sdelay $0x3  }
0x34: {  	[smem:$0x3FAC] =	sst s10  }
0x35: {  	s10 =	sld [smem:$0x3FAB];
	_ =	sdelay $0x3  }
0x36: {  	p1 =	seq.s32 s10, $0x1;
	s10 =	sld [smem:$0x3FAC];
	_ =	sdelay $0x3  }
0x37: {  	[smem:$0x3FAC] =	sst s10  }
0x38: {  	s10 =	sld [smem:$0x3FAD]  }
0x39: {  	_ = 	snop;
	(pc) =	sbr.ind lr, $3  }
0x3a: {  	_ = 	snop  }
0x3b: {  	_ = 	snop  }
0x3c: {  	p2 =	seq.s32 s10, $0x1;
	s10 =	sld [smem:$0x3FAC]  }
0x3d: {  	_ =	shalt  }
0x3e: {  	_ =	shalt  }
0x3f: {  	_ =	shalt  }
0x40: {  	_ =	shalt  }
0x41: {  	_ =	shalt  }
0x42: {  	_ =	shalt  }
0x43: {  	_ =	shalt  }
0x44: {  	_ =	shalt  }
0x45: {  	_ =	shalt  }
0x46: {  	_ =	shalt  }
0x47: {  	_ =	shalt  }
0x48: {  	_ =	shalt  }
0x49: {  	_ =	shalt  }
0x4a: {  	_ =	shalt  }
0x4b: {  	_ =	shalt  }
0x4c: {  	_ =	shalt  }
0x4d: {  	_ =	shalt  }
0x4e: {  	_ =	shalt  }
0x4f: {  	_ =	shalt  }
0x50: {  	_ =	shalt  }
0x51: {  	_ =	shalt  }
0x52: {  	_ =	shalt  }
0x53: {  	_ =	shalt  }
0x54: {  	_ =	shalt  }
0x55: {  	_ =	shalt  }
0x56: {  	_ =	shalt  }
0x57: {  	_ =	shalt  }
0x58: {  	_ =	shalt  }
0x59: {  	_ =	shalt  }
0x5a: {  	_ =	shalt  }
0x5b: {  	_ =	shalt  }
0x5c: {  	_ =	shalt  }
0x5d: {  	_ =	shalt  }
0x5e: {  	_ =	shalt  }
0x5f: {  	_ =	shalt  }
0x60: {  	_ =	shalt  }
0x61: {  	_ =	shalt  }
0x62: {  	_ =	shalt  }
0x63: {  	_ =	shalt  }
0x64: {  	_ =	shalt  }
0x65: {  	_ =	shalt  }
0x66: {  	_ =	shalt  }
0x67: {  	_ =	shalt  }
0x68: {  	_ =	shalt  }
0x69: {  	_ =	shalt  }
0x6a: {  	_ =	shalt  }
0x6b: {  	_ =	shalt  }
0x6c: {  	_ =	shalt  }
0x6d: {  	_ =	shalt  }
0x6e: {  	_ =	shalt  }
0x6f: {  	_ =	shalt  }
0x70: {  	_ =	shalt  }
0x71: {  	_ =	shalt  }
0x72: {  	_ =	shalt  }
0x73: {  	_ =	shalt  }
0x74: {  	_ =	shalt  }
0x75: {  	_ =	shalt  }
0x76: {  	_ =	shalt  }
0x77: {  	_ =	shalt  }
0x78: {  	_ =	shalt  }
0x79: {  	_ =	shalt  }
0x7a: {  	_ =	shalt  }
0x7b: {  	_ =	shalt  }
0x7c: {  	_ =	shalt  }
0x7d: {  	_ =	shalt  }
0x7e: {  	_ =	shalt  }
0x7f: {  	_ =	shalt  }
0x80: {  	_ =	shalt  }
0x81: {  	_ =	shalt  }
0x82: {  	_ =	shalt  }
0x83: {  	_ =	shalt  }
0x84: {  	_ =	shalt  }
0x85: {  	_ =	shalt  }
0x86: {  	_ =	shalt  }
0x87: {  	_ =	shalt  }
.Lfunc_end0:
.L_simem_size_0:
called_computation_lowered:
.L_overlay_start_0:
0x88: {  	s2 =	sld [smem:$0x3FD9]  }
0x89: {  	s3 =	sld [smem:$0x3FFE];
	_ =	sdelay $0x1  }
0x8a: {  	s1 =	srdreg.scid  }
0x8b: {  	s0 =	sand.u32 $0x1, s1  }
0x8c: {  	s17 =	sshll.u32 s0, $0xA;
	s2 =	sadd.s32 s3, s2  }
0x8d: {  	s2 =	sadd.s32 s2, s17  }
0x8e: {  	[smem:$0x3FB8] =	sst s2  }
0x8f: {  	_ = 	snop  }
0x90: {  	s2 =	sld [smem:$0x3FD0];
	(tm) =	ssettm $0x1  }
0x91: {  	s18 =	sld [smem:$0x3FFB];
	_ =	sdelay $0x3  }
0x92: {  	_ =	strace s18  }
0x93: {  	s3 =	sld [smem:$0x3FFC];
	_ =	sdelay $0x3  }
0x94: {  	_ =	strace s3  }
0x95: {  	s3 =	sld [smem:$0x3FFD];
	_ =	sdelay $0x3  }
0x96: {  	_ =	strace s3  }
0x97: {  	_ =	strace $0x8FFFFFFF  }
0x98: {  	s19 =	sld [smem:$0x3FDB];
	_ =	sdelay $0x1  }
0x99: {  	s4 =	simm.s32 $_scs_section_size  }
0x9a: {  	s5 =	simm.s32 $_size__tile_overlayer_lowered;
	s6 =	simm.s32 $_tile_overlayer_lowered  }
0x9b: {  	s22 =	simm.s32 $0x1BFF;
	s21 =	sshll.u32 s6, $0x1;
	s3 =	sadd.s32 s4, s19  }
0x9c: {  	s7 =	simm.s32 $0x0;
	s20 =	sshll.u32 s5, $0x1;
	s5 =	sadd.s32 s21, s3  }
0x9d: {  	[timem:s7], [sflag:s22] =	dma.local [hbm:s5], s20  }
0x9e: {  	_ =	swait.ge [sflag:s22], s20  }
0x9f: {  	s4 =	ssub.s32 $0x0, s20;
	[sflag:s22] =	ssyncset.done $0x0  }
0xa0: {  	[sflag:s22] =	ssyncadd.s32 s4;
	_ =	sdelay $0x1  }
0xa1: {  	s23 =	simm.s32 $0x1B8B  }
0xa2: {  	_ =	swait.ge [sflag:s23], $0x1  }
0xa3: {  	[sflag:s23] =	ssyncset.done $0x0  }
0xa4: {  	s25 =	simm.s32 $0x1B8E;
	s24 =	sld [smem:$0x3FFE];
	[sflag:s23] =	ssyncadd.s32 $0xFFFFFFFF  }
0xa5: {  	s26 =	simm.s32 $execute0_lowered;
	[smem:$0x3FD2] =	sst s25  }
0xa6: {  	s5 =	sshll.u32 s26, $0x1;
	_ =	strace $0x80000046;
	[dreg:$0x1] =	wrdreg $0xFFFFFFFF  }
0xa7: {  	s28 =	simm.s32 $_size_execute0_lowered;
	s3 =	sadd.s32 s3, s5;
	[dreg:$0x0] =	wrdreg $0x0  }
0xa8: {  	s5 =	sshll.u32 s28, $0x1;
	[dreg:$0x2] =	wrdreg s3  }
0xa9: {  	[dreg:$0x3] =	wrdreg s5  }
0xaa: {  	[dreg:$0x4] =	wrdreg $0xC0  }
0xab: {  	_ =	task [dreg:s7], $0x5FFFF  }
0xac: {  	[dreg:$0x1] =	wrdreg $0xFFFFFFFF  }
0xad: {  	[dreg:$0x0] =	wrdreg $0x60  }
0xae: {  	[dreg:$0x2] =	wrdreg s24  }
0xaf: {  	[dreg:$0x3] =	wrdreg s2  }
0xb0: {  	[dreg:$0x4] =	wrdreg $0x9  }
0xb1: {  	_ =	task.clear_ibuf [dreg:s7], $0x5FFFF;
	_ =	strace $0x90000046  }
0xb2: {  	s29 =	simm.s32 $0x9;
	_ =	strace $0x80000048  }
0xb3: {  	_ =	swait.ge [sflag:s29], $0x1  }
0xb4: {  	[sflag:s29] =	ssyncadd.s32 $0xFFFFFFFF  }
0xb5: {  	_ =	strace $0x90000048  }
0xb6: {  	_ =	sfence  }
0xb7: {  	s30 =	sld [smem:$0x0];
	_ =	sdelay $0x2  }
0xb8: {  	s31 =	sshll.u32 s1, $0xD;
	s1 =	sshrl.u32 s1, $0x2  }
0xb9: {  	s3 =	sand.u32 $0x4000, s31;
	s1 =	sadd.s32 s1, s30  }
0xba: {  	s0 =	sor.u32 s3, s0;
	s1 =	sshll.u32 s1, $0x11  }
0xbb: {  	s0 =	sor.u32 s1, s0  }
0xbc: {  	s0 =	sadd.s32 $0x8F2B, s0  }
0xbd: {  	[sflag:s0] =	ssyncadd.remote.s32 $0x1  }
0xbe: {  	_ =	sfence.sel $0xFFFF  }
0xbf: {  	[dreg:$0x0] =	wrdreg $0xFFFFFFFF;
	(pc) =	sbr.abs _section_cstart, $3  }
0xc0: {  	[dreg:$0x1] =	wrdreg $0xFFFFFFFF  }
0xc1: {  	_ =	task.clear_ibuf [dreg:s7], $0x2FFFF;
	_ =	strace $0x9FFFFFFF  }
0xc2: {  	(tm) =	ssettm $0x7FFFFFFF  }
0xc3: {  	_ =	shalt  }
tec
execute0_lowered:
.L_overlay_start_1:
0x0: {  	(tag) =	ssettag $0x1  }
0x1: {  	s4 =	rddreg [dreg:$0x0]  }
0x2: {  	s5 =	rddreg [dreg:$0x1]  }
0x3: {  	s0 =	rddreg [dreg:$0x2];
	s2 =	simm.s32 $0x0;
	s1 =	stileid.u32  }
0x4: {  	s3 =	srdreg.scid;
	s11 =	simm.s32 $0x3;
	s12 =	simm.s32 $0x10800  }
0x5: {  	s13 =	simm.s32 $0x1;
	s14 =	simm.s32 $0x800;
	s15 =	simm.s32 $0x40000  }
0x6: {  	s16 =	simm.s32 $0x11000;
	s17 =	simm.s32 $0x2;
	s18 =	simm.s32 $0x13000  }
0x7: {  	s19 =	simm.s32 $0x0;
	[smem:$0x7FF] =	sst s2;
	s6 =	sshll.u32 s1, $0x1  }
0x8: {  	s7 =	sand.u32 $0x1, s3;
	s3 =	sadd.s32 $0x2400, s4;
	s10 =	sshrl.u32 s1, $0x2  }
0x9: {  	_ =	strace $0x80000047;
	s6 =	sand.u32 $0x6, s6;
	s31 =	sshll.u32 s10, $0xB  }
0xa: {  	s6 =	sor.u32 s7, s6;
	s7 =	ssub.s32 $0x2, s7;
	s5 =	sadd.s32 s5, s31  }
0xb: {  	s8 =	sshll.u32 s6, $0x11;
	s9 =	sshrl.u32 s7, $0x1;
	s6 =	sshll.u32 s6, $0xF  }
0xc: {  	s8 =	sadd.s32 s8, s4;
	s9 =	ssub.s32 s7, s9;
	s4 =	sshll.u32 s10, $0xD  }
0xd: {  	s5 =	sadd.s32 s6, s5;
	s10 =	simm.s32 $0x10000;
	s6 =	sadd.s32 s3, s4  }
0xe: {  	s7 =	sadd.s32 $0xA400, s8;
	s8 =	smax.u32 s9, $0x1;
	s9 =	simm.s32 $0x4000  }
.LBB2_1:
0xf: {  	[tilespmem:s2], [sflag:$0x3] =	stream.strided.gather [hbm4b:s5+s9], $0x10000, s10, s9, $0x38;
	[tilespmem:$0x15000] =	vst v63  }
0x10: {  	_ =	swait.ge [sflag:s11], $0x10000  }
0x11: {  	[sflag:s11] =	ssyncset.done $0x0  }
0x12: {  	s20 =	simm.s32 $0x0;
	[sflag:s11] =	ssyncadd.s32 $0xFFFF0000  }
0x13: {  	[tilespmem:s10], [sflag:$0x1] =	stream.linear.gather [hbm4b:s6+s2], $0x800, $0x38;
	[tilespmem:$0x15000] =	vst v63  }
.LBB2_2:
0x14: {  	s22 =	sshll.u32 s20, $0x9  }
0x15: {  	s23 =	sor.u32 s22, s4  }
0x16: {  	s21 =	sor.u32 $0x100, s23  }
0x17: {  	s24 =	simm.s32 $0x0;
	s25 =	sadd.s32 s3, s21  }
0x18: {  	[tilespmem:s12], [sflag:$0x2] =	stream.linear.gather [hbm4b:s25+s24], $0x800, $0x38;
	[tilespmem:$0x15000] =	vst v63  }
0x19: {  	_ =	swait.ge [sflag:s13], $0x800  }
0x1a: {  	[sflag:s13] =	ssyncset.done $0x0  }
0x1b: {  	s25 =	simm.s32 $0x0;
	[sflag:s13] =	ssyncadd.s32 $0xFFFFF800  }
.LBB2_3:
0x1c: {  	s28 =	sand.u32 $0xFFFFFC00, s24;
	s26 =	sand.u32 $0x70, s25;
	s29 =	sand.u32 $0x400, s24  }
0x1d: {  	s26 =	sor.u32 s26, s29;
	s28 =	sadd.s32 s28, s25  }
0x1e: {  	v0 =	vld [tilespmem:s26+$0x10000];
	s31 =	sor.u32 $0x80, s28  }
0x1f: {  	v1 =	vld [tilespmem:s31+$0x10000]  }
0x20: {  	v2 =	vld [tilespmem:s26+$0x10100];
	_ =	sdelay $0x2  }
0x21: {  	v0 =	vtrunc.f32 v0  }
0x22: {  	v0 =	vcvt.f32.s32 v0;
	v1 =	vtrunc.f32 v1  }
0x23: {  	v40 =	vtrunc.f32 v2;
	v3 =	vcvt.f32.s32 v1  }
0x24: {  	v2 =	vcvt.f32.s32 v40;
	v41 =	vshll.u32 v0, $0x3  }
0x25: {  	v0 =	vand.u32 $0x7F, v0;
	v1 =	vand.u32 $0xFFFFFC00, v41;
	v4 =	vshll.u32 v3, $0x3  }
0x26: {  	v42 =	vand.u32 $0x7F, v3;
	v1 =	vor.u32 v0, v1;
	v43 =	vand.u32 $0xFFFFFC00, v4  }
0x27: {  	v44 =	vshll.u32 v2, $0x3;
	v3 =	vor.u32 v42, v43  }
0x28: {  	s30 =	sor.u32 $0x180, s28;
	v2 =	vand.u32 $0x7F, v2;
	v45 =	vand.u32 $0xFFFFFC00, v44  }
0x29: {  	v0 =	vld [tilespmem:s30+$0x10000];
	v5 =	vor.u32 v2, v45  }
0x2a: {  	v2 =	vld [tilespmem:s26+$0x10200]  }
0x2b: {  	v6 =	vld.idx.msk [tilespmem:v1+s2+$0x0], $0xffff  }
0x2c: {  	s28 =	sor.u32 $0x280, s28;
	v7 =	vld.idx.msk [tilespmem:v3+s2+$0x0], $0xffff  }
0x2d: {  	v4 =	vld [tilespmem:s28+$0x10000]  }
0x2e: {  	v8 =	vld.idx.msk [tilespmem:v5+s2+$0x0], $0xffff;
	_ =	sdelay $0x2  }
0x2f: {  	v6 =	vmul.f32 v6, v0;
	v7 =	vmul.f32 v7, v2;
	_ =	sdelay $0x1  }
0x30: {  	v47 =	vor.u32 $0x80, v1;
	v46 =	vmul.f32 v8, v4;
	v6 =	vadd.f32 v7, v6  }
0x31: {  	v9 =	vor.u32 $0x80, v3  }
0x32: {  	v6 =	vadd.f32 v46, v6  }
0x33: {  	v48 =	vor.u32 $0x80, v5  }
0x34: {  	[tilespmem:s26+$0x11000] =	vst v6  }
0x35: {  	v6 =	vld.idx.msk [tilespmem:v47+s2+$0x0], $0xffff  }
0x36: {  	v49 =	vld.idx.msk [tilespmem:v9+s2+$0x0], $0xffff;
	_ =	sdelay $0x1  }
0x37: {  	v7 =	vld.idx.msk [tilespmem:v48+s2+$0x0], $0xffff;
	_ =	sdelay $0x2  }
0x38: {  	v6 =	vmul.f32 v6, v0;
	v8 =	vmul.f32 v49, v2;
	_ =	sdelay $0x1  }
0x39: {  	v50 =	vor.u32 $0x100, v1;
	v7 =	vmul.f32 v7, v4;
	v6 =	vadd.f32 v8, v6  }
0x3a: {  	v51 =	vor.u32 $0x100, v3  }
0x3b: {  	v6 =	vadd.f32 v7, v6  }
0x3c: {  	v52 =	vor.u32 $0x100, v5  }
0x3d: {  	[tilespmem:s31+$0x11000] =	vst v6  }
0x3e: {  	v6 =	vld.idx.msk [tilespmem:v50+s2+$0x0], $0xffff  }
0x3f: {  	v53 =	vld.idx.msk [tilespmem:v51+s2+$0x0], $0xffff;
	_ =	sdelay $0x1  }
0x40: {  	v7 =	vld.idx.msk [tilespmem:v52+s2+$0x0], $0xffff;
	_ =	sdelay $0x2  }
0x41: {  	v6 =	vmul.f32 v6, v0;
	v8 =	vmul.f32 v53, v2;
	_ =	sdelay $0x1  }
0x42: {  	v54 =	vor.u32 $0x180, v1;
	v7 =	vmul.f32 v7, v4;
	v6 =	vadd.f32 v8, v6  }
0x43: {  	v55 =	vor.u32 $0x180, v3  }
0x44: {  	v6 =	vadd.f32 v7, v6  }
0x45: {  	v56 =	vor.u32 $0x180, v5  }
0x46: {  	[tilespmem:s26+$0x11100] =	vst v6  }
0x47: {  	v6 =	vld.idx.msk [tilespmem:v54+s2+$0x0], $0xffff  }
0x48: {  	v57 =	vld.idx.msk [tilespmem:v55+s2+$0x0], $0xffff;
	_ =	sdelay $0x1  }
0x49: {  	v7 =	vld.idx.msk [tilespmem:v56+s2+$0x0], $0xffff;
	_ =	sdelay $0x2  }
0x4a: {  	v6 =	vmul.f32 v6, v0;
	v8 =	vmul.f32 v57, v2;
	_ =	sdelay $0x1  }
0x4b: {  	v58 =	vor.u32 $0x200, v1;
	v7 =	vmul.f32 v7, v4;
	v6 =	vadd.f32 v8, v6  }
0x4c: {  	v59 =	vor.u32 $0x200, v3  }
0x4d: {  	v6 =	vadd.f32 v7, v6  }
0x4e: {  	v60 =	vor.u32 $0x200, v5  }
0x4f: {  	[tilespmem:s30+$0x11000] =	vst v6  }
0x50: {  	v6 =	vld.idx.msk [tilespmem:v58+s2+$0x0], $0xffff  }
0x51: {  	v61 =	vld.idx.msk [tilespmem:v59+s2+$0x0], $0xffff;
	_ =	sdelay $0x1  }
0x52: {  	v7 =	vld.idx.msk [tilespmem:v60+s2+$0x0], $0xffff;
	_ =	sdelay $0x2  }
0x53: {  	v6 =	vmul.f32 v6, v0;
	v8 =	vmul.f32 v61, v2;
	_ =	sdelay $0x1  }
0x54: {  	v62 =	vor.u32 $0x280, v1;
	v7 =	vmul.f32 v7, v4;
	v6 =	vadd.f32 v8, v6  }
0x55: {  	v63 =	vor.u32 $0x280, v3  }
0x56: {  	v6 =	vadd.f32 v7, v6  }
0x57: {  	v12 =	vor.u32 $0x280, v5  }
0x58: {  	[tilespmem:s26+$0x11200] =	vst v6  }
0x59: {  	v6 =	vld.idx.msk [tilespmem:v62+s2+$0x0], $0xffff  }
0x5a: {  	v13 =	vld.idx.msk [tilespmem:v63+s2+$0x0], $0xffff;
	_ =	sdelay $0x1  }
0x5b: {  	v7 =	vld.idx.msk [tilespmem:v12+s2+$0x0], $0xffff;
	_ =	sdelay $0x2  }
0x5c: {  	v6 =	vmul.f32 v6, v0;
	v8 =	vmul.f32 v13, v2;
	_ =	sdelay $0x1  }
0x5d: {  	v14 =	vor.u32 $0x300, v1;
	v7 =	vmul.f32 v7, v4;
	v6 =	vadd.f32 v8, v6  }
0x5e: {  	v15 =	vor.u32 $0x300, v3  }
0x5f: {  	v6 =	vadd.f32 v7, v6  }
0x60: {  	v16 =	vor.u32 $0x300, v5  }
0x61: {  	[tilespmem:s28+$0x11000] =	vst v6  }
0x62: {  	v6 =	vld.idx.msk [tilespmem:v14+s2+$0x0], $0xffff  }
0x63: {  	v17 =	vld.idx.msk [tilespmem:v15+s2+$0x0], $0xffff;
	_ =	sdelay $0x1  }
0x64: {  	v7 =	vld.idx.msk [tilespmem:v16+s2+$0x0], $0xffff;
	_ =	sdelay $0x2  }
0x65: {  	v6 =	vmul.f32 v6, v0;
	v8 =	vmul.f32 v17, v2;
	_ =	sdelay $0x1  }
0x66: {  	v18 =	vor.u32 $0x380, v1;
	v7 =	vmul.f32 v7, v4;
	v6 =	vadd.f32 v8, v6  }
0x67: {  	v19 =	vor.u32 $0x380, v3  }
0x68: {  	v6 =	vadd.f32 v7, v6  }
0x69: {  	v20 =	vor.u32 $0x380, v5  }
0x6a: {  	[tilespmem:s26+$0x11300] =	vst v6  }
0x6b: {  	v6 =	vld.idx.msk [tilespmem:v18+s2+$0x0], $0xffff  }
0x6c: {  	v21 =	vld.idx.msk [tilespmem:v19+s2+$0x0], $0xffff;
	_ =	sdelay $0x1  }
0x6d: {  	v7 =	vld.idx.msk [tilespmem:v20+s2+$0x0], $0xffff;
	_ =	sdelay $0x2  }
0x6e: {  	v6 =	vmul.f32 v6, v0;
	v8 =	vmul.f32 v21, v2;
	_ =	sdelay $0x1  }
0x6f: {  	v22 =	vadd.s32 $0x4000, v1;
	v7 =	vmul.f32 v7, v4;
	v6 =	vadd.f32 v8, v6  }
0x70: {  	v23 =	vadd.s32 $0x4000, v3  }
0x71: {  	s31 =	sor.u32 s24, s25;
	v6 =	vadd.f32 v7, v6  }
0x72: {  	v24 =	vadd.s32 $0x4000, v5;
	s28 =	sor.u32 $0x380, s31  }
0x73: {  	[tilespmem:s28+$0x11000] =	vst v6  }
0x74: {  	v6 =	vld.idx.msk [tilespmem:v22+s2+$0x0], $0xffff  }
0x75: {  	v25 =	vld.idx.msk [tilespmem:v23+s2+$0x0], $0xffff;
	_ =	sdelay $0x1  }
0x76: {  	v7 =	vld.idx.msk [tilespmem:v24+s2+$0x0], $0xffff;
	_ =	sdelay $0x2  }
0x77: {  	v6 =	vmul.f32 v6, v0;
	v8 =	vmul.f32 v25, v2;
	_ =	sdelay $0x1  }
0x78: {  	v26 =	vadd.s32 $0x4080, v1;
	v7 =	vmul.f32 v7, v4;
	v6 =	vadd.f32 v8, v6  }
0x79: {  	v27 =	vadd.s32 $0x4080, v3  }
0x7a: {  	v6 =	vadd.f32 v7, v6  }
0x7b: {  	v28 =	vadd.s32 $0x4080, v5  }
0x7c: {  	[tilespmem:s26+$0x11800] =	vst v6  }
0x7d: {  	v6 =	vld.idx.msk [tilespmem:v26+s2+$0x0], $0xffff  }
0x7e: {  	v29 =	vld.idx.msk [tilespmem:v27+s2+$0x0], $0xffff;
	_ =	sdelay $0x1  }
0x7f: {  	v7 =	vld.idx.msk [tilespmem:v28+s2+$0x0], $0xffff;
	_ =	sdelay $0x2  }
0x80: {  	v6 =	vmul.f32 v6, v0;
	v8 =	vmul.f32 v29, v2;
	_ =	sdelay $0x1  }
0x81: {  	v30 =	vadd.s32 $0x4100, v1;
	v7 =	vmul.f32 v7, v4;
	v6 =	vadd.f32 v8, v6  }
0x82: {  	v31 =	vadd.s32 $0x4100, v3  }
0x83: {  	v6 =	vadd.f32 v7, v6  }
0x84: {  	v32 =	vadd.s32 $0x4100, v5  }
0x85: {  	[tilespmem:s26+$0x11880] =	vst v6  }
0x86: {  	v6 =	vld.idx.msk [tilespmem:v30+s2+$0x0], $0xffff  }
0x87: {  	v33 =	vld.idx.msk [tilespmem:v31+s2+$0x0], $0xffff;
	_ =	sdelay $0x1  }
0x88: {  	v7 =	vld.idx.msk [tilespmem:v32+s2+$0x0], $0xffff;
	_ =	sdelay $0x2  }
0x89: {  	v6 =	vmul.f32 v6, v0;
	v8 =	vmul.f32 v33, v2;
	_ =	sdelay $0x1  }
0x8a: {  	v34 =	vadd.s32 $0x4180, v1;
	v7 =	vmul.f32 v7, v4;
	v6 =	vadd.f32 v8, v6  }
0x8b: {  	v35 =	vadd.s32 $0x4180, v3  }
0x8c: {  	v6 =	vadd.f32 v7, v6  }
0x8d: {  	v36 =	vadd.s32 $0x4180, v5  }
0x8e: {  	[tilespmem:s26+$0x11900] =	vst v6  }
0x8f: {  	v6 =	vld.idx.msk [tilespmem:v34+s2+$0x0], $0xffff  }
0x90: {  	v37 =	vld.idx.msk [tilespmem:v35+s2+$0x0], $0xffff;
	_ =	sdelay $0x1  }
0x91: {  	v7 =	vld.idx.msk [tilespmem:v36+s2+$0x0], $0xffff;
	_ =	sdelay $0x2  }
0x92: {  	v6 =	vmul.f32 v6, v0;
	v8 =	vmul.f32 v37, v2;
	_ =	sdelay $0x1  }
0x93: {  	v38 =	vadd.s32 $0x4200, v1;
	v7 =	vmul.f32 v7, v4;
	v6 =	vadd.f32 v8, v6  }
0x94: {  	v39 =	vadd.s32 $0x4200, v3  }
0x95: {  	v6 =	vadd.f32 v7, v6  }
0x96: {  	v40 =	vadd.s32 $0x4200, v5  }
0x97: {  	[tilespmem:s26+$0x11980] =	vst v6  }
0x98: {  	v6 =	vld.idx.msk [tilespmem:v38+s2+$0x0], $0xffff  }
0x99: {  	v41 =	vld.idx.msk [tilespmem:v39+s2+$0x0], $0xffff;
	_ =	sdelay $0x1  }
0x9a: {  	v7 =	vld.idx.msk [tilespmem:v40+s2+$0x0], $0xffff;
	_ =	sdelay $0x2  }
0x9b: {  	v6 =	vmul.f32 v6, v0;
	v8 =	vmul.f32 v41, v2;
	_ =	sdelay $0x1  }
0x9c: {  	v42 =	vadd.s32 $0x4280, v1;
	v7 =	vmul.f32 v7, v4;
	v6 =	vadd.f32 v8, v6  }
0x9d: {  	v43 =	vadd.s32 $0x4280, v3  }
0x9e: {  	v6 =	vadd.f32 v7, v6  }
0x9f: {  	v44 =	vadd.s32 $0x4280, v5  }
0xa0: {  	[tilespmem:s26+$0x11A00] =	vst v6  }
0xa1: {  	v6 =	vld.idx.msk [tilespmem:v42+s2+$0x0], $0xffff  }
0xa2: {  	v45 =	vld.idx.msk [tilespmem:v43+s2+$0x0], $0xffff;
	_ =	sdelay $0x1  }
0xa3: {  	v7 =	vld.idx.msk [tilespmem:v44+s2+$0x0], $0xffff;
	_ =	sdelay $0x2  }
0xa4: {  	v6 =	vmul.f32 v6, v0;
	v8 =	vmul.f32 v45, v2;
	_ =	sdelay $0x1  }
0xa5: {  	v46 =	vadd.s32 $0x4300, v1;
	v7 =	vmul.f32 v7, v4;
	v6 =	vadd.f32 v8, v6  }
0xa6: {  	v47 =	vadd.s32 $0x4300, v3  }
0xa7: {  	v6 =	vadd.f32 v7, v6  }
0xa8: {  	v48 =	vadd.s32 $0x4300, v5  }
0xa9: {  	[tilespmem:s26+$0x11A80] =	vst v6  }
0xaa: {  	v6 =	vld.idx.msk [tilespmem:v46+s2+$0x0], $0xffff  }
0xab: {  	v49 =	vld.idx.msk [tilespmem:v47+s2+$0x0], $0xffff;
	_ =	sdelay $0x1  }
0xac: {  	v7 =	vld.idx.msk [tilespmem:v48+s2+$0x0], $0xffff;
	_ =	sdelay $0x2  }
0xad: {  	v6 =	vmul.f32 v6, v0;
	v8 =	vmul.f32 v49, v2;
	_ =	sdelay $0x1  }
0xae: {  	v50 =	vadd.s32 $0x4380, v1;
	v7 =	vmul.f32 v7, v4;
	v6 =	vadd.f32 v8, v6  }
0xaf: {  	v51 =	vadd.s32 $0x4380, v3  }
0xb0: {  	v6 =	vadd.f32 v7, v6  }
0xb1: {  	v52 =	vadd.s32 $0x4380, v5  }
0xb2: {  	[tilespmem:s26+$0x11B00] =	vst v6  }
0xb3: {  	v6 =	vld.idx.msk [tilespmem:v50+s2+$0x0], $0xffff  }
0xb4: {  	v53 =	vld.idx.msk [tilespmem:v51+s2+$0x0], $0xffff;
	_ =	sdelay $0x1  }
0xb5: {  	v7 =	vld.idx.msk [tilespmem:v52+s2+$0x0], $0xffff;
	_ =	sdelay $0x2  }
0xb6: {  	v6 =	vmul.f32 v6, v0;
	v8 =	vmul.f32 v53, v2;
	_ =	sdelay $0x1  }
0xb7: {  	v54 =	vadd.s32 $0x8000, v1;
	v7 =	vmul.f32 v7, v4;
	v6 =	vadd.f32 v8, v6  }
0xb8: {  	v55 =	vadd.s32 $0x8000, v3  }
0xb9: {  	v6 =	vadd.f32 v7, v6  }
0xba: {  	v56 =	vadd.s32 $0x8000, v5  }
0xbb: {  	[tilespmem:s26+$0x11B80] =	vst v6  }
0xbc: {  	v6 =	vld.idx.msk [tilespmem:v54+s2+$0x0], $0xffff  }
0xbd: {  	v57 =	vld.idx.msk [tilespmem:v55+s2+$0x0], $0xffff;
	_ =	sdelay $0x1  }
0xbe: {  	v7 =	vld.idx.msk [tilespmem:v56+s2+$0x0], $0xffff;
	_ =	sdelay $0x2  }
0xbf: {  	v6 =	vmul.f32 v6, v0;
	v8 =	vmul.f32 v57, v2;
	_ =	sdelay $0x1  }
0xc0: {  	v58 =	vadd.s32 $0x8080, v1;
	v7 =	vmul.f32 v7, v4;
	v6 =	vadd.f32 v8, v6  }
0xc1: {  	v59 =	vadd.s32 $0x8080, v3  }
0xc2: {  	v6 =	vadd.f32 v7, v6  }
0xc3: {  	v60 =	vadd.s32 $0x8080, v5  }
0xc4: {  	[tilespmem:s26+$0x12000] =	vst v6  }
0xc5: {  	v6 =	vld.idx.msk [tilespmem:v58+s2+$0x0], $0xffff  }
0xc6: {  	v61 =	vld.idx.msk [tilespmem:v59+s2+$0x0], $0xffff;
	_ =	sdelay $0x1  }
0xc7: {  	v7 =	vld.idx.msk [tilespmem:v60+s2+$0x0], $0xffff;
	_ =	sdelay $0x2  }
0xc8: {  	v6 =	vmul.f32 v6, v0;
	v8 =	vmul.f32 v61, v2;
	_ =	sdelay $0x1  }
0xc9: {  	v62 =	vadd.s32 $0x8100, v1;
	v7 =	vmul.f32 v7, v4;
	v6 =	vadd.f32 v8, v6  }
0xca: {  	v63 =	vadd.s32 $0x8100, v3  }
0xcb: {  	v6 =	vadd.f32 v7, v6  }
0xcc: {  	v12 =	vadd.s32 $0x8100, v5  }
0xcd: {  	[tilespmem:s26+$0x12080] =	vst v6  }
0xce: {  	v6 =	vld.idx.msk [tilespmem:v62+s2+$0x0], $0xffff  }
0xcf: {  	v13 =	vld.idx.msk [tilespmem:v63+s2+$0x0], $0xffff;
	_ =	sdelay $0x1  }
0xd0: {  	v7 =	vld.idx.msk [tilespmem:v12+s2+$0x0], $0xffff;
	_ =	sdelay $0x2  }
0xd1: {  	v6 =	vmul.f32 v6, v0;
	v8 =	vmul.f32 v13, v2;
	_ =	sdelay $0x1  }
0xd2: {  	v14 =	vadd.s32 $0x8180, v1;
	v7 =	vmul.f32 v7, v4;
	v6 =	vadd.f32 v8, v6  }
0xd3: {  	v15 =	vadd.s32 $0x8180, v3  }
0xd4: {  	v6 =	vadd.f32 v7, v6  }
0xd5: {  	v16 =	vadd.s32 $0x8180, v5  }
0xd6: {  	[tilespmem:s26+$0x12100] =	vst v6  }
0xd7: {  	v6 =	vld.idx.msk [tilespmem:v14+s2+$0x0], $0xffff  }
0xd8: {  	v17 =	vld.idx.msk [tilespmem:v15+s2+$0x0], $0xffff;
	_ =	sdelay $0x1  }
0xd9: {  	v7 =	vld.idx.msk [tilespmem:v16+s2+$0x0], $0xffff;
	_ =	sdelay $0x2  }
0xda: {  	v6 =	vmul.f32 v6, v0;
	v8 =	vmul.f32 v17, v2;
	_ =	sdelay $0x1  }
0xdb: {  	v18 =	vadd.s32 $0x8200, v1;
	v7 =	vmul.f32 v7, v4;
	v6 =	vadd.f32 v8, v6  }
0xdc: {  	v19 =	vadd.s32 $0x8200, v3  }
0xdd: {  	v6 =	vadd.f32 v7, v6  }
0xde: {  	v20 =	vadd.s32 $0x8200, v5  }
0xdf: {  	[tilespmem:s26+$0x12180] =	vst v6  }
0xe0: {  	v6 =	vld.idx.msk [tilespmem:v18+s2+$0x0], $0xffff  }
0xe1: {  	v21 =	vld.idx.msk [tilespmem:v19+s2+$0x0], $0xffff;
	_ =	sdelay $0x1  }
0xe2: {  	v7 =	vld.idx.msk [tilespmem:v20+s2+$0x0], $0xffff;
	_ =	sdelay $0x2  }
0xe3: {  	v6 =	vmul.f32 v6, v0;
	v8 =	vmul.f32 v21, v2;
	_ =	sdelay $0x1  }
0xe4: {  	v22 =	vadd.s32 $0x8280, v1;
	v7 =	vmul.f32 v7, v4;
	v6 =	vadd.f32 v8, v6  }
0xe5: {  	v23 =	vadd.s32 $0x8280, v3  }
0xe6: {  	v6 =	vadd.f32 v7, v6  }
0xe7: {  	v24 =	vadd.s32 $0x8280, v5  }
0xe8: {  	[tilespmem:s26+$0x12200] =	vst v6  }
0xe9: {  	v6 =	vld.idx.msk [tilespmem:v22+s2+$0x0], $0xffff  }
0xea: {  	v25 =	vld.idx.msk [tilespmem:v23+s2+$0x0], $0xffff;
	_ =	sdelay $0x1  }
0xeb: {  	v7 =	vld.idx.msk [tilespmem:v24+s2+$0x0], $0xffff;
	_ =	sdelay $0x2  }
0xec: {  	v6 =	vmul.f32 v6, v0;
	v8 =	vmul.f32 v25, v2;
	_ =	sdelay $0x1  }
0xed: {  	v26 =	vadd.s32 $0x8300, v1;
	v7 =	vmul.f32 v7, v4;
	v6 =	vadd.f32 v8, v6  }
0xee: {  	v27 =	vadd.s32 $0x8300, v3  }
0xef: {  	v6 =	vadd.f32 v7, v6  }
0xf0: {  	v28 =	vadd.s32 $0x8300, v5  }
0xf1: {  	[tilespmem:s26+$0x12280] =	vst v6  }
0xf2: {  	v6 =	vld.idx.msk [tilespmem:v26+s2+$0x0], $0xffff  }
0xf3: {  	v29 =	vld.idx.msk [tilespmem:v27+s2+$0x0], $0xffff;
	_ =	sdelay $0x1  }
0xf4: {  	v7 =	vld.idx.msk [tilespmem:v28+s2+$0x0], $0xffff;
	_ =	sdelay $0x2  }
0xf5: {  	v6 =	vmul.f32 v6, v0;
	v8 =	vmul.f32 v29, v2;
	_ =	sdelay $0x1  }
0xf6: {  	v30 =	vadd.s32 $0x8380, v1;
	v7 =	vmul.f32 v7, v4;
	v6 =	vadd.f32 v8, v6  }
0xf7: {  	v31 =	vadd.s32 $0x8380, v3  }
0xf8: {  	v6 =	vadd.f32 v7, v6  }
0xf9: {  	v32 =	vadd.s32 $0x8380, v5  }
0xfa: {  	[tilespmem:s26+$0x12300] =	vst v6  }
0xfb: {  	v6 =	vld.idx.msk [tilespmem:v30+s2+$0x0], $0xffff  }
0xfc: {  	v33 =	vld.idx.msk [tilespmem:v31+s2+$0x0], $0xffff;
	_ =	sdelay $0x1  }
0xfd: {  	v7 =	vld.idx.msk [tilespmem:v32+s2+$0x0], $0xffff;
	_ =	sdelay $0x2  }
0xfe: {  	v6 =	vmul.f32 v6, v0;
	v8 =	vmul.f32 v33, v2;
	_ =	sdelay $0x1  }
0xff: {  	v34 =	vadd.s32 $0xC000, v1;
	v7 =	vmul.f32 v7, v4;
	v6 =	vadd.f32 v8, v6  }
0x100: {  	v35 =	vadd.s32 $0xC000, v3  }
0x101: {  	v6 =	vadd.f32 v7, v6  }
0x102: {  	v36 =	vadd.s32 $0xC000, v5  }
0x103: {  	[tilespmem:s26+$0x12380] =	vst v6  }
0x104: {  	v6 =	vld.idx.msk [tilespmem:v34+s2+$0x0], $0xffff  }
0x105: {  	v37 =	vld.idx.msk [tilespmem:v35+s2+$0x0], $0xffff;
	_ =	sdelay $0x1  }
0x106: {  	v7 =	vld.idx.msk [tilespmem:v36+s2+$0x0], $0xffff;
	_ =	sdelay $0x2  }
0x107: {  	v6 =	vmul.f32 v6, v0;
	v8 =	vmul.f32 v37, v2;
	_ =	sdelay $0x1  }
0x108: {  	v38 =	vadd.s32 $0xC080, v1;
	v7 =	vmul.f32 v7, v4;
	v6 =	vadd.f32 v8, v6  }
0x109: {  	v39 =	vadd.s32 $0xC080, v3  }
0x10a: {  	v6 =	vadd.f32 v7, v6  }
0x10b: {  	v40 =	vadd.s32 $0xC080, v5  }
0x10c: {  	[tilespmem:s26+$0x12800] =	vst v6  }
0x10d: {  	v6 =	vld.idx.msk [tilespmem:v38+s2+$0x0], $0xffff  }
0x10e: {  	v41 =	vld.idx.msk [tilespmem:v39+s2+$0x0], $0xffff;
	_ =	sdelay $0x1  }
0x10f: {  	v7 =	vld.idx.msk [tilespmem:v40+s2+$0x0], $0xffff;
	_ =	sdelay $0x2  }
0x110: {  	v6 =	vmul.f32 v6, v0;
	v8 =	vmul.f32 v41, v2;
	_ =	sdelay $0x1  }
0x111: {  	v42 =	vadd.s32 $0xC100, v1;
	v7 =	vmul.f32 v7, v4;
	v6 =	vadd.f32 v8, v6  }
0x112: {  	v43 =	vadd.s32 $0xC100, v3  }
0x113: {  	v6 =	vadd.f32 v7, v6  }
0x114: {  	v44 =	vadd.s32 $0xC100, v5  }
0x115: {  	[tilespmem:s26+$0x12880] =	vst v6  }
0x116: {  	v6 =	vld.idx.msk [tilespmem:v42+s2+$0x0], $0xffff  }
0x117: {  	v45 =	vld.idx.msk [tilespmem:v43+s2+$0x0], $0xffff;
	_ =	sdelay $0x1  }
0x118: {  	v7 =	vld.idx.msk [tilespmem:v44+s2+$0x0], $0xffff;
	_ =	sdelay $0x2  }
0x119: {  	v6 =	vmul.f32 v6, v0;
	v8 =	vmul.f32 v45, v2;
	_ =	sdelay $0x1  }
0x11a: {  	v46 =	vadd.s32 $0xC180, v1;
	v7 =	vmul.f32 v7, v4;
	v6 =	vadd.f32 v8, v6  }
0x11b: {  	v47 =	vadd.s32 $0xC180, v3  }
0x11c: {  	v6 =	vadd.f32 v7, v6  }
0x11d: {  	v48 =	vadd.s32 $0xC180, v5  }
0x11e: {  	[tilespmem:s26+$0x12900] =	vst v6  }
0x11f: {  	v6 =	vld.idx.msk [tilespmem:v46+s2+$0x0], $0xffff  }
0x120: {  	v49 =	vld.idx.msk [tilespmem:v47+s2+$0x0], $0xffff;
	_ =	sdelay $0x1  }
0x121: {  	v7 =	vld.idx.msk [tilespmem:v48+s2+$0x0], $0xffff;
	_ =	sdelay $0x2  }
0x122: {  	v6 =	vmul.f32 v6, v0;
	v8 =	vmul.f32 v49, v2;
	_ =	sdelay $0x1  }
0x123: {  	v50 =	vadd.s32 $0xC200, v1;
	v7 =	vmul.f32 v7, v4;
	v6 =	vadd.f32 v8, v6  }
0x124: {  	v51 =	vadd.s32 $0xC200, v3  }
0x125: {  	v6 =	vadd.f32 v7, v6  }
0x126: {  	v52 =	vadd.s32 $0xC200, v5  }
0x127: {  	[tilespmem:s26+$0x12980] =	vst v6  }
0x128: {  	v6 =	vld.idx.msk [tilespmem:v50+s2+$0x0], $0xffff  }
0x129: {  	v53 =	vld.idx.msk [tilespmem:v51+s2+$0x0], $0xffff;
	_ =	sdelay $0x1  }
0x12a: {  	v7 =	vld.idx.msk [tilespmem:v52+s2+$0x0], $0xffff;
	_ =	sdelay $0x2  }
0x12b: {  	v6 =	vmul.f32 v6, v0;
	v8 =	vmul.f32 v53, v2;
	_ =	sdelay $0x1  }
0x12c: {  	v54 =	vadd.s32 $0xC280, v1;
	v7 =	vmul.f32 v7, v4;
	v6 =	vadd.f32 v8, v6  }
0x12d: {  	v55 =	vadd.s32 $0xC280, v3  }
0x12e: {  	v6 =	vadd.f32 v7, v6  }
0x12f: {  	v56 =	vadd.s32 $0xC280, v5  }
0x130: {  	[tilespmem:s26+$0x12A00] =	vst v6  }
0x131: {  	v6 =	vld.idx.msk [tilespmem:v54+s2+$0x0], $0xffff  }
0x132: {  	v57 =	vld.idx.msk [tilespmem:v55+s2+$0x0], $0xffff;
	_ =	sdelay $0x1  }
0x133: {  	v7 =	vld.idx.msk [tilespmem:v56+s2+$0x0], $0xffff;
	_ =	sdelay $0x2  }
0x134: {  	v6 =	vmul.f32 v6, v0;
	v8 =	vmul.f32 v57, v2;
	_ =	sdelay $0x1  }
0x135: {  	v58 =	vadd.s32 $0xC300, v1;
	v7 =	vmul.f32 v7, v4;
	v6 =	vadd.f32 v8, v6  }
0x136: {  	v59 =	vadd.s32 $0xC300, v3  }
0x137: {  	v6 =	vadd.f32 v7, v6  }
0x138: {  	v60 =	vadd.s32 $0xC300, v5  }
0x139: {  	[tilespmem:s26+$0x12A80] =	vst v6  }
0x13a: {  	v6 =	vld.idx.msk [tilespmem:v58+s2+$0x0], $0xffff  }
0x13b: {  	v61 =	vld.idx.msk [tilespmem:v59+s2+$0x0], $0xffff;
	_ =	sdelay $0x1  }
0x13c: {  	v7 =	vld.idx.msk [tilespmem:v60+s2+$0x0], $0xffff;
	_ =	sdelay $0x2  }
0x13d: {  	v6 =	vmul.f32 v6, v0;
	v8 =	vmul.f32 v61, v2;
	_ =	sdelay $0x1  }
0x13e: {  	v1 =	vadd.s32 $0xC380, v1;
	v7 =	vmul.f32 v7, v4;
	v6 =	vadd.f32 v8, v6  }
0x13f: {  	v3 =	vadd.s32 $0xC380, v3  }
0x140: {  	v6 =	vadd.f32 v7, v6  }
0x141: {  	v5 =	vadd.s32 $0xC380, v5  }
0x142: {  	[tilespmem:s26+$0x12B00] =	vst v6  }
0x143: {  	v1 =	vld.idx.msk [tilespmem:v1+s2+$0x0], $0xffff  }
0x144: {  	v3 =	vld.idx.msk [tilespmem:v3+s2+$0x0], $0xffff;
	_ =	sdelay $0x1  }
0x145: {  	v5 =	vld.idx.msk [tilespmem:v5+s2+$0x0], $0xffff;
	_ =	sdelay $0x2  }
0x146: {  	v0 =	vmul.f32 v1, v0;
	v62 =	vmul.f32 v3, v2  }
0x147: {  	p0 =	sne.s32 s25, $0xF0  }
.Ltmp0:
0x148: {  	v63 =	vmul.f32 v5, v4;
	v0 =	vadd.f32 v62, v0;
	(pc) =	sbr.rel @p0 .LBB2_3-.Ltmp0, $3  }
0x149: {  	_ = 	snop  }
0x14a: {  	v0 =	vadd.f32 v63, v0;
	_ =	sdelay $0x1  }
0x14b: {  	s24 =	sadd.s32 $0x80, s24;
	s25 =	sadd.s32 $0x10, s25;
	[tilespmem:s26+$0x12B80] =	vst v0  }
0x14c: {  	s23 =	sadd.s32 s23, s7  }
0x14d: {  	[hbm4b:s23+s14] =	stream.strided.scatter [tilespmem:s16], [sflag:$0x3], $0x2000, s15, s14, $0x38;
	[tilespmem:$0x15000] =	vst v63  }
0x14e: {  	s22 =	sadd.s32 $0x200, s22;
	_ =	swait.ge [sflag:s11], $0x2000  }
0x14f: {  	s22 =	sand.u32 $0x1E00, s22;
	[sflag:s11] =	ssyncset.done $0x0  }
0x150: {  	s31 =	sadd.s32 s22, s6;
	s22 =	simm.s32 $0x0;
	[sflag:s11] =	ssyncadd.s32 $0xFFFFE000  }
0x151: {  	[tilespmem:s10], [sflag:$0x1] =	stream.linear.gather [hbm4b:s31+s22], $0x800, $0x38;
	[tilespmem:$0x15000] =	vst v63  }
0x152: {  	_ =	swait.ge [sflag:s17], $0x800  }
0x153: {  	[sflag:s17] =	ssyncset.done $0x0  }
0x154: {  	s23 =	simm.s32 $0x0;
	[sflag:s17] =	ssyncadd.s32 $0xFFFFF800  }
.LBB2_5:
0x155: {  	s25 =	sand.u32 $0xFFFFFC00, s22;
	s24 =	sand.u32 $0x70, s23;
	s26 =	sand.u32 $0x400, s22  }
0x156: {  	s24 =	sor.u32 s24, s26;
	s25 =	sadd.s32 s25, s23  }
0x157: {  	v0 =	vld [tilespmem:s24+$0x10800];
	s30 =	sor.u32 $0x80, s25  }
0x158: {  	v1 =	vld [tilespmem:s30+$0x10800]  }
0x159: {  	v2 =	vld [tilespmem:s24+$0x10900];
	_ =	sdelay $0x2  }
0x15a: {  	v0 =	vtrunc.f32 v0  }
0x15b: {  	v0 =	vcvt.f32.s32 v0;
	v1 =	vtrunc.f32 v1  }
0x15c: {  	v40 =	vtrunc.f32 v2;
	v3 =	vcvt.f32.s32 v1  }
0x15d: {  	v2 =	vcvt.f32.s32 v40;
	v41 =	vshll.u32 v0, $0x3  }
0x15e: {  	v0 =	vand.u32 $0x7F, v0;
	v1 =	vand.u32 $0xFFFFFC00, v41;
	v4 =	vshll.u32 v3, $0x3  }
0x15f: {  	v42 =	vand.u32 $0x7F, v3;
	v1 =	vor.u32 v0, v1;
	v43 =	vand.u32 $0xFFFFFC00, v4  }
0x160: {  	v44 =	vshll.u32 v2, $0x3;
	v3 =	vor.u32 v42, v43  }
0x161: {  	s28 =	sor.u32 $0x180, s25;
	v2 =	vand.u32 $0x7F, v2;
	v45 =	vand.u32 $0xFFFFFC00, v44  }
0x162: {  	v0 =	vld [tilespmem:s28+$0x10800];
	v5 =	vor.u32 v2, v45  }
0x163: {  	v2 =	vld [tilespmem:s24+$0x10A00]  }
0x164: {  	v6 =	vld.idx.msk [tilespmem:v1+s2+$0x0], $0xffff  }
0x165: {  	s25 =	sor.u32 $0x280, s25;
	v7 =	vld.idx.msk [tilespmem:v3+s2+$0x0], $0xffff  }
0x166: {  	v4 =	vld [tilespmem:s25+$0x10800]  }
0x167: {  	v8 =	vld.idx.msk [tilespmem:v5+s2+$0x0], $0xffff;
	_ =	sdelay $0x2  }
0x168: {  	v6 =	vmul.f32 v6, v0;
	v7 =	vmul.f32 v7, v2;
	_ =	sdelay $0x1  }
0x169: {  	v47 =	vor.u32 $0x80, v1;
	v46 =	vmul.f32 v8, v4;
	v6 =	vadd.f32 v7, v6  }
0x16a: {  	v9 =	vor.u32 $0x80, v3  }
0x16b: {  	v6 =	vadd.f32 v46, v6  }
0x16c: {  	v48 =	vor.u32 $0x80, v5  }
0x16d: {  	[tilespmem:s24+$0x13000] =	vst v6  }
0x16e: {  	v6 =	vld.idx.msk [tilespmem:v47+s2+$0x0], $0xffff  }
0x16f: {  	v49 =	vld.idx.msk [tilespmem:v9+s2+$0x0], $0xffff;
	_ =	sdelay $0x1  }
0x170: {  	v7 =	vld.idx.msk [tilespmem:v48+s2+$0x0], $0xffff;
	_ =	sdelay $0x2  }
0x171: {  	v6 =	vmul.f32 v6, v0;
	v8 =	vmul.f32 v49, v2;
	_ =	sdelay $0x1  }
0x172: {  	v50 =	vor.u32 $0x100, v1;
	v7 =	vmul.f32 v7, v4;
	v6 =	vadd.f32 v8, v6  }
0x173: {  	v51 =	vor.u32 $0x100, v3  }
0x174: {  	v6 =	vadd.f32 v7, v6  }
0x175: {  	v52 =	vor.u32 $0x100, v5  }
0x176: {  	[tilespmem:s30+$0x13000] =	vst v6  }
0x177: {  	v6 =	vld.idx.msk [tilespmem:v50+s2+$0x0], $0xffff  }
0x178: {  	v53 =	vld.idx.msk [tilespmem:v51+s2+$0x0], $0xffff;
	_ =	sdelay $0x1  }
0x179: {  	v7 =	vld.idx.msk [tilespmem:v52+s2+$0x0], $0xffff;
	_ =	sdelay $0x2  }
0x17a: {  	v6 =	vmul.f32 v6, v0;
	v8 =	vmul.f32 v53, v2;
	_ =	sdelay $0x1  }
0x17b: {  	v54 =	vor.u32 $0x180, v1;
	v7 =	vmul.f32 v7, v4;
	v6 =	vadd.f32 v8, v6  }
0x17c: {  	v55 =	vor.u32 $0x180, v3  }
0x17d: {  	v6 =	vadd.f32 v7, v6  }
0x17e: {  	v56 =	vor.u32 $0x180, v5  }
0x17f: {  	[tilespmem:s24+$0x13100] =	vst v6  }
0x180: {  	v6 =	vld.idx.msk [tilespmem:v54+s2+$0x0], $0xffff  }
0x181: {  	v57 =	vld.idx.msk [tilespmem:v55+s2+$0x0], $0xffff;
	_ =	sdelay $0x1  }
0x182: {  	v7 =	vld.idx.msk [tilespmem:v56+s2+$0x0], $0xffff;
	_ =	sdelay $0x2  }
0x183: {  	v6 =	vmul.f32 v6, v0;
	v8 =	vmul.f32 v57, v2;
	_ =	sdelay $0x1  }
0x184: {  	v58 =	vor.u32 $0x200, v1;
	v7 =	vmul.f32 v7, v4;
	v6 =	vadd.f32 v8, v6  }
0x185: {  	v59 =	vor.u32 $0x200, v3  }
0x186: {  	v6 =	vadd.f32 v7, v6  }
0x187: {  	v60 =	vor.u32 $0x200, v5  }
0x188: {  	[tilespmem:s28+$0x13000] =	vst v6  }
0x189: {  	v6 =	vld.idx.msk [tilespmem:v58+s2+$0x0], $0xffff  }
0x18a: {  	v61 =	vld.idx.msk [tilespmem:v59+s2+$0x0], $0xffff;
	_ =	sdelay $0x1  }
0x18b: {  	v7 =	vld.idx.msk [tilespmem:v60+s2+$0x0], $0xffff;
	_ =	sdelay $0x2  }
0x18c: {  	v6 =	vmul.f32 v6, v0;
	v8 =	vmul.f32 v61, v2;
	_ =	sdelay $0x1  }
0x18d: {  	v62 =	vor.u32 $0x280, v1;
	v7 =	vmul.f32 v7, v4;
	v6 =	vadd.f32 v8, v6  }
0x18e: {  	v63 =	vor.u32 $0x280, v3  }
0x18f: {  	v6 =	vadd.f32 v7, v6  }
0x190: {  	v12 =	vor.u32 $0x280, v5  }
0x191: {  	[tilespmem:s24+$0x13200] =	vst v6  }
0x192: {  	v6 =	vld.idx.msk [tilespmem:v62+s2+$0x0], $0xffff  }
0x193: {  	v13 =	vld.idx.msk [tilespmem:v63+s2+$0x0], $0xffff;
	_ =	sdelay $0x1  }
0x194: {  	v7 =	vld.idx.msk [tilespmem:v12+s2+$0x0], $0xffff;
	_ =	sdelay $0x2  }
0x195: {  	v6 =	vmul.f32 v6, v0;
	v8 =	vmul.f32 v13, v2;
	_ =	sdelay $0x1  }
0x196: {  	v14 =	vor.u32 $0x300, v1;
	v7 =	vmul.f32 v7, v4;
	v6 =	vadd.f32 v8, v6  }
0x197: {  	v15 =	vor.u32 $0x300, v3  }
0x198: {  	v6 =	vadd.f32 v7, v6  }
0x199: {  	v16 =	vor.u32 $0x300, v5  }
0x19a: {  	[tilespmem:s25+$0x13000] =	vst v6  }
0x19b: {  	v6 =	vld.idx.msk [tilespmem:v14+s2+$0x0], $0xffff  }
0x19c: {  	v17 =	vld.idx.msk [tilespmem:v15+s2+$0x0], $0xffff;
	_ =	sdelay $0x1  }
0x19d: {  	v7 =	vld.idx.msk [tilespmem:v16+s2+$0x0], $0xffff;
	_ =	sdelay $0x2  }
0x19e: {  	v6 =	vmul.f32 v6, v0;
	v8 =	vmul.f32 v17, v2;
	_ =	sdelay $0x1  }
0x19f: {  	v18 =	vor.u32 $0x380, v1;
	v7 =	vmul.f32 v7, v4;
	v6 =	vadd.f32 v8, v6  }
0x1a0: {  	v19 =	vor.u32 $0x380, v3  }
0x1a1: {  	v6 =	vadd.f32 v7, v6  }
0x1a2: {  	v20 =	vor.u32 $0x380, v5  }
0x1a3: {  	[tilespmem:s24+$0x13300] =	vst v6  }
0x1a4: {  	v6 =	vld.idx.msk [tilespmem:v18+s2+$0x0], $0xffff  }
0x1a5: {  	v21 =	vld.idx.msk [tilespmem:v19+s2+$0x0], $0xffff;
	_ =	sdelay $0x1  }
0x1a6: {  	v7 =	vld.idx.msk [tilespmem:v20+s2+$0x0], $0xffff;
	_ =	sdelay $0x2  }
0x1a7: {  	v6 =	vmul.f32 v6, v0;
	v8 =	vmul.f32 v21, v2;
	_ =	sdelay $0x1  }
0x1a8: {  	v22 =	vadd.s32 $0x4000, v1;
	v7 =	vmul.f32 v7, v4;
	v6 =	vadd.f32 v8, v6  }
0x1a9: {  	v23 =	vadd.s32 $0x4000, v3  }
0x1aa: {  	s31 =	sor.u32 s22, s23;
	v6 =	vadd.f32 v7, v6  }
0x1ab: {  	v24 =	vadd.s32 $0x4000, v5;
	s25 =	sor.u32 $0x380, s31  }
0x1ac: {  	[tilespmem:s25+$0x13000] =	vst v6  }
0x1ad: {  	v6 =	vld.idx.msk [tilespmem:v22+s2+$0x0], $0xffff  }
0x1ae: {  	v25 =	vld.idx.msk [tilespmem:v23+s2+$0x0], $0xffff;
	_ =	sdelay $0x1  }
0x1af: {  	v7 =	vld.idx.msk [tilespmem:v24+s2+$0x0], $0xffff;
	_ =	sdelay $0x2  }
0x1b0: {  	v6 =	vmul.f32 v6, v0;
	v8 =	vmul.f32 v25, v2;
	_ =	sdelay $0x1  }
0x1b1: {  	v26 =	vadd.s32 $0x4080, v1;
	v7 =	vmul.f32 v7, v4;
	v6 =	vadd.f32 v8, v6  }
0x1b2: {  	v27 =	vadd.s32 $0x4080, v3  }
0x1b3: {  	v6 =	vadd.f32 v7, v6  }
0x1b4: {  	v28 =	vadd.s32 $0x4080, v5  }
0x1b5: {  	[tilespmem:s24+$0x13800] =	vst v6  }
0x1b6: {  	v6 =	vld.idx.msk [tilespmem:v26+s2+$0x0], $0xffff  }
0x1b7: {  	v29 =	vld.idx.msk [tilespmem:v27+s2+$0x0], $0xffff;
	_ =	sdelay $0x1  }
0x1b8: {  	v7 =	vld.idx.msk [tilespmem:v28+s2+$0x0], $0xffff;
	_ =	sdelay $0x2  }
0x1b9: {  	v6 =	vmul.f32 v6, v0;
	v8 =	vmul.f32 v29, v2;
	_ =	sdelay $0x1  }
0x1ba: {  	v30 =	vadd.s32 $0x4100, v1;
	v7 =	vmul.f32 v7, v4;
	v6 =	vadd.f32 v8, v6  }
0x1bb: {  	v31 =	vadd.s32 $0x4100, v3  }
0x1bc: {  	v6 =	vadd.f32 v7, v6  }
0x1bd: {  	v32 =	vadd.s32 $0x4100, v5  }
0x1be: {  	[tilespmem:s24+$0x13880] =	vst v6  }
0x1bf: {  	v6 =	vld.idx.msk [tilespmem:v30+s2+$0x0], $0xffff  }
0x1c0: {  	v33 =	vld.idx.msk [tilespmem:v31+s2+$0x0], $0xffff;
	_ =	sdelay $0x1  }
0x1c1: {  	v7 =	vld.idx.msk [tilespmem:v32+s2+$0x0], $0xffff;
	_ =	sdelay $0x2  }
0x1c2: {  	v6 =	vmul.f32 v6, v0;
	v8 =	vmul.f32 v33, v2;
	_ =	sdelay $0x1  }
0x1c3: {  	v34 =	vadd.s32 $0x4180, v1;
	v7 =	vmul.f32 v7, v4;
	v6 =	vadd.f32 v8, v6  }
0x1c4: {  	v35 =	vadd.s32 $0x4180, v3  }
0x1c5: {  	v6 =	vadd.f32 v7, v6  }
0x1c6: {  	v36 =	vadd.s32 $0x4180, v5  }
0x1c7: {  	[tilespmem:s24+$0x13900] =	vst v6  }
0x1c8: {  	v6 =	vld.idx.msk [tilespmem:v34+s2+$0x0], $0xffff  }
0x1c9: {  	v37 =	vld.idx.msk [tilespmem:v35+s2+$0x0], $0xffff;
	_ =	sdelay $0x1  }
0x1ca: {  	v7 =	vld.idx.msk [tilespmem:v36+s2+$0x0], $0xffff;
	_ =	sdelay $0x2  }
0x1cb: {  	v6 =	vmul.f32 v6, v0;
	v8 =	vmul.f32 v37, v2;
	_ =	sdelay $0x1  }
0x1cc: {  	v38 =	vadd.s32 $0x4200, v1;
	v7 =	vmul.f32 v7, v4;
	v6 =	vadd.f32 v8, v6  }
0x1cd: {  	v39 =	vadd.s32 $0x4200, v3  }
0x1ce: {  	v6 =	vadd.f32 v7, v6  }
0x1cf: {  	v40 =	vadd.s32 $0x4200, v5  }
0x1d0: {  	[tilespmem:s24+$0x13980] =	vst v6  }
0x1d1: {  	v6 =	vld.idx.msk [tilespmem:v38+s2+$0x0], $0xffff  }
0x1d2: {  	v41 =	vld.idx.msk [tilespmem:v39+s2+$0x0], $0xffff;
	_ =	sdelay $0x1  }
0x1d3: {  	v7 =	vld.idx.msk [tilespmem:v40+s2+$0x0], $0xffff;
	_ =	sdelay $0x2  }
0x1d4: {  	v6 =	vmul.f32 v6, v0;
	v8 =	vmul.f32 v41, v2;
	_ =	sdelay $0x1  }
0x1d5: {  	v42 =	vadd.s32 $0x4280, v1;
	v7 =	vmul.f32 v7, v4;
	v6 =	vadd.f32 v8, v6  }
0x1d6: {  	v43 =	vadd.s32 $0x4280, v3  }
0x1d7: {  	v6 =	vadd.f32 v7, v6  }
0x1d8: {  	v44 =	vadd.s32 $0x4280, v5  }
0x1d9: {  	[tilespmem:s24+$0x13A00] =	vst v6  }
0x1da: {  	v6 =	vld.idx.msk [tilespmem:v42+s2+$0x0], $0xffff  }
0x1db: {  	v45 =	vld.idx.msk [tilespmem:v43+s2+$0x0], $0xffff;
	_ =	sdelay $0x1  }
0x1dc: {  	v7 =	vld.idx.msk [tilespmem:v44+s2+$0x0], $0xffff;
	_ =	sdelay $0x2  }
0x1dd: {  	v6 =	vmul.f32 v6, v0;
	v8 =	vmul.f32 v45, v2;
	_ =	sdelay $0x1  }
0x1de: {  	v46 =	vadd.s32 $0x4300, v1;
	v7 =	vmul.f32 v7, v4;
	v6 =	vadd.f32 v8, v6  }
0x1df: {  	v47 =	vadd.s32 $0x4300, v3  }
0x1e0: {  	v6 =	vadd.f32 v7, v6  }
0x1e1: {  	v48 =	vadd.s32 $0x4300, v5  }
0x1e2: {  	[tilespmem:s24+$0x13A80] =	vst v6  }
0x1e3: {  	v6 =	vld.idx.msk [tilespmem:v46+s2+$0x0], $0xffff  }
0x1e4: {  	v49 =	vld.idx.msk [tilespmem:v47+s2+$0x0], $0xffff;
	_ =	sdelay $0x1  }
0x1e5: {  	v7 =	vld.idx.msk [tilespmem:v48+s2+$0x0], $0xffff;
	_ =	sdelay $0x2  }
0x1e6: {  	v6 =	vmul.f32 v6, v0;
	v8 =	vmul.f32 v49, v2;
	_ =	sdelay $0x1  }
0x1e7: {  	v50 =	vadd.s32 $0x4380, v1;
	v7 =	vmul.f32 v7, v4;
	v6 =	vadd.f32 v8, v6  }
0x1e8: {  	v51 =	vadd.s32 $0x4380, v3  }
0x1e9: {  	v6 =	vadd.f32 v7, v6  }
0x1ea: {  	v52 =	vadd.s32 $0x4380, v5  }
0x1eb: {  	[tilespmem:s24+$0x13B00] =	vst v6  }
0x1ec: {  	v6 =	vld.idx.msk [tilespmem:v50+s2+$0x0], $0xffff  }
0x1ed: {  	v53 =	vld.idx.msk [tilespmem:v51+s2+$0x0], $0xffff;
	_ =	sdelay $0x1  }
0x1ee: {  	v7 =	vld.idx.msk [tilespmem:v52+s2+$0x0], $0xffff;
	_ =	sdelay $0x2  }
0x1ef: {  	v6 =	vmul.f32 v6, v0;
	v8 =	vmul.f32 v53, v2;
	_ =	sdelay $0x1  }
0x1f0: {  	v54 =	vadd.s32 $0x8000, v1;
	v7 =	vmul.f32 v7, v4;
	v6 =	vadd.f32 v8, v6  }
0x1f1: {  	v55 =	vadd.s32 $0x8000, v3  }
0x1f2: {  	v6 =	vadd.f32 v7, v6  }
0x1f3: {  	v56 =	vadd.s32 $0x8000, v5  }
0x1f4: {  	[tilespmem:s24+$0x13B80] =	vst v6  }
0x1f5: {  	v6 =	vld.idx.msk [tilespmem:v54+s2+$0x0], $0xffff  }
0x1f6: {  	v57 =	vld.idx.msk [tilespmem:v55+s2+$0x0], $0xffff;
	_ =	sdelay $0x1  }
0x1f7: {  	v7 =	vld.idx.msk [tilespmem:v56+s2+$0x0], $0xffff;
	_ =	sdelay $0x2  }
0x1f8: {  	v6 =	vmul.f32 v6, v0;
	v8 =	vmul.f32 v57, v2;
	_ =	sdelay $0x1  }
0x1f9: {  	v58 =	vadd.s32 $0x8080, v1;
	v7 =	vmul.f32 v7, v4;
	v6 =	vadd.f32 v8, v6  }
0x1fa: {  	v59 =	vadd.s32 $0x8080, v3  }
0x1fb: {  	v6 =	vadd.f32 v7, v6  }
0x1fc: {  	v60 =	vadd.s32 $0x8080, v5  }
0x1fd: {  	[tilespmem:s24+$0x14000] =	vst v6  }
0x1fe: {  	v6 =	vld.idx.msk [tilespmem:v58+s2+$0x0], $0xffff  }
0x1ff: {  	v61 =	vld.idx.msk [tilespmem:v59+s2+$0x0], $0xffff;
	_ =	sdelay $0x1  }
0x200: {  	v7 =	vld.idx.msk [tilespmem:v60+s2+$0x0], $0xffff;
	_ =	sdelay $0x2  }
0x201: {  	v6 =	vmul.f32 v6, v0;
	v8 =	vmul.f32 v61, v2;
	_ =	sdelay $0x1  }
0x202: {  	v62 =	vadd.s32 $0x8100, v1;
	v7 =	vmul.f32 v7, v4;
	v6 =	vadd.f32 v8, v6  }
0x203: {  	v63 =	vadd.s32 $0x8100, v3  }
0x204: {  	v6 =	vadd.f32 v7, v6  }
0x205: {  	v12 =	vadd.s32 $0x8100, v5  }
0x206: {  	[tilespmem:s24+$0x14080] =	vst v6  }
0x207: {  	v6 =	vld.idx.msk [tilespmem:v62+s2+$0x0], $0xffff  }
0x208: {  	v13 =	vld.idx.msk [tilespmem:v63+s2+$0x0], $0xffff;
	_ =	sdelay $0x1  }
0x209: {  	v7 =	vld.idx.msk [tilespmem:v12+s2+$0x0], $0xffff;
	_ =	sdelay $0x2  }
0x20a: {  	v6 =	vmul.f32 v6, v0;
	v8 =	vmul.f32 v13, v2;
	_ =	sdelay $0x1  }
0x20b: {  	v14 =	vadd.s32 $0x8180, v1;
	v7 =	vmul.f32 v7, v4;
	v6 =	vadd.f32 v8, v6  }
0x20c: {  	v15 =	vadd.s32 $0x8180, v3  }
0x20d: {  	v6 =	vadd.f32 v7, v6  }
0x20e: {  	v16 =	vadd.s32 $0x8180, v5  }
0x20f: {  	[tilespmem:s24+$0x14100] =	vst v6  }
0x210: {  	v6 =	vld.idx.msk [tilespmem:v14+s2+$0x0], $0xffff  }
0x211: {  	v17 =	vld.idx.msk [tilespmem:v15+s2+$0x0], $0xffff;
	_ =	sdelay $0x1  }
0x212: {  	v7 =	vld.idx.msk [tilespmem:v16+s2+$0x0], $0xffff;
	_ =	sdelay $0x2  }
0x213: {  	v6 =	vmul.f32 v6, v0;
	v8 =	vmul.f32 v17, v2;
	_ =	sdelay $0x1  }
0x214: {  	v18 =	vadd.s32 $0x8200, v1;
	v7 =	vmul.f32 v7, v4;
	v6 =	vadd.f32 v8, v6  }
0x215: {  	v19 =	vadd.s32 $0x8200, v3  }
0x216: {  	v6 =	vadd.f32 v7, v6  }
0x217: {  	v20 =	vadd.s32 $0x8200, v5  }
0x218: {  	[tilespmem:s24+$0x14180] =	vst v6  }
0x219: {  	v6 =	vld.idx.msk [tilespmem:v18+s2+$0x0], $0xffff  }
0x21a: {  	v21 =	vld.idx.msk [tilespmem:v19+s2+$0x0], $0xffff;
	_ =	sdelay $0x1  }
0x21b: {  	v7 =	vld.idx.msk [tilespmem:v20+s2+$0x0], $0xffff;
	_ =	sdelay $0x2  }
0x21c: {  	v6 =	vmul.f32 v6, v0;
	v8 =	vmul.f32 v21, v2;
	_ =	sdelay $0x1  }
0x21d: {  	v22 =	vadd.s32 $0x8280, v1;
	v7 =	vmul.f32 v7, v4;
	v6 =	vadd.f32 v8, v6  }
0x21e: {  	v23 =	vadd.s32 $0x8280, v3  }
0x21f: {  	v6 =	vadd.f32 v7, v6  }
0x220: {  	v24 =	vadd.s32 $0x8280, v5  }
0x221: {  	[tilespmem:s24+$0x14200] =	vst v6  }
0x222: {  	v6 =	vld.idx.msk [tilespmem:v22+s2+$0x0], $0xffff  }
0x223: {  	v25 =	vld.idx.msk [tilespmem:v23+s2+$0x0], $0xffff;
	_ =	sdelay $0x1  }
0x224: {  	v7 =	vld.idx.msk [tilespmem:v24+s2+$0x0], $0xffff;
	_ =	sdelay $0x2  }
0x225: {  	v6 =	vmul.f32 v6, v0;
	v8 =	vmul.f32 v25, v2;
	_ =	sdelay $0x1  }
0x226: {  	v26 =	vadd.s32 $0x8300, v1;
	v7 =	vmul.f32 v7, v4;
	v6 =	vadd.f32 v8, v6  }
0x227: {  	v27 =	vadd.s32 $0x8300, v3  }
0x228: {  	v6 =	vadd.f32 v7, v6  }
0x229: {  	v28 =	vadd.s32 $0x8300, v5  }
0x22a: {  	[tilespmem:s24+$0x14280] =	vst v6  }
0x22b: {  	v6 =	vld.idx.msk [tilespmem:v26+s2+$0x0], $0xffff  }
0x22c: {  	v29 =	vld.idx.msk [tilespmem:v27+s2+$0x0], $0xffff;
	_ =	sdelay $0x1  }
0x22d: {  	v7 =	vld.idx.msk [tilespmem:v28+s2+$0x0], $0xffff;
	_ =	sdelay $0x2  }
0x22e: {  	v6 =	vmul.f32 v6, v0;
	v8 =	vmul.f32 v29, v2;
	_ =	sdelay $0x1  }
0x22f: {  	v30 =	vadd.s32 $0x8380, v1;
	v7 =	vmul.f32 v7, v4;
	v6 =	vadd.f32 v8, v6  }
0x230: {  	v31 =	vadd.s32 $0x8380, v3  }
0x231: {  	v6 =	vadd.f32 v7, v6  }
0x232: {  	v32 =	vadd.s32 $0x8380, v5  }
0x233: {  	[tilespmem:s24+$0x14300] =	vst v6  }
0x234: {  	v6 =	vld.idx.msk [tilespmem:v30+s2+$0x0], $0xffff  }
0x235: {  	v33 =	vld.idx.msk [tilespmem:v31+s2+$0x0], $0xffff;
	_ =	sdelay $0x1  }
0x236: {  	v7 =	vld.idx.msk [tilespmem:v32+s2+$0x0], $0xffff;
	_ =	sdelay $0x2  }
0x237: {  	v6 =	vmul.f32 v6, v0;
	v8 =	vmul.f32 v33, v2;
	_ =	sdelay $0x1  }
0x238: {  	v34 =	vadd.s32 $0xC000, v1;
	v7 =	vmul.f32 v7, v4;
	v6 =	vadd.f32 v8, v6  }
0x239: {  	v35 =	vadd.s32 $0xC000, v3  }
0x23a: {  	v6 =	vadd.f32 v7, v6  }
0x23b: {  	v36 =	vadd.s32 $0xC000, v5  }
0x23c: {  	[tilespmem:s24+$0x14380] =	vst v6  }
0x23d: {  	v6 =	vld.idx.msk [tilespmem:v34+s2+$0x0], $0xffff  }
0x23e: {  	v37 =	vld.idx.msk [tilespmem:v35+s2+$0x0], $0xffff;
	_ =	sdelay $0x1  }
0x23f: {  	v7 =	vld.idx.msk [tilespmem:v36+s2+$0x0], $0xffff;
	_ =	sdelay $0x2  }
0x240: {  	v6 =	vmul.f32 v6, v0;
	v8 =	vmul.f32 v37, v2;
	_ =	sdelay $0x1  }
0x241: {  	v38 =	vadd.s32 $0xC080, v1;
	v7 =	vmul.f32 v7, v4;
	v6 =	vadd.f32 v8, v6  }
0x242: {  	v39 =	vadd.s32 $0xC080, v3  }
0x243: {  	v6 =	vadd.f32 v7, v6  }
0x244: {  	v40 =	vadd.s32 $0xC080, v5  }
0x245: {  	[tilespmem:s24+$0x14800] =	vst v6  }
0x246: {  	v6 =	vld.idx.msk [tilespmem:v38+s2+$0x0], $0xffff  }
0x247: {  	v41 =	vld.idx.msk [tilespmem:v39+s2+$0x0], $0xffff;
	_ =	sdelay $0x1  }
0x248: {  	v7 =	vld.idx.msk [tilespmem:v40+s2+$0x0], $0xffff;
	_ =	sdelay $0x2  }
0x249: {  	v6 =	vmul.f32 v6, v0;
	v8 =	vmul.f32 v41, v2;
	_ =	sdelay $0x1  }
0x24a: {  	v42 =	vadd.s32 $0xC100, v1;
	v7 =	vmul.f32 v7, v4;
	v6 =	vadd.f32 v8, v6  }
0x24b: {  	v43 =	vadd.s32 $0xC100, v3  }
0x24c: {  	v6 =	vadd.f32 v7, v6  }
0x24d: {  	v44 =	vadd.s32 $0xC100, v5  }
0x24e: {  	[tilespmem:s24+$0x14880] =	vst v6  }
0x24f: {  	v6 =	vld.idx.msk [tilespmem:v42+s2+$0x0], $0xffff  }
0x250: {  	v45 =	vld.idx.msk [tilespmem:v43+s2+$0x0], $0xffff;
	_ =	sdelay $0x1  }
0x251: {  	v7 =	vld.idx.msk [tilespmem:v44+s2+$0x0], $0xffff;
	_ =	sdelay $0x2  }
0x252: {  	v6 =	vmul.f32 v6, v0;
	v8 =	vmul.f32 v45, v2;
	_ =	sdelay $0x1  }
0x253: {  	v46 =	vadd.s32 $0xC180, v1;
	v7 =	vmul.f32 v7, v4;
	v6 =	vadd.f32 v8, v6  }
0x254: {  	v47 =	vadd.s32 $0xC180, v3  }
0x255: {  	v6 =	vadd.f32 v7, v6  }
0x256: {  	v48 =	vadd.s32 $0xC180, v5  }
0x257: {  	[tilespmem:s24+$0x14900] =	vst v6  }
0x258: {  	v6 =	vld.idx.msk [tilespmem:v46+s2+$0x0], $0xffff  }
0x259: {  	v49 =	vld.idx.msk [tilespmem:v47+s2+$0x0], $0xffff;
	_ =	sdelay $0x1  }
0x25a: {  	v7 =	vld.idx.msk [tilespmem:v48+s2+$0x0], $0xffff;
	_ =	sdelay $0x2  }
0x25b: {  	v6 =	vmul.f32 v6, v0;
	v8 =	vmul.f32 v49, v2;
	_ =	sdelay $0x1  }
0x25c: {  	v50 =	vadd.s32 $0xC200, v1;
	v7 =	vmul.f32 v7, v4;
	v6 =	vadd.f32 v8, v6  }
0x25d: {  	v51 =	vadd.s32 $0xC200, v3  }
0x25e: {  	v6 =	vadd.f32 v7, v6  }
0x25f: {  	v52 =	vadd.s32 $0xC200, v5  }
0x260: {  	[tilespmem:s24+$0x14980] =	vst v6  }
0x261: {  	v6 =	vld.idx.msk [tilespmem:v50+s2+$0x0], $0xffff  }
0x262: {  	v53 =	vld.idx.msk [tilespmem:v51+s2+$0x0], $0xffff;
	_ =	sdelay $0x1  }
0x263: {  	v7 =	vld.idx.msk [tilespmem:v52+s2+$0x0], $0xffff;
	_ =	sdelay $0x2  }
0x264: {  	v6 =	vmul.f32 v6, v0;
	v8 =	vmul.f32 v53, v2;
	_ =	sdelay $0x1  }
0x265: {  	v54 =	vadd.s32 $0xC280, v1;
	v7 =	vmul.f32 v7, v4;
	v6 =	vadd.f32 v8, v6  }
0x266: {  	v55 =	vadd.s32 $0xC280, v3  }
0x267: {  	v6 =	vadd.f32 v7, v6  }
0x268: {  	v56 =	vadd.s32 $0xC280, v5  }
0x269: {  	[tilespmem:s24+$0x14A00] =	vst v6  }
0x26a: {  	v6 =	vld.idx.msk [tilespmem:v54+s2+$0x0], $0xffff  }
0x26b: {  	v57 =	vld.idx.msk [tilespmem:v55+s2+$0x0], $0xffff;
	_ =	sdelay $0x1  }
0x26c: {  	v7 =	vld.idx.msk [tilespmem:v56+s2+$0x0], $0xffff;
	_ =	sdelay $0x2  }
0x26d: {  	v6 =	vmul.f32 v6, v0;
	v8 =	vmul.f32 v57, v2;
	_ =	sdelay $0x1  }
0x26e: {  	v58 =	vadd.s32 $0xC300, v1;
	v7 =	vmul.f32 v7, v4;
	v6 =	vadd.f32 v8, v6  }
0x26f: {  	v59 =	vadd.s32 $0xC300, v3  }
0x270: {  	v6 =	vadd.f32 v7, v6  }
0x271: {  	v60 =	vadd.s32 $0xC300, v5  }
0x272: {  	[tilespmem:s24+$0x14A80] =	vst v6  }
0x273: {  	v6 =	vld.idx.msk [tilespmem:v58+s2+$0x0], $0xffff  }
0x274: {  	v61 =	vld.idx.msk [tilespmem:v59+s2+$0x0], $0xffff;
	_ =	sdelay $0x1  }
0x275: {  	v7 =	vld.idx.msk [tilespmem:v60+s2+$0x0], $0xffff;
	_ =	sdelay $0x2  }
0x276: {  	v6 =	vmul.f32 v6, v0;
	v8 =	vmul.f32 v61, v2;
	_ =	sdelay $0x1  }
0x277: {  	v1 =	vadd.s32 $0xC380, v1;
	v7 =	vmul.f32 v7, v4;
	v6 =	vadd.f32 v8, v6  }
0x278: {  	v3 =	vadd.s32 $0xC380, v3  }
0x279: {  	v6 =	vadd.f32 v7, v6  }
0x27a: {  	v5 =	vadd.s32 $0xC380, v5  }
0x27b: {  	[tilespmem:s24+$0x14B00] =	vst v6  }
0x27c: {  	v1 =	vld.idx.msk [tilespmem:v1+s2+$0x0], $0xffff  }
0x27d: {  	v3 =	vld.idx.msk [tilespmem:v3+s2+$0x0], $0xffff;
	_ =	sdelay $0x1  }
0x27e: {  	v5 =	vld.idx.msk [tilespmem:v5+s2+$0x0], $0xffff;
	_ =	sdelay $0x2  }
0x27f: {  	v0 =	vmul.f32 v1, v0;
	v62 =	vmul.f32 v3, v2  }
0x280: {  	p0 =	sne.s32 s23, $0xF0  }
.Ltmp1:
0x281: {  	v63 =	vmul.f32 v5, v4;
	v0 =	vadd.f32 v62, v0;
	(pc) =	sbr.rel @p0 .LBB2_5-.Ltmp1, $3  }
0x282: {  	_ = 	snop  }
0x283: {  	v0 =	vadd.f32 v63, v0;
	_ =	sdelay $0x1  }
0x284: {  	s22 =	sadd.s32 $0x80, s22;
	s23 =	sadd.s32 $0x10, s23;
	[tilespmem:s24+$0x14B80] =	vst v0  }
0x285: {  	s20 =	sadd.s32 $0x1, s20  }
0x286: {  	p0 =	sne.s32 s20, $0x10  }
.Ltmp2:
0x287: {  	s21 =	sadd.s32 s21, s7;
	(pc) =	sbr.rel @p0 .LBB2_2-.Ltmp2, $4  }
0x288: {  	[hbm4b:s21+s14] =	stream.strided.scatter [tilespmem:s18], [sflag:$0x3], $0x2000, s15, s14, $0x38;
	[tilespmem:$0x15000] =	vst v63  }
0x289: {  	_ =	swait.ge [sflag:s11], $0x2000  }
0x28a: {  	[sflag:s11] =	ssyncset.done $0x0  }
0x28b: {  	[sflag:s11] =	ssyncadd.s32 $0xFFFFE000  }
0x28c: {  	s19 =	sadd.s32 $0x1, s19  }
0x28d: {  	p0 =	sne.s32 s19, s8  }
.Ltmp3:
0x28e: {  	_ = 	snop;
	(pc) =	sbr.rel @p0 .LBB2_1-.Ltmp3, $4  }
0x28f: {  	_ = 	snop  }
0x290: {  	_ =	swait.ge [sflag:s13], $0x800  }
0x291: {  	[sflag:s13] =	ssyncset.done $0x0  }
0x292: {  	[sflag:s13] =	ssyncadd.s32 $0xFFFFF800  }
0x293: {  	_ =	sfence.sel $0x180000  }
0x294: {  	[bflag:$0x0] =	sbarrier.arrive $0xFFFF  }
0x295: {  	p0 =	sne.s32 s1, $0x0;
	_ =	strace $0x90000047  }
0x296: {  	s0 =	sadd.s32 @!p0 $0x100000, s0;
	[bflag:$0x2] =	sbarrier.arrive $0xFFFF  }
0x297: {  	[sflag:s0] =	ssyncadd.tile.s32 @!p0 $0x1;
	_ =	shalt  }
.Lfunc_end2:
_tile_overlayer_lowered:
.L_overlay_start_2:
0x298: {  	(tag) =	ssettag $0x2  }
0x299: {  	s0 =	rddreg [dreg:$0x0];
	s2 =	stileid.u32  }
0x29a: {  	s1 =	rddreg [dreg:$0x1];
	p0 =	sne.s32 s2, $0x0  }
0x29b: {  	s3 =	rddreg [dreg:$0x2];
	[bflag:$0x3] =	sbarrier.arrive $0xFFFF;
	s2 =	simm.s32 @!p0 $0x1C03  }
0x29c: {  	[timem:s3], [sflag:s2] =	dma.local @!p0 [hbm:s0], s1  }
0x29d: {  	s0 =	simm.s32 @!p0 $0x3  }
0x29e: {  	_ =	swait.ge @!p0 [sflag:s0], s1  }
0x29f: {  	s1 =	ssub.s32 @!p0 $0x0, s1;
	[sflag:s0] =	ssyncset.done @!p0 $0x0  }
0x2a0: {  	[sflag:s0] =	ssyncadd.s32 @!p0 s1  }
0x2a1: {  	[bflag:$0x3] =	sbarrier.arrive $0xFFFF  }
0x2a2: {  	_ =	shalt  }

</sc_bundles>
